<compile_context>
chip_gen: v7x
topology: tpu7x:2x2x1
jax: 0.10.2.dev20260603
libtpu: 0.0.44.dev20260713+nightly
codegen_flags: <defaults>
</compile_context>

<pallas_src>
import jax
import jax.numpy as jnp
from jax import lax
from jax.experimental import pallas as pl
from jax.experimental.pallas import tpu as pltpu
from jax.experimental.pallas import tpu_sc as plsc

ARITY = 8
GROUPS = 100
OUT_DIM = 16
BATCH = 4096
TABLE = 2 ** ARITY

NUM_CORES = 2
NUM_SUBCORES = 16
NUM_WORKERS = NUM_CORES * NUM_SUBCORES

CHUNK = 512
CHUNKS = BATCH // CHUNK
ITEMS = GROUPS * CHUNKS
ITEMS_PER_WORKER = ITEMS // NUM_WORKERS
LANES = 16
STEPS = CHUNK // LANES

_COMPARATORS = (
    (0, 1), (2, 3), (4, 5), (6, 7),
    (0, 2), (1, 3), (4, 6), (5, 7),
    (1, 2), (5, 6),
    (0, 4), (1, 5), (2, 6), (3, 7),
    (2, 4), (3, 5),
    (1, 2), (3, 4), (5, 6),
)


def _sc_body(x_hbm, p_hbm, out_hbm, xbuf, table, outbuf, xsem, bsem, osem):
    wid = lax.axis_index("s") * NUM_CORES + lax.axis_index("c")

    def issue_in(idx, slot):
        g = idx // CHUNKS
        b0 = (idx - g * CHUNKS) * CHUNK
        pltpu.async_copy(p_hbm.at[g], table.at[slot], bsem.at[slot])
        pltpu.async_copy(x_hbm.at[g, :, pl.ds(b0, CHUNK)], xbuf.at[slot],
                         xsem.at[slot])

    issue_in(wid * ITEMS_PER_WORKER, 0)

    def item_body(it, carry):
        i = wid * ITEMS_PER_WORKER + it
        g = i // CHUNKS
        b0 = (i - g * CHUNKS) * CHUNK
        slot = jnp.bitwise_and(it, 1)

        @pl.when(it + 1 < ITEMS_PER_WORKER)
        def _():
            issue_in(i + 1, 1 - slot)

        pltpu.make_async_copy(p_hbm.at[g], table.at[slot],
                              bsem.at[slot]).wait()
        pltpu.make_async_copy(x_hbm.at[g, :, pl.ds(b0, CHUNK)],
                              xbuf.at[slot], xsem.at[slot]).wait()

        @pl.when(it >= 2)
        def _():
            pltpu.make_async_copy(outbuf.at[slot],
                                  out_hbm.at[g, :, pl.ds(b0, CHUNK)],
                                  osem.at[slot]).wait()

        def step_body(t, carry2):
            col = t * LANES
            xj = [xbuf[slot, j, pl.ds(col, LANES)] for j in range(ARITY)]
            v = []
            for j in range(ARITY):
                b = lax.bitcast_convert_type(xj[j], jnp.int32)
                b = jnp.bitwise_or(jnp.bitwise_and(b, ~7), j) if j else \
                    jnp.bitwise_and(b, ~7)
                v.append(lax.bitcast_convert_type(b, jnp.float32))
            for (a, b) in _COMPARATORS:
                lo = jnp.minimum(v[a], v[b])
                hi = jnp.maximum(v[a], v[b])
                v[a], v[b] = lo, hi
            coef = [v[0]] + [v[k] - v[k - 1] for k in range(1, ARITY)]
            one = jnp.full((LANES,), 1, jnp.int32)
            w = [None] * ARITY
            for k in range(1, ARITY):
                jk = jnp.bitwise_and(
                    lax.bitcast_convert_type(v[k], jnp.int32), 7)
                w[k] = jnp.left_shift(one, jk)
            masks = [None] * ARITY
            masks[ARITY - 1] = w[ARITY - 1]
            for k in range(ARITY - 2, 0, -1):
                masks[k] = masks[k + 1] + w[k]
            acc = [coef[0] for _ in range(OUT_DIM)]
            zero = jnp.zeros((LANES,), jnp.float32)
            for k in range(1, ARITY):
                bits = plsc.load_gather(table.at[slot], [masks[k]])
                for d in range(OUT_DIM):
                    hit = (bits & (1 << d)) != 0
                    acc[d] = acc[d] + jnp.where(hit, coef[k], zero)
            for d in range(OUT_DIM):
                outbuf[slot, d, pl.ds(col, LANES)] = acc[d]
            return carry2

        lax.fori_loop(0, STEPS, step_body, 0, unroll=2)
        pltpu.async_copy(outbuf.at[slot], out_hbm.at[g, :, pl.ds(b0, CHUNK)],
                         osem.at[slot])
        return carry

    lax.fori_loop(0, ITEMS_PER_WORKER, item_body, 0)
    last = wid * ITEMS_PER_WORKER + ITEMS_PER_WORKER - 1
    gl = last // CHUNKS
    bl = (last - gl * CHUNKS) * CHUNK
    for s in range(2):
        pltpu.make_async_copy(outbuf.at[s],
                              out_hbm.at[gl, :, pl.ds(bl, CHUNK)],
                              osem.at[s]).wait()


@jax.jit
def kernel(X, params):
    x_t = X.reshape(BATCH, GROUPS, ARITY).transpose(1, 2, 0)
    pow2 = (2.0 ** jnp.arange(OUT_DIM, dtype=jnp.float32))
    p_t = (params @ pow2).astype(jnp.int32)
    run = pl.kernel(
        _sc_body,
        out_type=jax.ShapeDtypeStruct((GROUPS, OUT_DIM, BATCH), jnp.float32),
        mesh=plsc.VectorSubcoreMesh(core_axis_name="c", subcore_axis_name="s",
                                    num_cores=NUM_CORES,
                                    num_subcores=NUM_SUBCORES),
        scratch_types=[
            pltpu.VMEM((2, ARITY, CHUNK), jnp.float32),
            pltpu.VMEM((2, TABLE), jnp.int32),
            pltpu.VMEM((2, OUT_DIM, CHUNK), jnp.float32),
            pltpu.SemaphoreType.DMA((2,)),
            pltpu.SemaphoreType.DMA((2,)),
            pltpu.SemaphoreType.DMA((2,)),
        ],
        compiler_params=pltpu.CompilerParams(use_tc_tiling_on_sc=False,
                                             needs_layout_passes=False),
    )
    out_t = run(x_t, p_t)
    return out_t.transpose(2, 0, 1).reshape(BATCH, GROUPS * OUT_DIM)

# --- scband reference (transcript-rebuilt; emitter-appended) ---
"""Pipeline reference for scband-monotone-activation-19524921328060 (READ-ONLY COPY).

The authoritative reference and input builder live on the scoring server;
editing this copy changes nothing except your own understanding.
"""

import jax, jax.numpy as jnp
import numpy as np

ARITY = 8
GROUPS = 100
OUT_DIM = 16
BATCH = 4096


def setup_inputs(seed: int = 0) -> dict:
    key = jax.random.key(seed)
    k1, k2 = jax.random.split(key)
    X = jax.random.normal(k1, (BATCH, GROUPS * ARITY), dtype=jnp.float32)
    params = jax.random.randint(k2, (GROUPS, 2 ** ARITY, OUT_DIM), 0, 2).astype(jnp.float32)
    # mimic project() + round(): binary params with the all-ones corner fixed to 1.0
    params = params.at[:, 2 ** ARITY - 1, :].set(1.0)
    return {"X": X, "params": params}


def high_order_act(A, params):
    # A: [B, G, arity], params: [G, 2**arity, out_dim]
    A_sort = jnp.sort(A, axis=2)
    A_ind = jnp.argsort(A, axis=2)
    A_diff = A_sort[:, :, 1:] - A_sort[:, :, :-1]
    coef = jnp.concatenate([A_sort[:, :, 0:1], A_diff], axis=2)  # [B, G, arity]
    pow2 = 2 ** A_ind
    params_A_ind = jnp.flip(jnp.cumsum(jnp.flip(pow2, axis=2), axis=2), axis=2)  # [B, G, arity]
    ind0 = jnp.arange(params.shape[0])[:, None, None]  # [G, 1, 1]
    ind1 = jnp.transpose(params_A_ind, (1, 0, 2))  # [G, B, arity]
    params_gather = params[ind0, ind1, :]  # [G, B, arity, out_dim]
    out = jnp.einsum('jikl,ijk->ijl', params_gather, coef)  # [B, G, out_dim]
    return out


def reference(X, params):
    assert X.ndim == 2
    assert X.shape[1] == GROUPS * ARITY
    X1 = X.reshape(X.shape[0], GROUPS, ARITY)
    out1 = high_order_act(X1, params)
    return out1.reshape(X.shape[0], GROUPS * OUT_DIM)

if __name__ == "__main__":
    import jax
    _d = setup_inputs()
    print(jax.jit(kernel)(*tuple(_d.values())))

</pallas_src>

<mosaic_0001>
#map = affine_map<(d0, d1) -> (0, 0, 0)>
#map1 = affine_map<(d0, d1) -> (0, 0)>
module attributes {stable_mosaic.version = 14 : i64} {
  func.func @_sc_body(%arg0: i32, %arg1: i32, %arg2: memref<100x8x4096xf32, #tpu.memory_space<hbm>>, %arg3: memref<100x256xi32, #tpu.memory_space<hbm>>, %arg4: memref<100x16x4096xf32, #tpu.memory_space<hbm>>, %arg5: memref<2x8x512xf32, #tpu.memory_space<vmem>>, %arg6: memref<2x256xi32, #tpu.memory_space<vmem>>, %arg7: memref<2x16x512xf32, #tpu.memory_space<vmem>>, %arg8: memref<2x!tpu.dma_semaphore, #tpu.memory_space<semaphore_mem>>, %arg9: memref<2x!tpu.dma_semaphore, #tpu.memory_space<semaphore_mem>>, %arg10: memref<2x!tpu.dma_semaphore, #tpu.memory_space<semaphore_mem>>) attributes {dimension_semantics = [#tpu.dimension_semantics<core_parallel>, #tpu.dimension_semantics<subcore_parallel>], iteration_bounds = array<i64: 2, 16>, scalar_prefetch = 0 : i64, scratch_operands = 6 : i64, tpu.core_type = #tpu.core_type<sc_vector_subcore>, window_params = [{transform_indices = #map}, {transform_indices = #map1}, {transform_indices = #map}]} {
    %mul3A = arith.constant 2 : i32
    %mul3A_0 = arith.muli %arg1, %mul3A : i32
    %add3A = arith.addi %mul3A_0, %arg0 : i32
    %mul3A_1 = arith.constant 25 : i32
    %mul3A_2 = arith.muli %add3A, %mul3A_1 : i32
    %jit3A = arith.constant 8 : i32
    %div3A = arith.divsi %mul3A_2, %jit3A : i32
    %sign3A = arith.constant 0 : i32
    %sign3A_3 = arith.cmpi sgt, %mul3A_2, %sign3A : i32
    %sign3A_4 = arith.extui %sign3A_3 : i1 to i32
    %sign3A_5 = arith.constant 0 : i32
    %sign3A_6 = arith.cmpi slt, %mul3A_2, %sign3A_5 : i32
    %sign3A_7 = arith.extui %sign3A_6 : i1 to i32
    %sign3A_8 = arith.subi %sign3A_4, %sign3A_7 : i32
    %sign3A_9 = arith.constant 0 : i32
    %sign3A_10 = arith.cmpi sgt, %jit3A, %sign3A_9 : i32
    %sign3A_11 = arith.extui %sign3A_10 : i1 to i32
    %sign3A_12 = arith.constant 0 : i32
    %sign3A_13 = arith.cmpi slt, %jit3A, %sign3A_12 : i32
    %sign3A_14 = arith.extui %sign3A_13 : i1 to i32
    %sign3A_15 = arith.subi %sign3A_11, %sign3A_14 : i32
    %ne3A = arith.cmpi ne, %sign3A_8, %sign3A_15 : i32
    %rem3A = arith.remsi %mul3A_2, %jit3A : i32
    %ne3A_16 = arith.constant 0 : i32
    %ne3A_17 = arith.cmpi ne, %rem3A, %ne3A_16 : i32
    %and3A = arith.andi %ne3A, %ne3A_17 : i1
    %sub3A = arith.constant 1 : i32
    %sub3A_18 = arith.subi %div3A, %sub3A : i32
    %select_n3A = arith.select %and3A, %sub3A_18, %div3A : i32
    %mul3A_19 = arith.constant 8 : i32
    %mul3A_20 = arith.muli %select_n3A, %mul3A_19 : i32
    %sub3A_21 = arith.subi %mul3A_2, %mul3A_20 : i32
    %mul3A_22 = arith.constant 512 : i32
    %mul3A_23 = arith.muli %sub3A_21, %mul3A_22 : i32
    %dma_start3A = arith.constant 0 : i32
    %dma_start3A_24 = arith.constant 0 : i32
    %dma_start3A_25 = arith.constant 0 : i32
    %dma_start3A_26 = tpu.memref_slice %arg6[%dma_start3A, %dma_start3A_25] : memref<2x256xi32, #tpu.memory_space<vmem>> -> memref<1x256xi32, #tpu.memory_space<vmem>>
    %dma_start3A_27 = tpu.memref_squeeze %dma_start3A_26 : memref<1x256xi32, #tpu.memory_space<vmem>> -> memref<256xi32, #tpu.memory_space<vmem>>
    %dma_start3A_28 = arith.constant 0 : i32
    %dma_start3A_29 = tpu.memref_slice %arg3[%select_n3A, %dma_start3A_28] : memref<100x256xi32, #tpu.memory_space<hbm>> -> memref<1x256xi32, #tpu.memory_space<hbm>>
    %dma_start3A_30 = tpu.memref_squeeze %dma_start3A_29 : memref<1x256xi32, #tpu.memory_space<hbm>> -> memref<256xi32, #tpu.memory_space<hbm>>
    %dma_start3A_31 = tpu.memref_slice %arg9[%dma_start3A_24] : memref<2x!tpu.dma_semaphore, #tpu.memory_space<semaphore_mem>> -> memref<1x!tpu.dma_semaphore, #tpu.memory_space<semaphore_mem>>
    %dma_start3A_32 = tpu.memref_squeeze %dma_start3A_31 : memref<1x!tpu.dma_semaphore, #tpu.memory_space<semaphore_mem>> -> memref<!tpu.dma_semaphore, #tpu.memory_space<semaphore_mem>>
    %dma_start3A_33 = arith.constant 0 : i32
    %dma_start3A_34 = tpu.memref_slice %arg6[%dma_start3A, %dma_start3A_33] : memref<2x256xi32, #tpu.memory_space<vmem>> -> memref<1x256xi32, #tpu.memory_space<vmem>>
    %dma_start3A_35 = tpu.memref_squeeze %dma_start3A_34 : memref<1x256xi32, #tpu.memory_space<vmem>> -> memref<256xi32, #tpu.memory_space<vmem>>
    %dma_start3A_36 = arith.constant 0 : i32
    %dma_start3A_37 = tpu.memref_slice %arg3[%select_n3A, %dma_start3A_36] : memref<100x256xi32, #tpu.memory_space<hbm>> -> memref<1x256xi32, #tpu.memory_space<hbm>>
    %dma_start3A_38 = tpu.memref_squeeze %dma_start3A_37 : memref<1x256xi32, #tpu.memory_space<hbm>> -> memref<256xi32, #tpu.memory_space<hbm>>
    tpu.enqueue_dma source(%dma_start3A_38 : memref<256xi32, #tpu.memory_space<hbm>>) target(%dma_start3A_35 : memref<256xi32, #tpu.memory_space<vmem>>) target_semaphore(%dma_start3A_32 : memref<!tpu.dma_semaphore, #tpu.memory_space<semaphore_mem>>)
    %dma_start3A_39 = arith.constant 0 : i32
    %dma_start3A_40 = arith.constant 0 : i32
    %dma_start3A_41 = arith.constant 0 : i32
    %dma_start3A_42 = arith.constant 0 : i32
    %dma_start3A_43 = tpu.memref_slice %arg5[%dma_start3A_39, %dma_start3A_41, %dma_start3A_42] : memref<2x8x512xf32, #tpu.memory_space<vmem>> -> memref<1x8x512xf32, #tpu.memory_space<vmem>>
    %dma_start3A_44 = tpu.memref_squeeze %dma_start3A_43 : memref<1x8x512xf32, #tpu.memory_space<vmem>> -> memref<8x512xf32, #tpu.memory_space<vmem>>
    %dma_start3A_45 = arith.constant 0 : i32
    %dma_start3A_46 = tpu.memref_slice %arg2[%select_n3A, %dma_start3A_45, %mul3A_23] : memref<100x8x4096xf32, #tpu.memory_space<hbm>> -> memref<1x8x512xf32, #tpu.memory_space<hbm>>
    %dma_start3A_47 = tpu.memref_squeeze %dma_start3A_46 : memref<1x8x512xf32, #tpu.memory_space<hbm>> -> memref<8x512xf32, #tpu.memory_space<hbm>>
    %dma_start3A_48 = tpu.memref_slice %arg8[%dma_start3A_40] : memref<2x!tpu.dma_semaphore, #tpu.memory_space<semaphore_mem>> -> memref<1x!tpu.dma_semaphore, #tpu.memory_space<semaphore_mem>>
    %dma_start3A_49 = tpu.memref_squeeze %dma_start3A_48 : memref<1x!tpu.dma_semaphore, #tpu.memory_space<semaphore_mem>> -> memref<!tpu.dma_semaphore, #tpu.memory_space<semaphore_mem>>
    %dma_start3A_50 = arith.constant 0 : i32
    %dma_start3A_51 = arith.constant 0 : i32
    %dma_start3A_52 = tpu.memref_slice %arg5[%dma_start3A_39, %dma_start3A_50, %dma_start3A_51] : memref<2x8x512xf32, #tpu.memory_space<vmem>> -> memref<1x8x512xf32, #tpu.memory_space<vmem>>
    %dma_start3A_53 = tpu.memref_squeeze %dma_start3A_52 : memref<1x8x512xf32, #tpu.memory_space<vmem>> -> memref<8x512xf32, #tpu.memory_space<vmem>>
    %dma_start3A_54 = arith.constant 0 : i32
    %dma_start3A_55 = tpu.memref_slice %arg2[%select_n3A, %dma_start3A_54, %mul3A_23] : memref<100x8x4096xf32, #tpu.memory_space<hbm>> -> memref<1x8x512xf32, #tpu.memory_space<hbm>>
    %dma_start3A_56 = tpu.memref_squeeze %dma_start3A_55 : memref<1x8x512xf32, #tpu.memory_space<hbm>> -> memref<8x512xf32, #tpu.memory_space<hbm>>
    tpu.enqueue_dma source(%dma_start3A_56 : memref<8x512xf32, #tpu.memory_space<hbm>>) target(%dma_start3A_53 : memref<8x512xf32, #tpu.memory_space<vmem>>) target_semaphore(%dma_start3A_49 : memref<!tpu.dma_semaphore, #tpu.memory_space<semaphore_mem>>)
    %scan3A = arith.constant 0 : i32
    %scan3A_57 = arith.constant 0 : i32
    %scan3A_58 = arith.constant 25 : i32
    %scan3A_59 = arith.addi %scan3A_57, %scan3A_58 : i32
    %scan3A_60 = arith.constant 1 : i32
    scf.for %scan3A_132 = %scan3A_57 to %scan3A_59 step %scan3A_60  : i32 {
      %mul3A_133 = arith.constant 25 : i32
      %mul3A_134 = arith.muli %add3A, %mul3A_133 : i32
      %add3A_135 = arith.addi %mul3A_134, %scan3A_132 : i32
      %jit3A_136 = arith.constant 8 : i32
      %div3A_137 = arith.divsi %add3A_135, %jit3A_136 : i32
      %sign3A_138 = arith.constant 0 : i32
      %sign3A_139 = arith.cmpi sgt, %add3A_135, %sign3A_138 : i32
      %sign3A_140 = arith.extui %sign3A_139 : i1 to i32
      %sign3A_141 = arith.constant 0 : i32
      %sign3A_142 = arith.cmpi slt, %add3A_135, %sign3A_141 : i32
      %sign3A_143 = arith.extui %sign3A_142 : i1 to i32
      %sign3A_144 = arith.subi %sign3A_140, %sign3A_143 : i32
      %sign3A_145 = arith.constant 0 : i32
      %sign3A_146 = arith.cmpi sgt, %jit3A_136, %sign3A_145 : i32
      %sign3A_147 = arith.extui %sign3A_146 : i1 to i32
      %sign3A_148 = arith.constant 0 : i32
      %sign3A_149 = arith.cmpi slt, %jit3A_136, %sign3A_148 : i32
      %sign3A_150 = arith.extui %sign3A_149 : i1 to i32
      %sign3A_151 = arith.subi %sign3A_147, %sign3A_150 : i32
      %ne3A_152 = arith.cmpi ne, %sign3A_144, %sign3A_151 : i32
      %rem3A_153 = arith.remsi %add3A_135, %jit3A_136 : i32
      %ne3A_154 = arith.constant 0 : i32
      %ne3A_155 = arith.cmpi ne, %rem3A_153, %ne3A_154 : i32
      %and3A_156 = arith.andi %ne3A_152, %ne3A_155 : i1
      %sub3A_157 = arith.constant 1 : i32
      %sub3A_158 = arith.subi %div3A_137, %sub3A_157 : i32
      %select_n3A_159 = arith.select %and3A_156, %sub3A_158, %div3A_137 : i32
      %mul3A_160 = arith.constant 8 : i32
      %mul3A_161 = arith.muli %select_n3A_159, %mul3A_160 : i32
      %sub3A_162 = arith.subi %add3A_135, %mul3A_161 : i32
      %mul3A_163 = arith.constant 512 : i32
      %mul3A_164 = arith.muli %sub3A_162, %mul3A_163 : i32
      %and3A_165 = arith.constant 1 : i32
      %and3A_166 = arith.andi %scan3A_132, %and3A_165 : i32
      %add3A_167 = arith.constant 1 : i32
      %add3A_168 = arith.addi %scan3A_132, %add3A_167 : i32
      %lt3A = arith.constant 25 : i32
      %lt3A_169 = arith.cmpi slt, %add3A_168, %lt3A : i32
      %convert_element_type3A = arith.extui %lt3A_169 : i1 to i32
      %cond3A = arith.constant 0 : i32
      %cond3A_170 = arith.cmpi ne, %convert_element_type3A, %cond3A : i32
      scf.if %cond3A_170 {
        %add3A_227 = arith.constant 1 : i32
        %add3A_228 = arith.addi %add3A_135, %add3A_227 : i32
        %sub3A_229 = arith.constant 1 : i32
        %sub3A_230 = arith.subi %sub3A_229, %and3A_166 : i32
        %jit3A_231 = arith.constant 8 : i32
        %div3A_232 = arith.divsi %add3A_228, %jit3A_231 : i32
        %sign3A_233 = arith.constant 0 : i32
        %sign3A_234 = arith.cmpi sgt, %add3A_228, %sign3A_233 : i32
        %sign3A_235 = arith.extui %sign3A_234 : i1 to i32
        %sign3A_236 = arith.constant 0 : i32
        %sign3A_237 = arith.cmpi slt, %add3A_228, %sign3A_236 : i32
        %sign3A_238 = arith.extui %sign3A_237 : i1 to i32
        %sign3A_239 = arith.subi %sign3A_235, %sign3A_238 : i32
        %sign3A_240 = arith.constant 0 : i32
        %sign3A_241 = arith.cmpi sgt, %jit3A_231, %sign3A_240 : i32
        %sign3A_242 = arith.extui %sign3A_241 : i1 to i32
        %sign3A_243 = arith.constant 0 : i32
        %sign3A_244 = arith.cmpi slt, %jit3A_231, %sign3A_243 : i32
        %sign3A_245 = arith.extui %sign3A_244 : i1 to i32
        %sign3A_246 = arith.subi %sign3A_242, %sign3A_245 : i32
        %ne3A_247 = arith.cmpi ne, %sign3A_239, %sign3A_246 : i32
        %rem3A_248 = arith.remsi %add3A_228, %jit3A_231 : i32
        %ne3A_249 = arith.constant 0 : i32
        %ne3A_250 = arith.cmpi ne, %rem3A_248, %ne3A_249 : i32
        %and3A_251 = arith.andi %ne3A_247, %ne3A_250 : i1
        %sub3A_252 = arith.constant 1 : i32
        %sub3A_253 = arith.subi %div3A_232, %sub3A_252 : i32
        %select_n3A_254 = arith.select %and3A_251, %sub3A_253, %div3A_232 : i32
        %mul3A_255 = arith.constant 8 : i32
        %mul3A_256 = arith.muli %select_n3A_254, %mul3A_255 : i32
        %sub3A_257 = arith.subi %add3A_228, %mul3A_256 : i32
        %mul3A_258 = arith.constant 512 : i32
        %mul3A_259 = arith.muli %sub3A_257, %mul3A_258 : i32
        %dma_start3A_260 = arith.constant 0 : i32
        %dma_start3A_261 = tpu.memref_slice %arg6[%sub3A_230, %dma_start3A_260] : memref<2x256xi32, #tpu.memory_space<vmem>> -> memref<1x256xi32, #tpu.memory_space<vmem>>
        %dma_start3A_262 = tpu.memref_squeeze %dma_start3A_261 : memref<1x256xi32, #tpu.memory_space<vmem>> -> memref<256xi32, #tpu.memory_space<vmem>>
        %dma_start3A_263 = arith.constant 0 : i32
        %dma_start3A_264 = tpu.memref_slice %arg3[%select_n3A_254, %dma_start3A_263] : memref<100x256xi32, #tpu.memory_space<hbm>> -> memref<1x256xi32, #tpu.memory_space<hbm>>
        %dma_start3A_265 = tpu.memref_squeeze %dma_start3A_264 : memref<1x256xi32, #tpu.memory_space<hbm>> -> memref<256xi32, #tpu.memory_space<hbm>>
        %dma_start3A_266 = tpu.memref_slice %arg9[%sub3A_230] : memref<2x!tpu.dma_semaphore, #tpu.memory_space<semaphore_mem>> -> memref<1x!tpu.dma_semaphore, #tpu.memory_space<semaphore_mem>>
        %dma_start3A_267 = tpu.memref_squeeze %dma_start3A_266 : memref<1x!tpu.dma_semaphore, #tpu.memory_space<semaphore_mem>> -> memref<!tpu.dma_semaphore, #tpu.memory_space<semaphore_mem>>
        %dma_start3A_268 = arith.constant 0 : i32
        %dma_start3A_269 = tpu.memref_slice %arg6[%sub3A_230, %dma_start3A_268] : memref<2x256xi32, #tpu.memory_space<vmem>> -> memref<1x256xi32, #tpu.memory_space<vmem>>
        %dma_start3A_270 = tpu.memref_squeeze %dma_start3A_269 : memref<1x256xi32, #tpu.memory_space<vmem>> -> memref<256xi32, #tpu.memory_space<vmem>>
        %dma_start3A_271 = arith.constant 0 : i32
        %dma_start3A_272 = tpu.memref_slice %arg3[%select_n3A_254, %dma_start3A_271] : memref<100x256xi32, #tpu.memory_space<hbm>> -> memref<1x256xi32, #tpu.memory_space<hbm>>
        %dma_start3A_273 = tpu.memref_squeeze %dma_start3A_272 : memref<1x256xi32, #tpu.memory_space<hbm>> -> memref<256xi32, #tpu.memory_space<hbm>>
        tpu.enqueue_dma source(%dma_start3A_273 : memref<256xi32, #tpu.memory_space<hbm>>) target(%dma_start3A_270 : memref<256xi32, #tpu.memory_space<vmem>>) target_semaphore(%dma_start3A_267 : memref<!tpu.dma_semaphore, #tpu.memory_space<semaphore_mem>>)
        %dma_start3A_274 = arith.constant 0 : i32
        %dma_start3A_275 = arith.constant 0 : i32
        %dma_start3A_276 = tpu.memref_slice %arg5[%sub3A_230, %dma_start3A_274, %dma_start3A_275] : memref<2x8x512xf32, #tpu.memory_space<vmem>> -> memref<1x8x512xf32, #tpu.memory_space<vmem>>
        %dma_start3A_277 = tpu.memref_squeeze %dma_start3A_276 : memref<1x8x512xf32, #tpu.memory_space<vmem>> -> memref<8x512xf32, #tpu.memory_space<vmem>>
        %dma_start3A_278 = arith.constant 0 : i32
        %dma_start3A_279 = tpu.memref_slice %arg2[%select_n3A_254, %dma_start3A_278, %mul3A_259] : memref<100x8x4096xf32, #tpu.memory_space<hbm>> -> memref<1x8x512xf32, #tpu.memory_space<hbm>>
        %dma_start3A_280 = tpu.memref_squeeze %dma_start3A_279 : memref<1x8x512xf32, #tpu.memory_space<hbm>> -> memref<8x512xf32, #tpu.memory_space<hbm>>
        %dma_start3A_281 = tpu.memref_slice %arg8[%sub3A_230] : memref<2x!tpu.dma_semaphore, #tpu.memory_space<semaphore_mem>> -> memref<1x!tpu.dma_semaphore, #tpu.memory_space<semaphore_mem>>
        %dma_start3A_282 = tpu.memref_squeeze %dma_start3A_281 : memref<1x!tpu.dma_semaphore, #tpu.memory_space<semaphore_mem>> -> memref<!tpu.dma_semaphore, #tpu.memory_space<semaphore_mem>>
        %dma_start3A_283 = arith.constant 0 : i32
        %dma_start3A_284 = arith.constant 0 : i32
        %dma_start3A_285 = tpu.memref_slice %arg5[%sub3A_230, %dma_start3A_283, %dma_start3A_284] : memref<2x8x512xf32, #tpu.memory_space<vmem>> -> memref<1x8x512xf32, #tpu.memory_space<vmem>>
        %dma_start3A_286 = tpu.memref_squeeze %dma_start3A_285 : memref<1x8x512xf32, #tpu.memory_space<vmem>> -> memref<8x512xf32, #tpu.memory_space<vmem>>
        %dma_start3A_287 = arith.constant 0 : i32
        %dma_start3A_288 = tpu.memref_slice %arg2[%select_n3A_254, %dma_start3A_287, %mul3A_259] : memref<100x8x4096xf32, #tpu.memory_space<hbm>> -> memref<1x8x512xf32, #tpu.memory_space<hbm>>
        %dma_start3A_289 = tpu.memref_squeeze %dma_start3A_288 : memref<1x8x512xf32, #tpu.memory_space<hbm>> -> memref<8x512xf32, #tpu.memory_space<hbm>>
        tpu.enqueue_dma source(%dma_start3A_289 : memref<8x512xf32, #tpu.memory_space<hbm>>) target(%dma_start3A_286 : memref<8x512xf32, #tpu.memory_space<vmem>>) target_semaphore(%dma_start3A_282 : memref<!tpu.dma_semaphore, #tpu.memory_space<semaphore_mem>>)
      } else {
      }
      %dma_wait3A_171 = arith.constant 0 : i32
      %dma_wait3A_172 = tpu.memref_slice %arg6[%and3A_166, %dma_wait3A_171] : memref<2x256xi32, #tpu.memory_space<vmem>> -> memref<1x256xi32, #tpu.memory_space<vmem>>
      %dma_wait3A_173 = tpu.memref_squeeze %dma_wait3A_172 : memref<1x256xi32, #tpu.memory_space<vmem>> -> memref<256xi32, #tpu.memory_space<vmem>>
      %dma_wait3A_174 = arith.constant 0 : i32
      %dma_wait3A_175 = tpu.memref_slice %arg3[%select_n3A_159, %dma_wait3A_174] : memref<100x256xi32, #tpu.memory_space<hbm>> -> memref<1x256xi32, #tpu.memory_space<hbm>>
      %dma_wait3A_176 = tpu.memref_squeeze %dma_wait3A_175 : memref<1x256xi32, #tpu.memory_space<hbm>> -> memref<256xi32, #tpu.memory_space<hbm>>
      %dma_wait3A_177 = tpu.memref_slice %arg9[%and3A_166] : memref<2x!tpu.dma_semaphore, #tpu.memory_space<semaphore_mem>> -> memref<1x!tpu.dma_semaphore, #tpu.memory_space<semaphore_mem>>
      %dma_wait3A_178 = tpu.memref_squeeze %dma_wait3A_177 : memref<1x!tpu.dma_semaphore, #tpu.memory_space<semaphore_mem>> -> memref<!tpu.dma_semaphore, #tpu.memory_space<semaphore_mem>>
      %dma_wait3A_179 = arith.constant 0 : i32
      %dma_wait3A_180 = tpu.memref_slice %arg6[%and3A_166, %dma_wait3A_179] : memref<2x256xi32, #tpu.memory_space<vmem>> -> memref<1x256xi32, #tpu.memory_space<vmem>>
      %dma_wait3A_181 = tpu.memref_squeeze %dma_wait3A_180 : memref<1x256xi32, #tpu.memory_space<vmem>> -> memref<256xi32, #tpu.memory_space<vmem>>
      %dma_wait3A_182 = arith.constant 0 : i32
      %dma_wait3A_183 = tpu.memref_slice %arg3[%select_n3A_159, %dma_wait3A_182] : memref<100x256xi32, #tpu.memory_space<hbm>> -> memref<1x256xi32, #tpu.memory_space<hbm>>
      %dma_wait3A_184 = tpu.memref_squeeze %dma_wait3A_183 : memref<1x256xi32, #tpu.memory_space<hbm>> -> memref<256xi32, #tpu.memory_space<hbm>>
      tpu.wait_dma2 semaphore(%dma_wait3A_178 : memref<!tpu.dma_semaphore, #tpu.memory_space<semaphore_mem>>) src(%dma_wait3A_184 : memref<256xi32, #tpu.memory_space<hbm>>) dst(%dma_wait3A_181 : memref<256xi32, #tpu.memory_space<vmem>>)
      %dma_wait3A_185 = arith.constant 0 : i32
      %dma_wait3A_186 = arith.constant 0 : i32
      %dma_wait3A_187 = tpu.memref_slice %arg5[%and3A_166, %dma_wait3A_185, %dma_wait3A_186] : memref<2x8x512xf32, #tpu.memory_space<vmem>> -> memref<1x8x512xf32, #tpu.memory_space<vmem>>
      %dma_wait3A_188 = tpu.memref_squeeze %dma_wait3A_187 : memref<1x8x512xf32, #tpu.memory_space<vmem>> -> memref<8x512xf32, #tpu.memory_space<vmem>>
      %dma_wait3A_189 = arith.constant 0 : i32
      %dma_wait3A_190 = tpu.memref_slice %arg2[%select_n3A_159, %dma_wait3A_189, %mul3A_164] : memref<100x8x4096xf32, #tpu.memory_space<hbm>> -> memref<1x8x512xf32, #tpu.memory_space<hbm>>
      %dma_wait3A_191 = tpu.memref_squeeze %dma_wait3A_190 : memref<1x8x512xf32, #tpu.memory_space<hbm>> -> memref<8x512xf32, #tpu.memory_space<hbm>>
      %dma_wait3A_192 = tpu.memref_slice %arg8[%and3A_166] : memref<2x!tpu.dma_semaphore, #tpu.memory_space<semaphore_mem>> -> memref<1x!tpu.dma_semaphore, #tpu.memory_space<semaphore_mem>>
      %dma_wait3A_193 = tpu.memref_squeeze %dma_wait3A_192 : memref<1x!tpu.dma_semaphore, #tpu.memory_space<semaphore_mem>> -> memref<!tpu.dma_semaphore, #tpu.memory_space<semaphore_mem>>
      %dma_wait3A_194 = arith.constant 0 : i32
      %dma_wait3A_195 = arith.constant 0 : i32
      %dma_wait3A_196 = tpu.memref_slice %arg5[%and3A_166, %dma_wait3A_194, %dma_wait3A_195] : memref<2x8x512xf32, #tpu.memory_space<vmem>> -> memref<1x8x512xf32, #tpu.memory_space<vmem>>
      %dma_wait3A_197 = tpu.memref_squeeze %dma_wait3A_196 : memref<1x8x512xf32, #tpu.memory_space<vmem>> -> memref<8x512xf32, #tpu.memory_space<vmem>>
      %dma_wait3A_198 = arith.constant 0 : i32
      %dma_wait3A_199 = tpu.memref_slice %arg2[%select_n3A_159, %dma_wait3A_198, %mul3A_164] : memref<100x8x4096xf32, #tpu.memory_space<hbm>> -> memref<1x8x512xf32, #tpu.memory_space<hbm>>
      %dma_wait3A_200 = tpu.memref_squeeze %dma_wait3A_199 : memref<1x8x512xf32, #tpu.memory_space<hbm>> -> memref<8x512xf32, #tpu.memory_space<hbm>>
      tpu.wait_dma2 semaphore(%dma_wait3A_193 : memref<!tpu.dma_semaphore, #tpu.memory_space<semaphore_mem>>) src(%dma_wait3A_200 : memref<8x512xf32, #tpu.memory_space<hbm>>) dst(%dma_wait3A_197 : memref<8x512xf32, #tpu.memory_space<vmem>>)
      %ge3A = arith.constant 2 : i32
      %ge3A_201 = arith.cmpi sge, %scan3A_132, %ge3A : i32
      %convert_element_type3A_202 = arith.extui %ge3A_201 : i1 to i32
      %cond3A_203 = arith.constant 0 : i32
      %cond3A_204 = arith.cmpi ne, %convert_element_type3A_202, %cond3A_203 : i32
      scf.if %cond3A_204 {
        %dma_wait3A_227 = arith.constant 0 : i32
        %dma_wait3A_228 = arith.constant 0 : i32
        %dma_wait3A_229 = tpu.memref_slice %arg7[%and3A_166, %dma_wait3A_227, %dma_wait3A_228] : memref<2x16x512xf32, #tpu.memory_space<vmem>> -> memref<1x16x512xf32, #tpu.memory_space<vmem>>
        %dma_wait3A_230 = tpu.memref_squeeze %dma_wait3A_229 : memref<1x16x512xf32, #tpu.memory_space<vmem>> -> memref<16x512xf32, #tpu.memory_space<vmem>>
        %dma_wait3A_231 = arith.constant 0 : i32
        %dma_wait3A_232 = tpu.memref_slice %arg4[%select_n3A_159, %dma_wait3A_231, %mul3A_164] : memref<100x16x4096xf32, #tpu.memory_space<hbm>> -> memref<1x16x512xf32, #tpu.memory_space<hbm>>
        %dma_wait3A_233 = tpu.memref_squeeze %dma_wait3A_232 : memref<1x16x512xf32, #tpu.memory_space<hbm>> -> memref<16x512xf32, #tpu.memory_space<hbm>>
        %dma_wait3A_234 = tpu.memref_slice %arg10[%and3A_166] : memref<2x!tpu.dma_semaphore, #tpu.memory_space<semaphore_mem>> -> memref<1x!tpu.dma_semaphore, #tpu.memory_space<semaphore_mem>>
        %dma_wait3A_235 = tpu.memref_squeeze %dma_wait3A_234 : memref<1x!tpu.dma_semaphore, #tpu.memory_space<semaphore_mem>> -> memref<!tpu.dma_semaphore, #tpu.memory_space<semaphore_mem>>
        %dma_wait3A_236 = arith.constant 0 : i32
        %dma_wait3A_237 = tpu.memref_slice %arg4[%select_n3A_159, %dma_wait3A_236, %mul3A_164] : memref<100x16x4096xf32, #tpu.memory_space<hbm>> -> memref<1x16x512xf32, #tpu.memory_space<hbm>>
        %dma_wait3A_238 = tpu.memref_squeeze %dma_wait3A_237 : memref<1x16x512xf32, #tpu.memory_space<hbm>> -> memref<16x512xf32, #tpu.memory_space<hbm>>
        %dma_wait3A_239 = arith.constant 0 : i32
        %dma_wait3A_240 = arith.constant 0 : i32
        %dma_wait3A_241 = tpu.memref_slice %arg7[%and3A_166, %dma_wait3A_239, %dma_wait3A_240] : memref<2x16x512xf32, #tpu.memory_space<vmem>> -> memref<1x16x512xf32, #tpu.memory_space<vmem>>
        %dma_wait3A_242 = tpu.memref_squeeze %dma_wait3A_241 : memref<1x16x512xf32, #tpu.memory_space<vmem>> -> memref<16x512xf32, #tpu.memory_space<vmem>>
        tpu.wait_dma2 semaphore(%dma_wait3A_235 : memref<!tpu.dma_semaphore, #tpu.memory_space<semaphore_mem>>) src(%dma_wait3A_242 : memref<16x512xf32, #tpu.memory_space<vmem>>) dst(%dma_wait3A_238 : memref<16x512xf32, #tpu.memory_space<hbm>>)
      } else {
      }
      %scan3A_205 = arith.constant 0 : i32
      %scan3A_206 = arith.constant 0 : i32
      %scan3A_207 = arith.constant 32 : i32
      %scan3A_208 = arith.addi %scan3A_206, %scan3A_207 : i32
      %scan3A_209 = arith.constant 2 : i32
      scf.for %scan3A_227 = %scan3A_206 to %scan3A_208 step %scan3A_209  : i32 {
        %mul3A_228 = arith.constant 16 : i32
        %mul3A_229 = arith.muli %scan3A_227, %mul3A_228 : i32
        %get3A = arith.constant 0 : i32
        %get3A_230 = arith.index_cast %and3A_166 : i32 to index
        %get3A_231 = arith.index_cast %get3A : i32 to index
        %get3A_232 = arith.index_cast %mul3A_229 : i32 to index
        %get3A_233 = tpu.vector_load %arg5[%get3A_230, %get3A_231, %get3A_232] {strides = array<i32>} : memref<2x8x512xf32, #tpu.memory_space<vmem>>, vector<16xf32>,
        %get3A_234 = arith.constant 1 : i32
        %get3A_235 = arith.index_cast %and3A_166 : i32 to index
        %get3A_236 = arith.index_cast %get3A_234 : i32 to index
        %get3A_237 = arith.index_cast %mul3A_229 : i32 to index
        %get3A_238 = tpu.vector_load %arg5[%get3A_235, %get3A_236, %get3A_237] {strides = array<i32>} : memref<2x8x512xf32, #tpu.memory_space<vmem>>, vector<16xf32>,
        %get3A_239 = arith.constant 2 : i32
        %get3A_240 = arith.index_cast %and3A_166 : i32 to index
        %get3A_241 = arith.index_cast %get3A_239 : i32 to index
        %get3A_242 = arith.index_cast %mul3A_229 : i32 to index
        %get3A_243 = tpu.vector_load %arg5[%get3A_240, %get3A_241, %get3A_242] {strides = array<i32>} : memref<2x8x512xf32, #tpu.memory_space<vmem>>, vector<16xf32>,
        %get3A_244 = arith.constant 3 : i32
        %get3A_245 = arith.index_cast %and3A_166 : i32 to index
        %get3A_246 = arith.index_cast %get3A_244 : i32 to index
        %get3A_247 = arith.index_cast %mul3A_229 : i32 to index
        %get3A_248 = tpu.vector_load %arg5[%get3A_245, %get3A_246, %get3A_247] {strides = array<i32>} : memref<2x8x512xf32, #tpu.memory_space<vmem>>, vector<16xf32>,
        %get3A_249 = arith.constant 4 : i32
        %get3A_250 = arith.index_cast %and3A_166 : i32 to index
        %get3A_251 = arith.index_cast %get3A_249 : i32 to index
        %get3A_252 = arith.index_cast %mul3A_229 : i32 to index
        %get3A_253 = tpu.vector_load %arg5[%get3A_250, %get3A_251, %get3A_252] {strides = array<i32>} : memref<2x8x512xf32, #tpu.memory_space<vmem>>, vector<16xf32>,
        %get3A_254 = arith.constant 5 : i32
        %get3A_255 = arith.index_cast %and3A_166 : i32 to index
        %get3A_256 = arith.index_cast %get3A_254 : i32 to index
        %get3A_257 = arith.index_cast %mul3A_229 : i32 to index
        %get3A_258 = tpu.vector_load %arg5[%get3A_255, %get3A_256, %get3A_257] {strides = array<i32>} : memref<2x8x512xf32, #tpu.memory_space<vmem>>, vector<16xf32>,
        %get3A_259 = arith.constant 6 : i32
        %get3A_260 = arith.index_cast %and3A_166 : i32 to index
        %get3A_261 = arith.index_cast %get3A_259 : i32 to index
        %get3A_262 = arith.index_cast %mul3A_229 : i32 to index
        %get3A_263 = tpu.vector_load %arg5[%get3A_260, %get3A_261, %get3A_262] {strides = array<i32>} : memref<2x8x512xf32, #tpu.memory_space<vmem>>, vector<16xf32>,
        %get3A_264 = arith.constant 7 : i32
        %get3A_265 = arith.index_cast %and3A_166 : i32 to index
        %get3A_266 = arith.index_cast %get3A_264 : i32 to index
        %get3A_267 = arith.index_cast %mul3A_229 : i32 to index
        %get3A_268 = tpu.vector_load %arg5[%get3A_265, %get3A_266, %get3A_267] {strides = array<i32>} : memref<2x8x512xf32, #tpu.memory_space<vmem>>, vector<16xf32>,
        %bitcast_convert_type3A = tpu.bitcast %get3A_233 : vector<16xf32> -> vector<16xi32>
        %and3A_269 = arith.constant -8 : i32
        %and3A_270 = vector.broadcast %and3A_269 : i32 to vector<16xi32>
        %and3A_271 = arith.andi %bitcast_convert_type3A, %and3A_270 : vector<16xi32>
        %bitcast_convert_type3A_272 = tpu.bitcast %and3A_271 : vector<16xi32> -> vector<16xf32>
        %bitcast_convert_type3A_273 = tpu.bitcast %get3A_238 : vector<16xf32> -> vector<16xi32>
        %and3A_274 = arith.constant -8 : i32
        %and3A_275 = vector.broadcast %and3A_274 : i32 to vector<16xi32>
        %and3A_276 = arith.andi %bitcast_convert_type3A_273, %and3A_275 : vector<16xi32>
        %or3A = arith.constant 1 : i32
        %or3A_277 = vector.broadcast %or3A : i32 to vector<16xi32>
        %or3A_278 = arith.ori %and3A_276, %or3A_277 : vector<16xi32>
        %bitcast_convert_type3A_279 = tpu.bitcast %or3A_278 : vector<16xi32> -> vector<16xf32>
        %bitcast_convert_type3A_280 = tpu.bitcast %get3A_243 : vector<16xf32> -> vector<16xi32>
        %and3A_281 = arith.constant -8 : i32
        %and3A_282 = vector.broadcast %and3A_281 : i32 to vector<16xi32>
        %and3A_283 = arith.andi %bitcast_convert_type3A_280, %and3A_282 : vector<16xi32>
        %or3A_284 = arith.constant 2 : i32
        %or3A_285 = vector.broadcast %or3A_284 : i32 to vector<16xi32>
        %or3A_286 = arith.ori %and3A_283, %or3A_285 : vector<16xi32>
        %bitcast_convert_type3A_287 = tpu.bitcast %or3A_286 : vector<16xi32> -> vector<16xf32>
        %bitcast_convert_type3A_288 = tpu.bitcast %get3A_248 : vector<16xf32> -> vector<16xi32>
        %and3A_289 = arith.constant -8 : i32
        %and3A_290 = vector.broadcast %and3A_289 : i32 to vector<16xi32>
        %and3A_291 = arith.andi %bitcast_convert_type3A_288, %and3A_290 : vector<16xi32>
        %or3A_292 = arith.constant 3 : i32
        %or3A_293 = vector.broadcast %or3A_292 : i32 to vector<16xi32>
        %or3A_294 = arith.ori %and3A_291, %or3A_293 : vector<16xi32>
        %bitcast_convert_type3A_295 = tpu.bitcast %or3A_294 : vector<16xi32> -> vector<16xf32>
        %bitcast_convert_type3A_296 = tpu.bitcast %get3A_253 : vector<16xf32> -> vector<16xi32>
        %and3A_297 = arith.constant -8 : i32
        %and3A_298 = vector.broadcast %and3A_297 : i32 to vector<16xi32>
        %and3A_299 = arith.andi %bitcast_convert_type3A_296, %and3A_298 : vector<16xi32>
        %or3A_300 = arith.constant 4 : i32
        %or3A_301 = vector.broadcast %or3A_300 : i32 to vector<16xi32>
        %or3A_302 = arith.ori %and3A_299, %or3A_301 : vector<16xi32>
        %bitcast_convert_type3A_303 = tpu.bitcast %or3A_302 : vector<16xi32> -> vector<16xf32>
        %bitcast_convert_type3A_304 = tpu.bitcast %get3A_258 : vector<16xf32> -> vector<16xi32>
        %and3A_305 = arith.constant -8 : i32
        %and3A_306 = vector.broadcast %and3A_305 : i32 to vector<16xi32>
        %and3A_307 = arith.andi %bitcast_convert_type3A_304, %and3A_306 : vector<16xi32>
        %or3A_308 = arith.constant 5 : i32
        %or3A_309 = vector.broadcast %or3A_308 : i32 to vector<16xi32>
        %or3A_310 = arith.ori %and3A_307, %or3A_309 : vector<16xi32>
        %bitcast_convert_type3A_311 = tpu.bitcast %or3A_310 : vector<16xi32> -> vector<16xf32>
        %bitcast_convert_type3A_312 = tpu.bitcast %get3A_263 : vector<16xf32> -> vector<16xi32>
        %and3A_313 = arith.constant -8 : i32
        %and3A_314 = vector.broadcast %and3A_313 : i32 to vector<16xi32>
        %and3A_315 = arith.andi %bitcast_convert_type3A_312, %and3A_314 : vector<16xi32>
        %or3A_316 = arith.constant 6 : i32
        %or3A_317 = vector.broadcast %or3A_316 : i32 to vector<16xi32>
        %or3A_318 = arith.ori %and3A_315, %or3A_317 : vector<16xi32>
        %bitcast_convert_type3A_319 = tpu.bitcast %or3A_318 : vector<16xi32> -> vector<16xf32>
        %bitcast_convert_type3A_320 = tpu.bitcast %get3A_268 : vector<16xf32> -> vector<16xi32>
        %and3A_321 = arith.constant -8 : i32
        %and3A_322 = vector.broadcast %and3A_321 : i32 to vector<16xi32>
        %and3A_323 = arith.andi %bitcast_convert_type3A_320, %and3A_322 : vector<16xi32>
        %or3A_324 = arith.constant 7 : i32
        %or3A_325 = vector.broadcast %or3A_324 : i32 to vector<16xi32>
        %or3A_326 = arith.ori %and3A_323, %or3A_325 : vector<16xi32>
        %bitcast_convert_type3A_327 = tpu.bitcast %or3A_326 : vector<16xi32> -> vector<16xf32>
        %min3A = arith.minimumf %bitcast_convert_type3A_272, %bitcast_convert_type3A_279 : vector<16xf32>
        %max3A = arith.maximumf %bitcast_convert_type3A_272, %bitcast_convert_type3A_279 : vector<16xf32>
        %min3A_328 = arith.minimumf %bitcast_convert_type3A_287, %bitcast_convert_type3A_295 : vector<16xf32>
        %max3A_329 = arith.maximumf %bitcast_convert_type3A_287, %bitcast_convert_type3A_295 : vector<16xf32>
        %min3A_330 = arith.minimumf %bitcast_convert_type3A_303, %bitcast_convert_type3A_311 : vector<16xf32>
        %max3A_331 = arith.maximumf %bitcast_convert_type3A_303, %bitcast_convert_type3A_311 : vector<16xf32>
        %min3A_332 = arith.minimumf %bitcast_convert_type3A_319, %bitcast_convert_type3A_327 : vector<16xf32>
        %max3A_333 = arith.maximumf %bitcast_convert_type3A_319, %bitcast_convert_type3A_327 : vector<16xf32>
        %min3A_334 = arith.minimumf %min3A, %min3A_328 : vector<16xf32>
        %max3A_335 = arith.maximumf %min3A, %min3A_328 : vector<16xf32>
        %min3A_336 = arith.minimumf %max3A, %max3A_329 : vector<16xf32>
        %max3A_337 = arith.maximumf %max3A, %max3A_329 : vector<16xf32>
        %min3A_338 = arith.minimumf %min3A_330, %min3A_332 : vector<16xf32>
        %max3A_339 = arith.maximumf %min3A_330, %min3A_332 : vector<16xf32>
        %min3A_340 = arith.minimumf %max3A_331, %max3A_333 : vector<16xf32>
        %max3A_341 = arith.maximumf %max3A_331, %max3A_333 : vector<16xf32>
        %min3A_342 = arith.minimumf %min3A_336, %max3A_335 : vector<16xf32>
        %max3A_343 = arith.maximumf %min3A_336, %max3A_335 : vector<16xf32>
        %min3A_344 = arith.minimumf %min3A_340, %max3A_339 : vector<16xf32>
        %max3A_345 = arith.maximumf %min3A_340, %max3A_339 : vector<16xf32>
        %min3A_346 = arith.minimumf %min3A_334, %min3A_338 : vector<16xf32>
        %max3A_347 = arith.maximumf %min3A_334, %min3A_338 : vector<16xf32>
        %min3A_348 = arith.minimumf %min3A_342, %min3A_344 : vector<16xf32>
        %max3A_349 = arith.maximumf %min3A_342, %min3A_344 : vector<16xf32>
        %min3A_350 = arith.minimumf %max3A_343, %max3A_345 : vector<16xf32>
        %max3A_351 = arith.maximumf %max3A_343, %max3A_345 : vector<16xf32>
        %min3A_352 = arith.minimumf %max3A_337, %max3A_341 : vector<16xf32>
        %max3A_353 = arith.maximumf %max3A_337, %max3A_341 : vector<16xf32>
        %min3A_354 = arith.minimumf %min3A_350, %max3A_347 : vector<16xf32>
        %max3A_355 = arith.maximumf %min3A_350, %max3A_347 : vector<16xf32>
        %min3A_356 = arith.minimumf %min3A_352, %max3A_349 : vector<16xf32>
        %max3A_357 = arith.maximumf %min3A_352, %max3A_349 : vector<16xf32>
        %min3A_358 = arith.minimumf %min3A_348, %min3A_354 : vector<16xf32>
        %max3A_359 = arith.maximumf %min3A_348, %min3A_354 : vector<16xf32>
        %min3A_360 = arith.minimumf %min3A_356, %max3A_355 : vector<16xf32>
        %max3A_361 = arith.maximumf %min3A_356, %max3A_355 : vector<16xf32>
        %min3A_362 = arith.minimumf %max3A_357, %max3A_351 : vector<16xf32>
        %max3A_363 = arith.maximumf %max3A_357, %max3A_351 : vector<16xf32>
        %sub3A_364 = arith.subf %min3A_358, %min3A_346 : vector<16xf32>
        %sub3A_365 = arith.subf %max3A_359, %min3A_358 : vector<16xf32>
        %sub3A_366 = arith.subf %min3A_360, %max3A_359 : vector<16xf32>
        %sub3A_367 = arith.subf %max3A_361, %min3A_360 : vector<16xf32>
        %sub3A_368 = arith.subf %min3A_362, %max3A_361 : vector<16xf32>
        %sub3A_369 = arith.subf %max3A_363, %min3A_362 : vector<16xf32>
        %sub3A_370 = arith.subf %max3A_353, %max3A_363 : vector<16xf32>
        %broadcast_in_dim3A = arith.constant 1 : i32
        %broadcast_in_dim3A_371 = vector.broadcast %broadcast_in_dim3A : i32 to vector<16xi32>
        %bitcast_convert_type3A_372 = tpu.bitcast %min3A_358 : vector<16xf32> -> vector<16xi32>
        %and3A_373 = arith.constant 7 : i32
        %and3A_374 = vector.broadcast %and3A_373 : i32 to vector<16xi32>
        %and3A_375 = arith.andi %bitcast_convert_type3A_372, %and3A_374 : vector<16xi32>
        %shift_left3A = arith.shli %broadcast_in_dim3A_371, %and3A_375 : vector<16xi32>
        %bitcast_convert_type3A_376 = tpu.bitcast %max3A_359 : vector<16xf32> -> vector<16xi32>
        %and3A_377 = arith.constant 7 : i32
        %and3A_378 = vector.broadcast %and3A_377 : i32 to vector<16xi32>
        %and3A_379 = arith.andi %bitcast_convert_type3A_376, %and3A_378 : vector<16xi32>
        %shift_left3A_380 = arith.shli %broadcast_in_dim3A_371, %and3A_379 : vector<16xi32>
        %bitcast_convert_type3A_381 = tpu.bitcast %min3A_360 : vector<16xf32> -> vector<16xi32>
        %and3A_382 = arith.constant 7 : i32
        %and3A_383 = vector.broadcast %and3A_382 : i32 to vector<16xi32>
        %and3A_384 = arith.andi %bitcast_convert_type3A_381, %and3A_383 : vector<16xi32>
        %shift_left3A_385 = arith.shli %broadcast_in_dim3A_371, %and3A_384 : vector<16xi32>
        %bitcast_convert_type3A_386 = tpu.bitcast %max3A_361 : vector<16xf32> -> vector<16xi32>
        %and3A_387 = arith.constant 7 : i32
        %and3A_388 = vector.broadcast %and3A_387 : i32 to vector<16xi32>
        %and3A_389 = arith.andi %bitcast_convert_type3A_386, %and3A_388 : vector<16xi32>
        %shift_left3A_390 = arith.shli %broadcast_in_dim3A_371, %and3A_389 : vector<16xi32>
        %bitcast_convert_type3A_391 = tpu.bitcast %min3A_362 : vector<16xf32> -> vector<16xi32>
        %and3A_392 = arith.constant 7 : i32
        %and3A_393 = vector.broadcast %and3A_392 : i32 to vector<16xi32>
        %and3A_394 = arith.andi %bitcast_convert_type3A_391, %and3A_393 : vector<16xi32>
        %shift_left3A_395 = arith.shli %broadcast_in_dim3A_371, %and3A_394 : vector<16xi32>
        %bitcast_convert_type3A_396 = tpu.bitcast %max3A_363 : vector<16xf32> -> vector<16xi32>
        %and3A_397 = arith.constant 7 : i32
        %and3A_398 = vector.broadcast %and3A_397 : i32 to vector<16xi32>
        %and3A_399 = arith.andi %bitcast_convert_type3A_396, %and3A_398 : vector<16xi32>
        %shift_left3A_400 = arith.shli %broadcast_in_dim3A_371, %and3A_399 : vector<16xi32>
        %bitcast_convert_type3A_401 = tpu.bitcast %max3A_353 : vector<16xf32> -> vector<16xi32>
        %and3A_402 = arith.constant 7 : i32
        %and3A_403 = vector.broadcast %and3A_402 : i32 to vector<16xi32>
        %and3A_404 = arith.andi %bitcast_convert_type3A_401, %and3A_403 : vector<16xi32>
        %shift_left3A_405 = arith.shli %broadcast_in_dim3A_371, %and3A_404 : vector<16xi32>
        %add3A_406 = arith.addi %shift_left3A_405, %shift_left3A_400 : vector<16xi32>
        %add3A_407 = arith.addi %add3A_406, %shift_left3A_395 : vector<16xi32>
        %add3A_408 = arith.addi %add3A_407, %shift_left3A_390 : vector<16xi32>
        %add3A_409 = arith.addi %add3A_408, %shift_left3A_385 : vector<16xi32>
        %add3A_410 = arith.addi %add3A_409, %shift_left3A_380 : vector<16xi32>
        %add3A_411 = arith.addi %add3A_410, %shift_left3A : vector<16xi32>
        %broadcast_in_dim3A_412 = arith.constant 0.000000e+00 : f32
        %broadcast_in_dim3A_413 = vector.broadcast %broadcast_in_dim3A_412 : f32 to vector<16xf32>
        %gather3A = arith.constant 0 : i32
        %gather3A_414 = tpu.memref_slice %arg6[%and3A_166, %gather3A] : memref<2x256xi32, #tpu.memory_space<vmem>> -> memref<1x256xi32, #tpu.memory_space<vmem>>
        %gather3A_415 = tpu.memref_squeeze %gather3A_414 : memref<1x256xi32, #tpu.memory_space<vmem>> -> memref<256xi32, #tpu.memory_space<vmem>>
        %gather3A_416 = tpu.vector_load_idx %gather3A_415[%add3A_411] : memref<256xi32, #tpu.memory_space<vmem>>[vector<16xi32>], vector<16xi32>,
        %and3A_417 = arith.constant 1 : i32
        %and3A_418 = vector.broadcast %and3A_417 : i32 to vector<16xi32>
        %and3A_419 = arith.andi %gather3A_416, %and3A_418 : vector<16xi32>
        %ne3A_420 = arith.constant 0 : i32
        %ne3A_421 = vector.broadcast %ne3A_420 : i32 to vector<16xi32>
        %ne3A_422 = arith.cmpi ne, %and3A_419, %ne3A_421 : vector<16xi32>
        %select_n3A_423 = arith.select %ne3A_422, %sub3A_364, %broadcast_in_dim3A_413 : vector<16xi1>, vector<16xf32>
        %add3A_424 = arith.addf %min3A_346, %select_n3A_423 : vector<16xf32>
        %and3A_425 = arith.constant 2 : i32
        %and3A_426 = vector.broadcast %and3A_425 : i32 to vector<16xi32>
        %and3A_427 = arith.andi %gather3A_416, %and3A_426 : vector<16xi32>
        %ne3A_428 = arith.constant 0 : i32
        %ne3A_429 = vector.broadcast %ne3A_428 : i32 to vector<16xi32>
        %ne3A_430 = arith.cmpi ne, %and3A_427, %ne3A_429 : vector<16xi32>
        %select_n3A_431 = arith.select %ne3A_430, %sub3A_364, %broadcast_in_dim3A_413 : vector<16xi1>, vector<16xf32>
        %add3A_432 = arith.addf %min3A_346, %select_n3A_431 : vector<16xf32>
        %and3A_433 = arith.constant 4 : i32
        %and3A_434 = vector.broadcast %and3A_433 : i32 to vector<16xi32>
        %and3A_435 = arith.andi %gather3A_416, %and3A_434 : vector<16xi32>
        %ne3A_436 = arith.constant 0 : i32
        %ne3A_437 = vector.broadcast %ne3A_436 : i32 to vector<16xi32>
        %ne3A_438 = arith.cmpi ne, %and3A_435, %ne3A_437 : vector<16xi32>
        %select_n3A_439 = arith.select %ne3A_438, %sub3A_364, %broadcast_in_dim3A_413 : vector<16xi1>, vector<16xf32>
        %add3A_440 = arith.addf %min3A_346, %select_n3A_439 : vector<16xf32>
        %and3A_441 = arith.constant 8 : i32
        %and3A_442 = vector.broadcast %and3A_441 : i32 to vector<16xi32>
        %and3A_443 = arith.andi %gather3A_416, %and3A_442 : vector<16xi32>
        %ne3A_444 = arith.constant 0 : i32
        %ne3A_445 = vector.broadcast %ne3A_444 : i32 to vector<16xi32>
        %ne3A_446 = arith.cmpi ne, %and3A_443, %ne3A_445 : vector<16xi32>
        %select_n3A_447 = arith.select %ne3A_446, %sub3A_364, %broadcast_in_dim3A_413 : vector<16xi1>, vector<16xf32>
        %add3A_448 = arith.addf %min3A_346, %select_n3A_447 : vector<16xf32>
        %and3A_449 = arith.constant 16 : i32
        %and3A_450 = vector.broadcast %and3A_449 : i32 to vector<16xi32>
        %and3A_451 = arith.andi %gather3A_416, %and3A_450 : vector<16xi32>
        %ne3A_452 = arith.constant 0 : i32
        %ne3A_453 = vector.broadcast %ne3A_452 : i32 to vector<16xi32>
        %ne3A_454 = arith.cmpi ne, %and3A_451, %ne3A_453 : vector<16xi32>
        %select_n3A_455 = arith.select %ne3A_454, %sub3A_364, %broadcast_in_dim3A_413 : vector<16xi1>, vector<16xf32>
        %add3A_456 = arith.addf %min3A_346, %select_n3A_455 : vector<16xf32>
        %and3A_457 = arith.constant 32 : i32
        %and3A_458 = vector.broadcast %and3A_457 : i32 to vector<16xi32>
        %and3A_459 = arith.andi %gather3A_416, %and3A_458 : vector<16xi32>
        %ne3A_460 = arith.constant 0 : i32
        %ne3A_461 = vector.broadcast %ne3A_460 : i32 to vector<16xi32>
        %ne3A_462 = arith.cmpi ne, %and3A_459, %ne3A_461 : vector<16xi32>
        %select_n3A_463 = arith.select %ne3A_462, %sub3A_364, %broadcast_in_dim3A_413 : vector<16xi1>, vector<16xf32>
        %add3A_464 = arith.addf %min3A_346, %select_n3A_463 : vector<16xf32>
        %and3A_465 = arith.constant 64 : i32
        %and3A_466 = vector.broadcast %and3A_465 : i32 to vector<16xi32>
        %and3A_467 = arith.andi %gather3A_416, %and3A_466 : vector<16xi32>
        %ne3A_468 = arith.constant 0 : i32
        %ne3A_469 = vector.broadcast %ne3A_468 : i32 to vector<16xi32>
        %ne3A_470 = arith.cmpi ne, %and3A_467, %ne3A_469 : vector<16xi32>
        %select_n3A_471 = arith.select %ne3A_470, %sub3A_364, %broadcast_in_dim3A_413 : vector<16xi1>, vector<16xf32>
        %add3A_472 = arith.addf %min3A_346, %select_n3A_471 : vector<16xf32>
        %and3A_473 = arith.constant 128 : i32
        %and3A_474 = vector.broadcast %and3A_473 : i32 to vector<16xi32>
        %and3A_475 = arith.andi %gather3A_416, %and3A_474 : vector<16xi32>
        %ne3A_476 = arith.constant 0 : i32
        %ne3A_477 = vector.broadcast %ne3A_476 : i32 to vector<16xi32>
        %ne3A_478 = arith.cmpi ne, %and3A_475, %ne3A_477 : vector<16xi32>
        %select_n3A_479 = arith.select %ne3A_478, %sub3A_364, %broadcast_in_dim3A_413 : vector<16xi1>, vector<16xf32>
        %add3A_480 = arith.addf %min3A_346, %select_n3A_479 : vector<16xf32>
        %and3A_481 = arith.constant 256 : i32
        %and3A_482 = vector.broadcast %and3A_481 : i32 to vector<16xi32>
        %and3A_483 = arith.andi %gather3A_416, %and3A_482 : vector<16xi32>
        %ne3A_484 = arith.constant 0 : i32
        %ne3A_485 = vector.broadcast %ne3A_484 : i32 to vector<16xi32>
        %ne3A_486 = arith.cmpi ne, %and3A_483, %ne3A_485 : vector<16xi32>
        %select_n3A_487 = arith.select %ne3A_486, %sub3A_364, %broadcast_in_dim3A_413 : vector<16xi1>, vector<16xf32>
        %add3A_488 = arith.addf %min3A_346, %select_n3A_487 : vector<16xf32>
        %and3A_489 = arith.constant 512 : i32
        %and3A_490 = vector.broadcast %and3A_489 : i32 to vector<16xi32>
        %and3A_491 = arith.andi %gather3A_416, %and3A_490 : vector<16xi32>
        %ne3A_492 = arith.constant 0 : i32
        %ne3A_493 = vector.broadcast %ne3A_492 : i32 to vector<16xi32>
        %ne3A_494 = arith.cmpi ne, %and3A_491, %ne3A_493 : vector<16xi32>
        %select_n3A_495 = arith.select %ne3A_494, %sub3A_364, %broadcast_in_dim3A_413 : vector<16xi1>, vector<16xf32>
        %add3A_496 = arith.addf %min3A_346, %select_n3A_495 : vector<16xf32>
        %and3A_497 = arith.constant 1024 : i32
        %and3A_498 = vector.broadcast %and3A_497 : i32 to vector<16xi32>
        %and3A_499 = arith.andi %gather3A_416, %and3A_498 : vector<16xi32>
        %ne3A_500 = arith.constant 0 : i32
        %ne3A_501 = vector.broadcast %ne3A_500 : i32 to vector<16xi32>
        %ne3A_502 = arith.cmpi ne, %and3A_499, %ne3A_501 : vector<16xi32>
        %select_n3A_503 = arith.select %ne3A_502, %sub3A_364, %broadcast_in_dim3A_413 : vector<16xi1>, vector<16xf32>
        %add3A_504 = arith.addf %min3A_346, %select_n3A_503 : vector<16xf32>
        %and3A_505 = arith.constant 2048 : i32
        %and3A_506 = vector.broadcast %and3A_505 : i32 to vector<16xi32>
        %and3A_507 = arith.andi %gather3A_416, %and3A_506 : vector<16xi32>
        %ne3A_508 = arith.constant 0 : i32
        %ne3A_509 = vector.broadcast %ne3A_508 : i32 to vector<16xi32>
        %ne3A_510 = arith.cmpi ne, %and3A_507, %ne3A_509 : vector<16xi32>
        %select_n3A_511 = arith.select %ne3A_510, %sub3A_364, %broadcast_in_dim3A_413 : vector<16xi1>, vector<16xf32>
        %add3A_512 = arith.addf %min3A_346, %select_n3A_511 : vector<16xf32>
        %and3A_513 = arith.constant 4096 : i32
        %and3A_514 = vector.broadcast %and3A_513 : i32 to vector<16xi32>
        %and3A_515 = arith.andi %gather3A_416, %and3A_514 : vector<16xi32>
        %ne3A_516 = arith.constant 0 : i32
        %ne3A_517 = vector.broadcast %ne3A_516 : i32 to vector<16xi32>
        %ne3A_518 = arith.cmpi ne, %and3A_515, %ne3A_517 : vector<16xi32>
        %select_n3A_519 = arith.select %ne3A_518, %sub3A_364, %broadcast_in_dim3A_413 : vector<16xi1>, vector<16xf32>
        %add3A_520 = arith.addf %min3A_346, %select_n3A_519 : vector<16xf32>
        %and3A_521 = arith.constant 8192 : i32
        %and3A_522 = vector.broadcast %and3A_521 : i32 to vector<16xi32>
        %and3A_523 = arith.andi %gather3A_416, %and3A_522 : vector<16xi32>
        %ne3A_524 = arith.constant 0 : i32
        %ne3A_525 = vector.broadcast %ne3A_524 : i32 to vector<16xi32>
        %ne3A_526 = arith.cmpi ne, %and3A_523, %ne3A_525 : vector<16xi32>
        %select_n3A_527 = arith.select %ne3A_526, %sub3A_364, %broadcast_in_dim3A_413 : vector<16xi1>, vector<16xf32>
        %add3A_528 = arith.addf %min3A_346, %select_n3A_527 : vector<16xf32>
        %and3A_529 = arith.constant 16384 : i32
        %and3A_530 = vector.broadcast %and3A_529 : i32 to vector<16xi32>
        %and3A_531 = arith.andi %gather3A_416, %and3A_530 : vector<16xi32>
        %ne3A_532 = arith.constant 0 : i32
        %ne3A_533 = vector.broadcast %ne3A_532 : i32 to vector<16xi32>
        %ne3A_534 = arith.cmpi ne, %and3A_531, %ne3A_533 : vector<16xi32>
        %select_n3A_535 = arith.select %ne3A_534, %sub3A_364, %broadcast_in_dim3A_413 : vector<16xi1>, vector<16xf32>
        %add3A_536 = arith.addf %min3A_346, %select_n3A_535 : vector<16xf32>
        %and3A_537 = arith.constant 32768 : i32
        %and3A_538 = vector.broadcast %and3A_537 : i32 to vector<16xi32>
        %and3A_539 = arith.andi %gather3A_416, %and3A_538 : vector<16xi32>
        %ne3A_540 = arith.constant 0 : i32
        %ne3A_541 = vector.broadcast %ne3A_540 : i32 to vector<16xi32>
        %ne3A_542 = arith.cmpi ne, %and3A_539, %ne3A_541 : vector<16xi32>
        %select_n3A_543 = arith.select %ne3A_542, %sub3A_364, %broadcast_in_dim3A_413 : vector<16xi1>, vector<16xf32>
        %add3A_544 = arith.addf %min3A_346, %select_n3A_543 : vector<16xf32>
        %gather3A_545 = arith.constant 0 : i32
        %gather3A_546 = tpu.memref_slice %arg6[%and3A_166, %gather3A_545] : memref<2x256xi32, #tpu.memory_space<vmem>> -> memref<1x256xi32, #tpu.memory_space<vmem>>
        %gather3A_547 = tpu.memref_squeeze %gather3A_546 : memref<1x256xi32, #tpu.memory_space<vmem>> -> memref<256xi32, #tpu.memory_space<vmem>>
        %gather3A_548 = tpu.vector_load_idx %gather3A_547[%add3A_410] : memref<256xi32, #tpu.memory_space<vmem>>[vector<16xi32>], vector<16xi32>,
        %and3A_549 = arith.constant 1 : i32
        %and3A_550 = vector.broadcast %and3A_549 : i32 to vector<16xi32>
        %and3A_551 = arith.andi %gather3A_548, %and3A_550 : vector<16xi32>
        %ne3A_552 = arith.constant 0 : i32
        %ne3A_553 = vector.broadcast %ne3A_552 : i32 to vector<16xi32>
        %ne3A_554 = arith.cmpi ne, %and3A_551, %ne3A_553 : vector<16xi32>
        %select_n3A_555 = arith.select %ne3A_554, %sub3A_365, %broadcast_in_dim3A_413 : vector<16xi1>, vector<16xf32>
        %add3A_556 = arith.addf %add3A_424, %select_n3A_555 : vector<16xf32>
        %and3A_557 = arith.constant 2 : i32
        %and3A_558 = vector.broadcast %and3A_557 : i32 to vector<16xi32>
        %and3A_559 = arith.andi %gather3A_548, %and3A_558 : vector<16xi32>
        %ne3A_560 = arith.constant 0 : i32
        %ne3A_561 = vector.broadcast %ne3A_560 : i32 to vector<16xi32>
        %ne3A_562 = arith.cmpi ne, %and3A_559, %ne3A_561 : vector<16xi32>
        %select_n3A_563 = arith.select %ne3A_562, %sub3A_365, %broadcast_in_dim3A_413 : vector<16xi1>, vector<16xf32>
        %add3A_564 = arith.addf %add3A_432, %select_n3A_563 : vector<16xf32>
        %and3A_565 = arith.constant 4 : i32
        %and3A_566 = vector.broadcast %and3A_565 : i32 to vector<16xi32>
        %and3A_567 = arith.andi %gather3A_548, %and3A_566 : vector<16xi32>
        %ne3A_568 = arith.constant 0 : i32
        %ne3A_569 = vector.broadcast %ne3A_568 : i32 to vector<16xi32>
        %ne3A_570 = arith.cmpi ne, %and3A_567, %ne3A_569 : vector<16xi32>
        %select_n3A_571 = arith.select %ne3A_570, %sub3A_365, %broadcast_in_dim3A_413 : vector<16xi1>, vector<16xf32>
        %add3A_572 = arith.addf %add3A_440, %select_n3A_571 : vector<16xf32>
        %and3A_573 = arith.constant 8 : i32
        %and3A_574 = vector.broadcast %and3A_573 : i32 to vector<16xi32>
        %and3A_575 = arith.andi %gather3A_548, %and3A_574 : vector<16xi32>
        %ne3A_576 = arith.constant 0 : i32
        %ne3A_577 = vector.broadcast %ne3A_576 : i32 to vector<16xi32>
        %ne3A_578 = arith.cmpi ne, %and3A_575, %ne3A_577 : vector<16xi32>
        %select_n3A_579 = arith.select %ne3A_578, %sub3A_365, %broadcast_in_dim3A_413 : vector<16xi1>, vector<16xf32>
        %add3A_580 = arith.addf %add3A_448, %select_n3A_579 : vector<16xf32>
        %and3A_581 = arith.constant 16 : i32
        %and3A_582 = vector.broadcast %and3A_581 : i32 to vector<16xi32>
        %and3A_583 = arith.andi %gather3A_548, %and3A_582 : vector<16xi32>
        %ne3A_584 = arith.constant 0 : i32
        %ne3A_585 = vector.broadcast %ne3A_584 : i32 to vector<16xi32>
        %ne3A_586 = arith.cmpi ne, %and3A_583, %ne3A_585 : vector<16xi32>
        %select_n3A_587 = arith.select %ne3A_586, %sub3A_365, %broadcast_in_dim3A_413 : vector<16xi1>, vector<16xf32>
        %add3A_588 = arith.addf %add3A_456, %select_n3A_587 : vector<16xf32>
        %and3A_589 = arith.constant 32 : i32
        %and3A_590 = vector.broadcast %and3A_589 : i32 to vector<16xi32>
        %and3A_591 = arith.andi %gather3A_548, %and3A_590 : vector<16xi32>
        %ne3A_592 = arith.constant 0 : i32
        %ne3A_593 = vector.broadcast %ne3A_592 : i32 to vector<16xi32>
        %ne3A_594 = arith.cmpi ne, %and3A_591, %ne3A_593 : vector<16xi32>
        %select_n3A_595 = arith.select %ne3A_594, %sub3A_365, %broadcast_in_dim3A_413 : vector<16xi1>, vector<16xf32>
        %add3A_596 = arith.addf %add3A_464, %select_n3A_595 : vector<16xf32>
        %and3A_597 = arith.constant 64 : i32
        %and3A_598 = vector.broadcast %and3A_597 : i32 to vector<16xi32>
        %and3A_599 = arith.andi %gather3A_548, %and3A_598 : vector<16xi32>
        %ne3A_600 = arith.constant 0 : i32
        %ne3A_601 = vector.broadcast %ne3A_600 : i32 to vector<16xi32>
        %ne3A_602 = arith.cmpi ne, %and3A_599, %ne3A_601 : vector<16xi32>
        %select_n3A_603 = arith.select %ne3A_602, %sub3A_365, %broadcast_in_dim3A_413 : vector<16xi1>, vector<16xf32>
        %add3A_604 = arith.addf %add3A_472, %select_n3A_603 : vector<16xf32>
        %and3A_605 = arith.constant 128 : i32
        %and3A_606 = vector.broadcast %and3A_605 : i32 to vector<16xi32>
        %and3A_607 = arith.andi %gather3A_548, %and3A_606 : vector<16xi32>
        %ne3A_608 = arith.constant 0 : i32
        %ne3A_609 = vector.broadcast %ne3A_608 : i32 to vector<16xi32>
        %ne3A_610 = arith.cmpi ne, %and3A_607, %ne3A_609 : vector<16xi32>
        %select_n3A_611 = arith.select %ne3A_610, %sub3A_365, %broadcast_in_dim3A_413 : vector<16xi1>, vector<16xf32>
        %add3A_612 = arith.addf %add3A_480, %select_n3A_611 : vector<16xf32>
        %and3A_613 = arith.constant 256 : i32
        %and3A_614 = vector.broadcast %and3A_613 : i32 to vector<16xi32>
        %and3A_615 = arith.andi %gather3A_548, %and3A_614 : vector<16xi32>
        %ne3A_616 = arith.constant 0 : i32
        %ne3A_617 = vector.broadcast %ne3A_616 : i32 to vector<16xi32>
        %ne3A_618 = arith.cmpi ne, %and3A_615, %ne3A_617 : vector<16xi32>
        %select_n3A_619 = arith.select %ne3A_618, %sub3A_365, %broadcast_in_dim3A_413 : vector<16xi1>, vector<16xf32>
        %add3A_620 = arith.addf %add3A_488, %select_n3A_619 : vector<16xf32>
        %and3A_621 = arith.constant 512 : i32
        %and3A_622 = vector.broadcast %and3A_621 : i32 to vector<16xi32>
        %and3A_623 = arith.andi %gather3A_548, %and3A_622 : vector<16xi32>
        %ne3A_624 = arith.constant 0 : i32
        %ne3A_625 = vector.broadcast %ne3A_624 : i32 to vector<16xi32>
        %ne3A_626 = arith.cmpi ne, %and3A_623, %ne3A_625 : vector<16xi32>
        %select_n3A_627 = arith.select %ne3A_626, %sub3A_365, %broadcast_in_dim3A_413 : vector<16xi1>, vector<16xf32>
        %add3A_628 = arith.addf %add3A_496, %select_n3A_627 : vector<16xf32>
        %and3A_629 = arith.constant 1024 : i32
        %and3A_630 = vector.broadcast %and3A_629 : i32 to vector<16xi32>
        %and3A_631 = arith.andi %gather3A_548, %and3A_630 : vector<16xi32>
        %ne3A_632 = arith.constant 0 : i32
        %ne3A_633 = vector.broadcast %ne3A_632 : i32 to vector<16xi32>
        %ne3A_634 = arith.cmpi ne, %and3A_631, %ne3A_633 : vector<16xi32>
        %select_n3A_635 = arith.select %ne3A_634, %sub3A_365, %broadcast_in_dim3A_413 : vector<16xi1>, vector<16xf32>
        %add3A_636 = arith.addf %add3A_504, %select_n3A_635 : vector<16xf32>
        %and3A_637 = arith.constant 2048 : i32
        %and3A_638 = vector.broadcast %and3A_637 : i32 to vector<16xi32>
        %and3A_639 = arith.andi %gather3A_548, %and3A_638 : vector<16xi32>
        %ne3A_640 = arith.constant 0 : i32
        %ne3A_641 = vector.broadcast %ne3A_640 : i32 to vector<16xi32>
        %ne3A_642 = arith.cmpi ne, %and3A_639, %ne3A_641 : vector<16xi32>
        %select_n3A_643 = arith.select %ne3A_642, %sub3A_365, %broadcast_in_dim3A_413 : vector<16xi1>, vector<16xf32>
        %add3A_644 = arith.addf %add3A_512, %select_n3A_643 : vector<16xf32>
        %and3A_645 = arith.constant 4096 : i32
        %and3A_646 = vector.broadcast %and3A_645 : i32 to vector<16xi32>
        %and3A_647 = arith.andi %gather3A_548, %and3A_646 : vector<16xi32>
        %ne3A_648 = arith.constant 0 : i32
        %ne3A_649 = vector.broadcast %ne3A_648 : i32 to vector<16xi32>
        %ne3A_650 = arith.cmpi ne, %and3A_647, %ne3A_649 : vector<16xi32>
        %select_n3A_651 = arith.select %ne3A_650, %sub3A_365, %broadcast_in_dim3A_413 : vector<16xi1>, vector<16xf32>
        %add3A_652 = arith.addf %add3A_520, %select_n3A_651 : vector<16xf32>
        %and3A_653 = arith.constant 8192 : i32
        %and3A_654 = vector.broadcast %and3A_653 : i32 to vector<16xi32>
        %and3A_655 = arith.andi %gather3A_548, %and3A_654 : vector<16xi32>
        %ne3A_656 = arith.constant 0 : i32
        %ne3A_657 = vector.broadcast %ne3A_656 : i32 to vector<16xi32>
        %ne3A_658 = arith.cmpi ne, %and3A_655, %ne3A_657 : vector<16xi32>
        %select_n3A_659 = arith.select %ne3A_658, %sub3A_365, %broadcast_in_dim3A_413 : vector<16xi1>, vector<16xf32>
        %add3A_660 = arith.addf %add3A_528, %select_n3A_659 : vector<16xf32>
        %and3A_661 = arith.constant 16384 : i32
        %and3A_662 = vector.broadcast %and3A_661 : i32 to vector<16xi32>
        %and3A_663 = arith.andi %gather3A_548, %and3A_662 : vector<16xi32>
        %ne3A_664 = arith.constant 0 : i32
        %ne3A_665 = vector.broadcast %ne3A_664 : i32 to vector<16xi32>
        %ne3A_666 = arith.cmpi ne, %and3A_663, %ne3A_665 : vector<16xi32>
        %select_n3A_667 = arith.select %ne3A_666, %sub3A_365, %broadcast_in_dim3A_413 : vector<16xi1>, vector<16xf32>
        %add3A_668 = arith.addf %add3A_536, %select_n3A_667 : vector<16xf32>
        %and3A_669 = arith.constant 32768 : i32
        %and3A_670 = vector.broadcast %and3A_669 : i32 to vector<16xi32>
        %and3A_671 = arith.andi %gather3A_548, %and3A_670 : vector<16xi32>
        %ne3A_672 = arith.constant 0 : i32
        %ne3A_673 = vector.broadcast %ne3A_672 : i32 to vector<16xi32>
        %ne3A_674 = arith.cmpi ne, %and3A_671, %ne3A_673 : vector<16xi32>
        %select_n3A_675 = arith.select %ne3A_674, %sub3A_365, %broadcast_in_dim3A_413 : vector<16xi1>, vector<16xf32>
        %add3A_676 = arith.addf %add3A_544, %select_n3A_675 : vector<16xf32>
        %gather3A_677 = arith.constant 0 : i32
        %gather3A_678 = tpu.memref_slice %arg6[%and3A_166, %gather3A_677] : memref<2x256xi32, #tpu.memory_space<vmem>> -> memref<1x256xi32, #tpu.memory_space<vmem>>
        %gather3A_679 = tpu.memref_squeeze %gather3A_678 : memref<1x256xi32, #tpu.memory_space<vmem>> -> memref<256xi32, #tpu.memory_space<vmem>>
        %gather3A_680 = tpu.vector_load_idx %gather3A_679[%add3A_409] : memref<256xi32, #tpu.memory_space<vmem>>[vector<16xi32>], vector<16xi32>,
        %and3A_681 = arith.constant 1 : i32
        %and3A_682 = vector.broadcast %and3A_681 : i32 to vector<16xi32>
        %and3A_683 = arith.andi %gather3A_680, %and3A_682 : vector<16xi32>
        %ne3A_684 = arith.constant 0 : i32
        %ne3A_685 = vector.broadcast %ne3A_684 : i32 to vector<16xi32>
        %ne3A_686 = arith.cmpi ne, %and3A_683, %ne3A_685 : vector<16xi32>
        %select_n3A_687 = arith.select %ne3A_686, %sub3A_366, %broadcast_in_dim3A_413 : vector<16xi1>, vector<16xf32>
        %add3A_688 = arith.addf %add3A_556, %select_n3A_687 : vector<16xf32>
        %and3A_689 = arith.constant 2 : i32
        %and3A_690 = vector.broadcast %and3A_689 : i32 to vector<16xi32>
        %and3A_691 = arith.andi %gather3A_680, %and3A_690 : vector<16xi32>
        %ne3A_692 = arith.constant 0 : i32
        %ne3A_693 = vector.broadcast %ne3A_692 : i32 to vector<16xi32>
        %ne3A_694 = arith.cmpi ne, %and3A_691, %ne3A_693 : vector<16xi32>
        %select_n3A_695 = arith.select %ne3A_694, %sub3A_366, %broadcast_in_dim3A_413 : vector<16xi1>, vector<16xf32>
        %add3A_696 = arith.addf %add3A_564, %select_n3A_695 : vector<16xf32>
        %and3A_697 = arith.constant 4 : i32
        %and3A_698 = vector.broadcast %and3A_697 : i32 to vector<16xi32>
        %and3A_699 = arith.andi %gather3A_680, %and3A_698 : vector<16xi32>
        %ne3A_700 = arith.constant 0 : i32
        %ne3A_701 = vector.broadcast %ne3A_700 : i32 to vector<16xi32>
        %ne3A_702 = arith.cmpi ne, %and3A_699, %ne3A_701 : vector<16xi32>
        %select_n3A_703 = arith.select %ne3A_702, %sub3A_366, %broadcast_in_dim3A_413 : vector<16xi1>, vector<16xf32>
        %add3A_704 = arith.addf %add3A_572, %select_n3A_703 : vector<16xf32>
        %and3A_705 = arith.constant 8 : i32
        %and3A_706 = vector.broadcast %and3A_705 : i32 to vector<16xi32>
        %and3A_707 = arith.andi %gather3A_680, %and3A_706 : vector<16xi32>
        %ne3A_708 = arith.constant 0 : i32
        %ne3A_709 = vector.broadcast %ne3A_708 : i32 to vector<16xi32>
        %ne3A_710 = arith.cmpi ne, %and3A_707, %ne3A_709 : vector<16xi32>
        %select_n3A_711 = arith.select %ne3A_710, %sub3A_366, %broadcast_in_dim3A_413 : vector<16xi1>, vector<16xf32>
        %add3A_712 = arith.addf %add3A_580, %select_n3A_711 : vector<16xf32>
        %and3A_713 = arith.constant 16 : i32
        %and3A_714 = vector.broadcast %and3A_713 : i32 to vector<16xi32>
        %and3A_715 = arith.andi %gather3A_680, %and3A_714 : vector<16xi32>
        %ne3A_716 = arith.constant 0 : i32
        %ne3A_717 = vector.broadcast %ne3A_716 : i32 to vector<16xi32>
        %ne3A_718 = arith.cmpi ne, %and3A_715, %ne3A_717 : vector<16xi32>
        %select_n3A_719 = arith.select %ne3A_718, %sub3A_366, %broadcast_in_dim3A_413 : vector<16xi1>, vector<16xf32>
        %add3A_720 = arith.addf %add3A_588, %select_n3A_719 : vector<16xf32>
        %and3A_721 = arith.constant 32 : i32
        %and3A_722 = vector.broadcast %and3A_721 : i32 to vector<16xi32>
        %and3A_723 = arith.andi %gather3A_680, %and3A_722 : vector<16xi32>
        %ne3A_724 = arith.constant 0 : i32
        %ne3A_725 = vector.broadcast %ne3A_724 : i32 to vector<16xi32>
        %ne3A_726 = arith.cmpi ne, %and3A_723, %ne3A_725 : vector<16xi32>
        %select_n3A_727 = arith.select %ne3A_726, %sub3A_366, %broadcast_in_dim3A_413 : vector<16xi1>, vector<16xf32>
        %add3A_728 = arith.addf %add3A_596, %select_n3A_727 : vector<16xf32>
        %and3A_729 = arith.constant 64 : i32
        %and3A_730 = vector.broadcast %and3A_729 : i32 to vector<16xi32>
        %and3A_731 = arith.andi %gather3A_680, %and3A_730 : vector<16xi32>
        %ne3A_732 = arith.constant 0 : i32
        %ne3A_733 = vector.broadcast %ne3A_732 : i32 to vector<16xi32>
        %ne3A_734 = arith.cmpi ne, %and3A_731, %ne3A_733 : vector<16xi32>
        %select_n3A_735 = arith.select %ne3A_734, %sub3A_366, %broadcast_in_dim3A_413 : vector<16xi1>, vector<16xf32>
        %add3A_736 = arith.addf %add3A_604, %select_n3A_735 : vector<16xf32>
        %and3A_737 = arith.constant 128 : i32
        %and3A_738 = vector.broadcast %and3A_737 : i32 to vector<16xi32>
        %and3A_739 = arith.andi %gather3A_680, %and3A_738 : vector<16xi32>
        %ne3A_740 = arith.constant 0 : i32
        %ne3A_741 = vector.broadcast %ne3A_740 : i32 to vector<16xi32>
        %ne3A_742 = arith.cmpi ne, %and3A_739, %ne3A_741 : vector<16xi32>
        %select_n3A_743 = arith.select %ne3A_742, %sub3A_366, %broadcast_in_dim3A_413 : vector<16xi1>, vector<16xf32>
        %add3A_744 = arith.addf %add3A_612, %select_n3A_743 : vector<16xf32>
        %and3A_745 = arith.constant 256 : i32
        %and3A_746 = vector.broadcast %and3A_745 : i32 to vector<16xi32>
        %and3A_747 = arith.andi %gather3A_680, %and3A_746 : vector<16xi32>
        %ne3A_748 = arith.constant 0 : i32
        %ne3A_749 = vector.broadcast %ne3A_748 : i32 to vector<16xi32>
        %ne3A_750 = arith.cmpi ne, %and3A_747, %ne3A_749 : vector<16xi32>
        %select_n3A_751 = arith.select %ne3A_750, %sub3A_366, %broadcast_in_dim3A_413 : vector<16xi1>, vector<16xf32>
        %add3A_752 = arith.addf %add3A_620, %select_n3A_751 : vector<16xf32>
        %and3A_753 = arith.constant 512 : i32
        %and3A_754 = vector.broadcast %and3A_753 : i32 to vector<16xi32>
        %and3A_755 = arith.andi %gather3A_680, %and3A_754 : vector<16xi32>
        %ne3A_756 = arith.constant 0 : i32
        %ne3A_757 = vector.broadcast %ne3A_756 : i32 to vector<16xi32>
        %ne3A_758 = arith.cmpi ne, %and3A_755, %ne3A_757 : vector<16xi32>
        %select_n3A_759 = arith.select %ne3A_758, %sub3A_366, %broadcast_in_dim3A_413 : vector<16xi1>, vector<16xf32>
        %add3A_760 = arith.addf %add3A_628, %select_n3A_759 : vector<16xf32>
        %and3A_761 = arith.constant 1024 : i32
        %and3A_762 = vector.broadcast %and3A_761 : i32 to vector<16xi32>
        %and3A_763 = arith.andi %gather3A_680, %and3A_762 : vector<16xi32>
        %ne3A_764 = arith.constant 0 : i32
        %ne3A_765 = vector.broadcast %ne3A_764 : i32 to vector<16xi32>
        %ne3A_766 = arith.cmpi ne, %and3A_763, %ne3A_765 : vector<16xi32>
        %select_n3A_767 = arith.select %ne3A_766, %sub3A_366, %broadcast_in_dim3A_413 : vector<16xi1>, vector<16xf32>
        %add3A_768 = arith.addf %add3A_636, %select_n3A_767 : vector<16xf32>
        %and3A_769 = arith.constant 2048 : i32
        %and3A_770 = vector.broadcast %and3A_769 : i32 to vector<16xi32>
        %and3A_771 = arith.andi %gather3A_680, %and3A_770 : vector<16xi32>
        %ne3A_772 = arith.constant 0 : i32
        %ne3A_773 = vector.broadcast %ne3A_772 : i32 to vector<16xi32>
        %ne3A_774 = arith.cmpi ne, %and3A_771, %ne3A_773 : vector<16xi32>
        %select_n3A_775 = arith.select %ne3A_774, %sub3A_366, %broadcast_in_dim3A_413 : vector<16xi1>, vector<16xf32>
        %add3A_776 = arith.addf %add3A_644, %select_n3A_775 : vector<16xf32>
        %and3A_777 = arith.constant 4096 : i32
        %and3A_778 = vector.broadcast %and3A_777 : i32 to vector<16xi32>
        %and3A_779 = arith.andi %gather3A_680, %and3A_778 : vector<16xi32>
        %ne3A_780 = arith.constant 0 : i32
        %ne3A_781 = vector.broadcast %ne3A_780 : i32 to vector<16xi32>
        %ne3A_782 = arith.cmpi ne, %and3A_779, %ne3A_781 : vector<16xi32>
        %select_n3A_783 = arith.select %ne3A_782, %sub3A_366, %broadcast_in_dim3A_413 : vector<16xi1>, vector<16xf32>
        %add3A_784 = arith.addf %add3A_652, %select_n3A_783 : vector<16xf32>
        %and3A_785 = arith.constant 8192 : i32
        %and3A_786 = vector.broadcast %and3A_785 : i32 to vector<16xi32>
        %and3A_787 = arith.andi %gather3A_680, %and3A_786 : vector<16xi32>
        %ne3A_788 = arith.constant 0 : i32
        %ne3A_789 = vector.broadcast %ne3A_788 : i32 to vector<16xi32>
        %ne3A_790 = arith.cmpi ne, %and3A_787, %ne3A_789 : vector<16xi32>
        %select_n3A_791 = arith.select %ne3A_790, %sub3A_366, %broadcast_in_dim3A_413 : vector<16xi1>, vector<16xf32>
        %add3A_792 = arith.addf %add3A_660, %select_n3A_791 : vector<16xf32>
        %and3A_793 = arith.constant 16384 : i32
        %and3A_794 = vector.broadcast %and3A_793 : i32 to vector<16xi32>
        %and3A_795 = arith.andi %gather3A_680, %and3A_794 : vector<16xi32>
        %ne3A_796 = arith.constant 0 : i32
        %ne3A_797 = vector.broadcast %ne3A_796 : i32 to vector<16xi32>
        %ne3A_798 = arith.cmpi ne, %and3A_795, %ne3A_797 : vector<16xi32>
        %select_n3A_799 = arith.select %ne3A_798, %sub3A_366, %broadcast_in_dim3A_413 : vector<16xi1>, vector<16xf32>
        %add3A_800 = arith.addf %add3A_668, %select_n3A_799 : vector<16xf32>
        %and3A_801 = arith.constant 32768 : i32
        %and3A_802 = vector.broadcast %and3A_801 : i32 to vector<16xi32>
        %and3A_803 = arith.andi %gather3A_680, %and3A_802 : vector<16xi32>
        %ne3A_804 = arith.constant 0 : i32
        %ne3A_805 = vector.broadcast %ne3A_804 : i32 to vector<16xi32>
        %ne3A_806 = arith.cmpi ne, %and3A_803, %ne3A_805 : vector<16xi32>
        %select_n3A_807 = arith.select %ne3A_806, %sub3A_366, %broadcast_in_dim3A_413 : vector<16xi1>, vector<16xf32>
        %add3A_808 = arith.addf %add3A_676, %select_n3A_807 : vector<16xf32>
        %gather3A_809 = arith.constant 0 : i32
        %gather3A_810 = tpu.memref_slice %arg6[%and3A_166, %gather3A_809] : memref<2x256xi32, #tpu.memory_space<vmem>> -> memref<1x256xi32, #tpu.memory_space<vmem>>
        %gather3A_811 = tpu.memref_squeeze %gather3A_810 : memref<1x256xi32, #tpu.memory_space<vmem>> -> memref<256xi32, #tpu.memory_space<vmem>>
        %gather3A_812 = tpu.vector_load_idx %gather3A_811[%add3A_408] : memref<256xi32, #tpu.memory_space<vmem>>[vector<16xi32>], vector<16xi32>,
        %and3A_813 = arith.constant 1 : i32
        %and3A_814 = vector.broadcast %and3A_813 : i32 to vector<16xi32>
        %and3A_815 = arith.andi %gather3A_812, %and3A_814 : vector<16xi32>
        %ne3A_816 = arith.constant 0 : i32
        %ne3A_817 = vector.broadcast %ne3A_816 : i32 to vector<16xi32>
        %ne3A_818 = arith.cmpi ne, %and3A_815, %ne3A_817 : vector<16xi32>
        %select_n3A_819 = arith.select %ne3A_818, %sub3A_367, %broadcast_in_dim3A_413 : vector<16xi1>, vector<16xf32>
        %add3A_820 = arith.addf %add3A_688, %select_n3A_819 : vector<16xf32>
        %and3A_821 = arith.constant 2 : i32
        %and3A_822 = vector.broadcast %and3A_821 : i32 to vector<16xi32>
        %and3A_823 = arith.andi %gather3A_812, %and3A_822 : vector<16xi32>
        %ne3A_824 = arith.constant 0 : i32
        %ne3A_825 = vector.broadcast %ne3A_824 : i32 to vector<16xi32>
        %ne3A_826 = arith.cmpi ne, %and3A_823, %ne3A_825 : vector<16xi32>
        %select_n3A_827 = arith.select %ne3A_826, %sub3A_367, %broadcast_in_dim3A_413 : vector<16xi1>, vector<16xf32>
        %add3A_828 = arith.addf %add3A_696, %select_n3A_827 : vector<16xf32>
        %and3A_829 = arith.constant 4 : i32
        %and3A_830 = vector.broadcast %and3A_829 : i32 to vector<16xi32>
        %and3A_831 = arith.andi %gather3A_812, %and3A_830 : vector<16xi32>
        %ne3A_832 = arith.constant 0 : i32
        %ne3A_833 = vector.broadcast %ne3A_832 : i32 to vector<16xi32>
        %ne3A_834 = arith.cmpi ne, %and3A_831, %ne3A_833 : vector<16xi32>
        %select_n3A_835 = arith.select %ne3A_834, %sub3A_367, %broadcast_in_dim3A_413 : vector<16xi1>, vector<16xf32>
        %add3A_836 = arith.addf %add3A_704, %select_n3A_835 : vector<16xf32>
        %and3A_837 = arith.constant 8 : i32
        %and3A_838 = vector.broadcast %and3A_837 : i32 to vector<16xi32>
        %and3A_839 = arith.andi %gather3A_812, %and3A_838 : vector<16xi32>
        %ne3A_840 = arith.constant 0 : i32
        %ne3A_841 = vector.broadcast %ne3A_840 : i32 to vector<16xi32>
        %ne3A_842 = arith.cmpi ne, %and3A_839, %ne3A_841 : vector<16xi32>
        %select_n3A_843 = arith.select %ne3A_842, %sub3A_367, %broadcast_in_dim3A_413 : vector<16xi1>, vector<16xf32>
        %add3A_844 = arith.addf %add3A_712, %select_n3A_843 : vector<16xf32>
        %and3A_845 = arith.constant 16 : i32
        %and3A_846 = vector.broadcast %and3A_845 : i32 to vector<16xi32>
        %and3A_847 = arith.andi %gather3A_812, %and3A_846 : vector<16xi32>
        %ne3A_848 = arith.constant 0 : i32
        %ne3A_849 = vector.broadcast %ne3A_848 : i32 to vector<16xi32>
        %ne3A_850 = arith.cmpi ne, %and3A_847, %ne3A_849 : vector<16xi32>
        %select_n3A_851 = arith.select %ne3A_850, %sub3A_367, %broadcast_in_dim3A_413 : vector<16xi1>, vector<16xf32>
        %add3A_852 = arith.addf %add3A_720, %select_n3A_851 : vector<16xf32>
        %and3A_853 = arith.constant 32 : i32
        %and3A_854 = vector.broadcast %and3A_853 : i32 to vector<16xi32>
        %and3A_855 = arith.andi %gather3A_812, %and3A_854 : vector<16xi32>
        %ne3A_856 = arith.constant 0 : i32
        %ne3A_857 = vector.broadcast %ne3A_856 : i32 to vector<16xi32>
        %ne3A_858 = arith.cmpi ne, %and3A_855, %ne3A_857 : vector<16xi32>
        %select_n3A_859 = arith.select %ne3A_858, %sub3A_367, %broadcast_in_dim3A_413 : vector<16xi1>, vector<16xf32>
        %add3A_860 = arith.addf %add3A_728, %select_n3A_859 : vector<16xf32>
        %and3A_861 = arith.constant 64 : i32
        %and3A_862 = vector.broadcast %and3A_861 : i32 to vector<16xi32>
        %and3A_863 = arith.andi %gather3A_812, %and3A_862 : vector<16xi32>
        %ne3A_864 = arith.constant 0 : i32
        %ne3A_865 = vector.broadcast %ne3A_864 : i32 to vector<16xi32>
        %ne3A_866 = arith.cmpi ne, %and3A_863, %ne3A_865 : vector<16xi32>
        %select_n3A_867 = arith.select %ne3A_866, %sub3A_367, %broadcast_in_dim3A_413 : vector<16xi1>, vector<16xf32>
        %add3A_868 = arith.addf %add3A_736, %select_n3A_867 : vector<16xf32>
        %and3A_869 = arith.constant 128 : i32
        %and3A_870 = vector.broadcast %and3A_869 : i32 to vector<16xi32>
        %and3A_871 = arith.andi %gather3A_812, %and3A_870 : vector<16xi32>
        %ne3A_872 = arith.constant 0 : i32
        %ne3A_873 = vector.broadcast %ne3A_872 : i32 to vector<16xi32>
        %ne3A_874 = arith.cmpi ne, %and3A_871, %ne3A_873 : vector<16xi32>
        %select_n3A_875 = arith.select %ne3A_874, %sub3A_367, %broadcast_in_dim3A_413 : vector<16xi1>, vector<16xf32>
        %add3A_876 = arith.addf %add3A_744, %select_n3A_875 : vector<16xf32>
        %and3A_877 = arith.constant 256 : i32
        %and3A_878 = vector.broadcast %and3A_877 : i32 to vector<16xi32>
        %and3A_879 = arith.andi %gather3A_812, %and3A_878 : vector<16xi32>
        %ne3A_880 = arith.constant 0 : i32
        %ne3A_881 = vector.broadcast %ne3A_880 : i32 to vector<16xi32>
        %ne3A_882 = arith.cmpi ne, %and3A_879, %ne3A_881 : vector<16xi32>
        %select_n3A_883 = arith.select %ne3A_882, %sub3A_367, %broadcast_in_dim3A_413 : vector<16xi1>, vector<16xf32>
        %add3A_884 = arith.addf %add3A_752, %select_n3A_883 : vector<16xf32>
        %and3A_885 = arith.constant 512 : i32
        %and3A_886 = vector.broadcast %and3A_885 : i32 to vector<16xi32>
        %and3A_887 = arith.andi %gather3A_812, %and3A_886 : vector<16xi32>
        %ne3A_888 = arith.constant 0 : i32
        %ne3A_889 = vector.broadcast %ne3A_888 : i32 to vector<16xi32>
        %ne3A_890 = arith.cmpi ne, %and3A_887, %ne3A_889 : vector<16xi32>
        %select_n3A_891 = arith.select %ne3A_890, %sub3A_367, %broadcast_in_dim3A_413 : vector<16xi1>, vector<16xf32>
        %add3A_892 = arith.addf %add3A_760, %select_n3A_891 : vector<16xf32>
        %and3A_893 = arith.constant 1024 : i32
        %and3A_894 = vector.broadcast %and3A_893 : i32 to vector<16xi32>
        %and3A_895 = arith.andi %gather3A_812, %and3A_894 : vector<16xi32>
        %ne3A_896 = arith.constant 0 : i32
        %ne3A_897 = vector.broadcast %ne3A_896 : i32 to vector<16xi32>
        %ne3A_898 = arith.cmpi ne, %and3A_895, %ne3A_897 : vector<16xi32>
        %select_n3A_899 = arith.select %ne3A_898, %sub3A_367, %broadcast_in_dim3A_413 : vector<16xi1>, vector<16xf32>
        %add3A_900 = arith.addf %add3A_768, %select_n3A_899 : vector<16xf32>
        %and3A_901 = arith.constant 2048 : i32
        %and3A_902 = vector.broadcast %and3A_901 : i32 to vector<16xi32>
        %and3A_903 = arith.andi %gather3A_812, %and3A_902 : vector<16xi32>
        %ne3A_904 = arith.constant 0 : i32
        %ne3A_905 = vector.broadcast %ne3A_904 : i32 to vector<16xi32>
        %ne3A_906 = arith.cmpi ne, %and3A_903, %ne3A_905 : vector<16xi32>
        %select_n3A_907 = arith.select %ne3A_906, %sub3A_367, %broadcast_in_dim3A_413 : vector<16xi1>, vector<16xf32>
        %add3A_908 = arith.addf %add3A_776, %select_n3A_907 : vector<16xf32>
        %and3A_909 = arith.constant 4096 : i32
        %and3A_910 = vector.broadcast %and3A_909 : i32 to vector<16xi32>
        %and3A_911 = arith.andi %gather3A_812, %and3A_910 : vector<16xi32>
        %ne3A_912 = arith.constant 0 : i32
        %ne3A_913 = vector.broadcast %ne3A_912 : i32 to vector<16xi32>
        %ne3A_914 = arith.cmpi ne, %and3A_911, %ne3A_913 : vector<16xi32>
        %select_n3A_915 = arith.select %ne3A_914, %sub3A_367, %broadcast_in_dim3A_413 : vector<16xi1>, vector<16xf32>
        %add3A_916 = arith.addf %add3A_784, %select_n3A_915 : vector<16xf32>
        %and3A_917 = arith.constant 8192 : i32
        %and3A_918 = vector.broadcast %and3A_917 : i32 to vector<16xi32>
        %and3A_919 = arith.andi %gather3A_812, %and3A_918 : vector<16xi32>
        %ne3A_920 = arith.constant 0 : i32
        %ne3A_921 = vector.broadcast %ne3A_920 : i32 to vector<16xi32>
        %ne3A_922 = arith.cmpi ne, %and3A_919, %ne3A_921 : vector<16xi32>
        %select_n3A_923 = arith.select %ne3A_922, %sub3A_367, %broadcast_in_dim3A_413 : vector<16xi1>, vector<16xf32>
        %add3A_924 = arith.addf %add3A_792, %select_n3A_923 : vector<16xf32>
        %and3A_925 = arith.constant 16384 : i32
        %and3A_926 = vector.broadcast %and3A_925 : i32 to vector<16xi32>
        %and3A_927 = arith.andi %gather3A_812, %and3A_926 : vector<16xi32>
        %ne3A_928 = arith.constant 0 : i32
        %ne3A_929 = vector.broadcast %ne3A_928 : i32 to vector<16xi32>
        %ne3A_930 = arith.cmpi ne, %and3A_927, %ne3A_929 : vector<16xi32>
        %select_n3A_931 = arith.select %ne3A_930, %sub3A_367, %broadcast_in_dim3A_413 : vector<16xi1>, vector<16xf32>
        %add3A_932 = arith.addf %add3A_800, %select_n3A_931 : vector<16xf32>
        %and3A_933 = arith.constant 32768 : i32
        %and3A_934 = vector.broadcast %and3A_933 : i32 to vector<16xi32>
        %and3A_935 = arith.andi %gather3A_812, %and3A_934 : vector<16xi32>
        %ne3A_936 = arith.constant 0 : i32
        %ne3A_937 = vector.broadcast %ne3A_936 : i32 to vector<16xi32>
        %ne3A_938 = arith.cmpi ne, %and3A_935, %ne3A_937 : vector<16xi32>
        %select_n3A_939 = arith.select %ne3A_938, %sub3A_367, %broadcast_in_dim3A_413 : vector<16xi1>, vector<16xf32>
        %add3A_940 = arith.addf %add3A_808, %select_n3A_939 : vector<16xf32>
        %gather3A_941 = arith.constant 0 : i32
        %gather3A_942 = tpu.memref_slice %arg6[%and3A_166, %gather3A_941] : memref<2x256xi32, #tpu.memory_space<vmem>> -> memref<1x256xi32, #tpu.memory_space<vmem>>
        %gather3A_943 = tpu.memref_squeeze %gather3A_942 : memref<1x256xi32, #tpu.memory_space<vmem>> -> memref<256xi32, #tpu.memory_space<vmem>>
        %gather3A_944 = tpu.vector_load_idx %gather3A_943[%add3A_407] : memref<256xi32, #tpu.memory_space<vmem>>[vector<16xi32>], vector<16xi32>,
        %and3A_945 = arith.constant 1 : i32
        %and3A_946 = vector.broadcast %and3A_945 : i32 to vector<16xi32>
        %and3A_947 = arith.andi %gather3A_944, %and3A_946 : vector<16xi32>
        %ne3A_948 = arith.constant 0 : i32
        %ne3A_949 = vector.broadcast %ne3A_948 : i32 to vector<16xi32>
        %ne3A_950 = arith.cmpi ne, %and3A_947, %ne3A_949 : vector<16xi32>
        %select_n3A_951 = arith.select %ne3A_950, %sub3A_368, %broadcast_in_dim3A_413 : vector<16xi1>, vector<16xf32>
        %add3A_952 = arith.addf %add3A_820, %select_n3A_951 : vector<16xf32>
        %and3A_953 = arith.constant 2 : i32
        %and3A_954 = vector.broadcast %and3A_953 : i32 to vector<16xi32>
        %and3A_955 = arith.andi %gather3A_944, %and3A_954 : vector<16xi32>
        %ne3A_956 = arith.constant 0 : i32
        %ne3A_957 = vector.broadcast %ne3A_956 : i32 to vector<16xi32>
        %ne3A_958 = arith.cmpi ne, %and3A_955, %ne3A_957 : vector<16xi32>
        %select_n3A_959 = arith.select %ne3A_958, %sub3A_368, %broadcast_in_dim3A_413 : vector<16xi1>, vector<16xf32>
        %add3A_960 = arith.addf %add3A_828, %select_n3A_959 : vector<16xf32>
        %and3A_961 = arith.constant 4 : i32
        %and3A_962 = vector.broadcast %and3A_961 : i32 to vector<16xi32>
        %and3A_963 = arith.andi %gather3A_944, %and3A_962 : vector<16xi32>
        %ne3A_964 = arith.constant 0 : i32
        %ne3A_965 = vector.broadcast %ne3A_964 : i32 to vector<16xi32>
        %ne3A_966 = arith.cmpi ne, %and3A_963, %ne3A_965 : vector<16xi32>
        %select_n3A_967 = arith.select %ne3A_966, %sub3A_368, %broadcast_in_dim3A_413 : vector<16xi1>, vector<16xf32>
        %add3A_968 = arith.addf %add3A_836, %select_n3A_967 : vector<16xf32>
        %and3A_969 = arith.constant 8 : i32
        %and3A_970 = vector.broadcast %and3A_969 : i32 to vector<16xi32>
        %and3A_971 = arith.andi %gather3A_944, %and3A_970 : vector<16xi32>
        %ne3A_972 = arith.constant 0 : i32
        %ne3A_973 = vector.broadcast %ne3A_972 : i32 to vector<16xi32>
        %ne3A_974 = arith.cmpi ne, %and3A_971, %ne3A_973 : vector<16xi32>
        %select_n3A_975 = arith.select %ne3A_974, %sub3A_368, %broadcast_in_dim3A_413 : vector<16xi1>, vector<16xf32>
        %add3A_976 = arith.addf %add3A_844, %select_n3A_975 : vector<16xf32>
        %and3A_977 = arith.constant 16 : i32
        %and3A_978 = vector.broadcast %and3A_977 : i32 to vector<16xi32>
        %and3A_979 = arith.andi %gather3A_944, %and3A_978 : vector<16xi32>
        %ne3A_980 = arith.constant 0 : i32
        %ne3A_981 = vector.broadcast %ne3A_980 : i32 to vector<16xi32>
        %ne3A_982 = arith.cmpi ne, %and3A_979, %ne3A_981 : vector<16xi32>
        %select_n3A_983 = arith.select %ne3A_982, %sub3A_368, %broadcast_in_dim3A_413 : vector<16xi1>, vector<16xf32>
        %add3A_984 = arith.addf %add3A_852, %select_n3A_983 : vector<16xf32>
        %and3A_985 = arith.constant 32 : i32
        %and3A_986 = vector.broadcast %and3A_985 : i32 to vector<16xi32>
        %and3A_987 = arith.andi %gather3A_944, %and3A_986 : vector<16xi32>
        %ne3A_988 = arith.constant 0 : i32
        %ne3A_989 = vector.broadcast %ne3A_988 : i32 to vector<16xi32>
        %ne3A_990 = arith.cmpi ne, %and3A_987, %ne3A_989 : vector<16xi32>
        %select_n3A_991 = arith.select %ne3A_990, %sub3A_368, %broadcast_in_dim3A_413 : vector<16xi1>, vector<16xf32>
        %add3A_992 = arith.addf %add3A_860, %select_n3A_991 : vector<16xf32>
        %and3A_993 = arith.constant 64 : i32
        %and3A_994 = vector.broadcast %and3A_993 : i32 to vector<16xi32>
        %and3A_995 = arith.andi %gather3A_944, %and3A_994 : vector<16xi32>
        %ne3A_996 = arith.constant 0 : i32
        %ne3A_997 = vector.broadcast %ne3A_996 : i32 to vector<16xi32>
        %ne3A_998 = arith.cmpi ne, %and3A_995, %ne3A_997 : vector<16xi32>
        %select_n3A_999 = arith.select %ne3A_998, %sub3A_368, %broadcast_in_dim3A_413 : vector<16xi1>, vector<16xf32>
        %add3A_1000 = arith.addf %add3A_868, %select_n3A_999 : vector<16xf32>
        %and3A_1001 = arith.constant 128 : i32
        %and3A_1002 = vector.broadcast %and3A_1001 : i32 to vector<16xi32>
        %and3A_1003 = arith.andi %gather3A_944, %and3A_1002 : vector<16xi32>
        %ne3A_1004 = arith.constant 0 : i32
        %ne3A_1005 = vector.broadcast %ne3A_1004 : i32 to vector<16xi32>
        %ne3A_1006 = arith.cmpi ne, %and3A_1003, %ne3A_1005 : vector<16xi32>
        %select_n3A_1007 = arith.select %ne3A_1006, %sub3A_368, %broadcast_in_dim3A_413 : vector<16xi1>, vector<16xf32>
        %add3A_1008 = arith.addf %add3A_876, %select_n3A_1007 : vector<16xf32>
        %and3A_1009 = arith.constant 256 : i32
        %and3A_1010 = vector.broadcast %and3A_1009 : i32 to vector<16xi32>
        %and3A_1011 = arith.andi %gather3A_944, %and3A_1010 : vector<16xi32>
        %ne3A_1012 = arith.constant 0 : i32
        %ne3A_1013 = vector.broadcast %ne3A_1012 : i32 to vector<16xi32>
        %ne3A_1014 = arith.cmpi ne, %and3A_1011, %ne3A_1013 : vector<16xi32>
        %select_n3A_1015 = arith.select %ne3A_1014, %sub3A_368, %broadcast_in_dim3A_413 : vector<16xi1>, vector<16xf32>
        %add3A_1016 = arith.addf %add3A_884, %select_n3A_1015 : vector<16xf32>
        %and3A_1017 = arith.constant 512 : i32
        %and3A_1018 = vector.broadcast %and3A_1017 : i32 to vector<16xi32>
        %and3A_1019 = arith.andi %gather3A_944, %and3A_1018 : vector<16xi32>
        %ne3A_1020 = arith.constant 0 : i32
        %ne3A_1021 = vector.broadcast %ne3A_1020 : i32 to vector<16xi32>
        %ne3A_1022 = arith.cmpi ne, %and3A_1019, %ne3A_1021 : vector<16xi32>
        %select_n3A_1023 = arith.select %ne3A_1022, %sub3A_368, %broadcast_in_dim3A_413 : vector<16xi1>, vector<16xf32>
        %add3A_1024 = arith.addf %add3A_892, %select_n3A_1023 : vector<16xf32>
        %and3A_1025 = arith.constant 1024 : i32
        %and3A_1026 = vector.broadcast %and3A_1025 : i32 to vector<16xi32>
        %and3A_1027 = arith.andi %gather3A_944, %and3A_1026 : vector<16xi32>
        %ne3A_1028 = arith.constant 0 : i32
        %ne3A_1029 = vector.broadcast %ne3A_1028 : i32 to vector<16xi32>
        %ne3A_1030 = arith.cmpi ne, %and3A_1027, %ne3A_1029 : vector<16xi32>
        %select_n3A_1031 = arith.select %ne3A_1030, %sub3A_368, %broadcast_in_dim3A_413 : vector<16xi1>, vector<16xf32>
        %add3A_1032 = arith.addf %add3A_900, %select_n3A_1031 : vector<16xf32>
        %and3A_1033 = arith.constant 2048 : i32
        %and3A_1034 = vector.broadcast %and3A_1033 : i32 to vector<16xi32>
        %and3A_1035 = arith.andi %gather3A_944, %and3A_1034 : vector<16xi32>
        %ne3A_1036 = arith.constant 0 : i32
        %ne3A_1037 = vector.broadcast %ne3A_1036 : i32 to vector<16xi32>
        %ne3A_1038 = arith.cmpi ne, %and3A_1035, %ne3A_1037 : vector<16xi32>
        %select_n3A_1039 = arith.select %ne3A_1038, %sub3A_368, %broadcast_in_dim3A_413 : vector<16xi1>, vector<16xf32>
        %add3A_1040 = arith.addf %add3A_908, %select_n3A_1039 : vector<16xf32>
        %and3A_1041 = arith.constant 4096 : i32
        %and3A_1042 = vector.broadcast %and3A_1041 : i32 to vector<16xi32>
        %and3A_1043 = arith.andi %gather3A_944, %and3A_1042 : vector<16xi32>
        %ne3A_1044 = arith.constant 0 : i32
        %ne3A_1045 = vector.broadcast %ne3A_1044 : i32 to vector<16xi32>
        %ne3A_1046 = arith.cmpi ne, %and3A_1043, %ne3A_1045 : vector<16xi32>
        %select_n3A_1047 = arith.select %ne3A_1046, %sub3A_368, %broadcast_in_dim3A_413 : vector<16xi1>, vector<16xf32>
        %add3A_1048 = arith.addf %add3A_916, %select_n3A_1047 : vector<16xf32>
        %and3A_1049 = arith.constant 8192 : i32
        %and3A_1050 = vector.broadcast %and3A_1049 : i32 to vector<16xi32>
        %and3A_1051 = arith.andi %gather3A_944, %and3A_1050 : vector<16xi32>
        %ne3A_1052 = arith.constant 0 : i32
        %ne3A_1053 = vector.broadcast %ne3A_1052 : i32 to vector<16xi32>
        %ne3A_1054 = arith.cmpi ne, %and3A_1051, %ne3A_1053 : vector<16xi32>
        %select_n3A_1055 = arith.select %ne3A_1054, %sub3A_368, %broadcast_in_dim3A_413 : vector<16xi1>, vector<16xf32>
        %add3A_1056 = arith.addf %add3A_924, %select_n3A_1055 : vector<16xf32>
        %and3A_1057 = arith.constant 16384 : i32
        %and3A_1058 = vector.broadcast %and3A_1057 : i32 to vector<16xi32>
        %and3A_1059 = arith.andi %gather3A_944, %and3A_1058 : vector<16xi32>
        %ne3A_1060 = arith.constant 0 : i32
        %ne3A_1061 = vector.broadcast %ne3A_1060 : i32 to vector<16xi32>
        %ne3A_1062 = arith.cmpi ne, %and3A_1059, %ne3A_1061 : vector<16xi32>
        %select_n3A_1063 = arith.select %ne3A_1062, %sub3A_368, %broadcast_in_dim3A_413 : vector<16xi1>, vector<16xf32>
        %add3A_1064 = arith.addf %add3A_932, %select_n3A_1063 : vector<16xf32>
        %and3A_1065 = arith.constant 32768 : i32
        %and3A_1066 = vector.broadcast %and3A_1065 : i32 to vector<16xi32>
        %and3A_1067 = arith.andi %gather3A_944, %and3A_1066 : vector<16xi32>
        %ne3A_1068 = arith.constant 0 : i32
        %ne3A_1069 = vector.broadcast %ne3A_1068 : i32 to vector<16xi32>
        %ne3A_1070 = arith.cmpi ne, %and3A_1067, %ne3A_1069 : vector<16xi32>
        %select_n3A_1071 = arith.select %ne3A_1070, %sub3A_368, %broadcast_in_dim3A_413 : vector<16xi1>, vector<16xf32>
        %add3A_1072 = arith.addf %add3A_940, %select_n3A_1071 : vector<16xf32>
        %gather3A_1073 = arith.constant 0 : i32
        %gather3A_1074 = tpu.memref_slice %arg6[%and3A_166, %gather3A_1073] : memref<2x256xi32, #tpu.memory_space<vmem>> -> memref<1x256xi32, #tpu.memory_space<vmem>>
        %gather3A_1075 = tpu.memref_squeeze %gather3A_1074 : memref<1x256xi32, #tpu.memory_space<vmem>> -> memref<256xi32, #tpu.memory_space<vmem>>
        %gather3A_1076 = tpu.vector_load_idx %gather3A_1075[%add3A_406] : memref<256xi32, #tpu.memory_space<vmem>>[vector<16xi32>], vector<16xi32>,
        %and3A_1077 = arith.constant 1 : i32
        %and3A_1078 = vector.broadcast %and3A_1077 : i32 to vector<16xi32>
        %and3A_1079 = arith.andi %gather3A_1076, %and3A_1078 : vector<16xi32>
        %ne3A_1080 = arith.constant 0 : i32
        %ne3A_1081 = vector.broadcast %ne3A_1080 : i32 to vector<16xi32>
        %ne3A_1082 = arith.cmpi ne, %and3A_1079, %ne3A_1081 : vector<16xi32>
        %select_n3A_1083 = arith.select %ne3A_1082, %sub3A_369, %broadcast_in_dim3A_413 : vector<16xi1>, vector<16xf32>
        %add3A_1084 = arith.addf %add3A_952, %select_n3A_1083 : vector<16xf32>
        %and3A_1085 = arith.constant 2 : i32
        %and3A_1086 = vector.broadcast %and3A_1085 : i32 to vector<16xi32>
        %and3A_1087 = arith.andi %gather3A_1076, %and3A_1086 : vector<16xi32>
        %ne3A_1088 = arith.constant 0 : i32
        %ne3A_1089 = vector.broadcast %ne3A_1088 : i32 to vector<16xi32>
        %ne3A_1090 = arith.cmpi ne, %and3A_1087, %ne3A_1089 : vector<16xi32>
        %select_n3A_1091 = arith.select %ne3A_1090, %sub3A_369, %broadcast_in_dim3A_413 : vector<16xi1>, vector<16xf32>
        %add3A_1092 = arith.addf %add3A_960, %select_n3A_1091 : vector<16xf32>
        %and3A_1093 = arith.constant 4 : i32
        %and3A_1094 = vector.broadcast %and3A_1093 : i32 to vector<16xi32>
        %and3A_1095 = arith.andi %gather3A_1076, %and3A_1094 : vector<16xi32>
        %ne3A_1096 = arith.constant 0 : i32
        %ne3A_1097 = vector.broadcast %ne3A_1096 : i32 to vector<16xi32>
        %ne3A_1098 = arith.cmpi ne, %and3A_1095, %ne3A_1097 : vector<16xi32>
        %select_n3A_1099 = arith.select %ne3A_1098, %sub3A_369, %broadcast_in_dim3A_413 : vector<16xi1>, vector<16xf32>
        %add3A_1100 = arith.addf %add3A_968, %select_n3A_1099 : vector<16xf32>
        %and3A_1101 = arith.constant 8 : i32
        %and3A_1102 = vector.broadcast %and3A_1101 : i32 to vector<16xi32>
        %and3A_1103 = arith.andi %gather3A_1076, %and3A_1102 : vector<16xi32>
        %ne3A_1104 = arith.constant 0 : i32
        %ne3A_1105 = vector.broadcast %ne3A_1104 : i32 to vector<16xi32>
        %ne3A_1106 = arith.cmpi ne, %and3A_1103, %ne3A_1105 : vector<16xi32>
        %select_n3A_1107 = arith.select %ne3A_1106, %sub3A_369, %broadcast_in_dim3A_413 : vector<16xi1>, vector<16xf32>
        %add3A_1108 = arith.addf %add3A_976, %select_n3A_1107 : vector<16xf32>
        %and3A_1109 = arith.constant 16 : i32
        %and3A_1110 = vector.broadcast %and3A_1109 : i32 to vector<16xi32>
        %and3A_1111 = arith.andi %gather3A_1076, %and3A_1110 : vector<16xi32>
        %ne3A_1112 = arith.constant 0 : i32
        %ne3A_1113 = vector.broadcast %ne3A_1112 : i32 to vector<16xi32>
        %ne3A_1114 = arith.cmpi ne, %and3A_1111, %ne3A_1113 : vector<16xi32>
        %select_n3A_1115 = arith.select %ne3A_1114, %sub3A_369, %broadcast_in_dim3A_413 : vector<16xi1>, vector<16xf32>
        %add3A_1116 = arith.addf %add3A_984, %select_n3A_1115 : vector<16xf32>
        %and3A_1117 = arith.constant 32 : i32
        %and3A_1118 = vector.broadcast %and3A_1117 : i32 to vector<16xi32>
        %and3A_1119 = arith.andi %gather3A_1076, %and3A_1118 : vector<16xi32>
        %ne3A_1120 = arith.constant 0 : i32
        %ne3A_1121 = vector.broadcast %ne3A_1120 : i32 to vector<16xi32>
        %ne3A_1122 = arith.cmpi ne, %and3A_1119, %ne3A_1121 : vector<16xi32>
        %select_n3A_1123 = arith.select %ne3A_1122, %sub3A_369, %broadcast_in_dim3A_413 : vector<16xi1>, vector<16xf32>
        %add3A_1124 = arith.addf %add3A_992, %select_n3A_1123 : vector<16xf32>
        %and3A_1125 = arith.constant 64 : i32
        %and3A_1126 = vector.broadcast %and3A_1125 : i32 to vector<16xi32>
        %and3A_1127 = arith.andi %gather3A_1076, %and3A_1126 : vector<16xi32>
        %ne3A_1128 = arith.constant 0 : i32
        %ne3A_1129 = vector.broadcast %ne3A_1128 : i32 to vector<16xi32>
        %ne3A_1130 = arith.cmpi ne, %and3A_1127, %ne3A_1129 : vector<16xi32>
        %select_n3A_1131 = arith.select %ne3A_1130, %sub3A_369, %broadcast_in_dim3A_413 : vector<16xi1>, vector<16xf32>
        %add3A_1132 = arith.addf %add3A_1000, %select_n3A_1131 : vector<16xf32>
        %and3A_1133 = arith.constant 128 : i32
        %and3A_1134 = vector.broadcast %and3A_1133 : i32 to vector<16xi32>
        %and3A_1135 = arith.andi %gather3A_1076, %and3A_1134 : vector<16xi32>
        %ne3A_1136 = arith.constant 0 : i32
        %ne3A_1137 = vector.broadcast %ne3A_1136 : i32 to vector<16xi32>
        %ne3A_1138 = arith.cmpi ne, %and3A_1135, %ne3A_1137 : vector<16xi32>
        %select_n3A_1139 = arith.select %ne3A_1138, %sub3A_369, %broadcast_in_dim3A_413 : vector<16xi1>, vector<16xf32>
        %add3A_1140 = arith.addf %add3A_1008, %select_n3A_1139 : vector<16xf32>
        %and3A_1141 = arith.constant 256 : i32
        %and3A_1142 = vector.broadcast %and3A_1141 : i32 to vector<16xi32>
        %and3A_1143 = arith.andi %gather3A_1076, %and3A_1142 : vector<16xi32>
        %ne3A_1144 = arith.constant 0 : i32
        %ne3A_1145 = vector.broadcast %ne3A_1144 : i32 to vector<16xi32>
        %ne3A_1146 = arith.cmpi ne, %and3A_1143, %ne3A_1145 : vector<16xi32>
        %select_n3A_1147 = arith.select %ne3A_1146, %sub3A_369, %broadcast_in_dim3A_413 : vector<16xi1>, vector<16xf32>
        %add3A_1148 = arith.addf %add3A_1016, %select_n3A_1147 : vector<16xf32>
        %and3A_1149 = arith.constant 512 : i32
        %and3A_1150 = vector.broadcast %and3A_1149 : i32 to vector<16xi32>
        %and3A_1151 = arith.andi %gather3A_1076, %and3A_1150 : vector<16xi32>
        %ne3A_1152 = arith.constant 0 : i32
        %ne3A_1153 = vector.broadcast %ne3A_1152 : i32 to vector<16xi32>
        %ne3A_1154 = arith.cmpi ne, %and3A_1151, %ne3A_1153 : vector<16xi32>
        %select_n3A_1155 = arith.select %ne3A_1154, %sub3A_369, %broadcast_in_dim3A_413 : vector<16xi1>, vector<16xf32>
        %add3A_1156 = arith.addf %add3A_1024, %select_n3A_1155 : vector<16xf32>
        %and3A_1157 = arith.constant 1024 : i32
        %and3A_1158 = vector.broadcast %and3A_1157 : i32 to vector<16xi32>
        %and3A_1159 = arith.andi %gather3A_1076, %and3A_1158 : vector<16xi32>
        %ne3A_1160 = arith.constant 0 : i32
        %ne3A_1161 = vector.broadcast %ne3A_1160 : i32 to vector<16xi32>
        %ne3A_1162 = arith.cmpi ne, %and3A_1159, %ne3A_1161 : vector<16xi32>
        %select_n3A_1163 = arith.select %ne3A_1162, %sub3A_369, %broadcast_in_dim3A_413 : vector<16xi1>, vector<16xf32>
        %add3A_1164 = arith.addf %add3A_1032, %select_n3A_1163 : vector<16xf32>
        %and3A_1165 = arith.constant 2048 : i32
        %and3A_1166 = vector.broadcast %and3A_1165 : i32 to vector<16xi32>
        %and3A_1167 = arith.andi %gather3A_1076, %and3A_1166 : vector<16xi32>
        %ne3A_1168 = arith.constant 0 : i32
        %ne3A_1169 = vector.broadcast %ne3A_1168 : i32 to vector<16xi32>
        %ne3A_1170 = arith.cmpi ne, %and3A_1167, %ne3A_1169 : vector<16xi32>
        %select_n3A_1171 = arith.select %ne3A_1170, %sub3A_369, %broadcast_in_dim3A_413 : vector<16xi1>, vector<16xf32>
        %add3A_1172 = arith.addf %add3A_1040, %select_n3A_1171 : vector<16xf32>
        %and3A_1173 = arith.constant 4096 : i32
        %and3A_1174 = vector.broadcast %and3A_1173 : i32 to vector<16xi32>
        %and3A_1175 = arith.andi %gather3A_1076, %and3A_1174 : vector<16xi32>
        %ne3A_1176 = arith.constant 0 : i32
        %ne3A_1177 = vector.broadcast %ne3A_1176 : i32 to vector<16xi32>
        %ne3A_1178 = arith.cmpi ne, %and3A_1175, %ne3A_1177 : vector<16xi32>
        %select_n3A_1179 = arith.select %ne3A_1178, %sub3A_369, %broadcast_in_dim3A_413 : vector<16xi1>, vector<16xf32>
        %add3A_1180 = arith.addf %add3A_1048, %select_n3A_1179 : vector<16xf32>
        %and3A_1181 = arith.constant 8192 : i32
        %and3A_1182 = vector.broadcast %and3A_1181 : i32 to vector<16xi32>
        %and3A_1183 = arith.andi %gather3A_1076, %and3A_1182 : vector<16xi32>
        %ne3A_1184 = arith.constant 0 : i32
        %ne3A_1185 = vector.broadcast %ne3A_1184 : i32 to vector<16xi32>
        %ne3A_1186 = arith.cmpi ne, %and3A_1183, %ne3A_1185 : vector<16xi32>
        %select_n3A_1187 = arith.select %ne3A_1186, %sub3A_369, %broadcast_in_dim3A_413 : vector<16xi1>, vector<16xf32>
        %add3A_1188 = arith.addf %add3A_1056, %select_n3A_1187 : vector<16xf32>
        %and3A_1189 = arith.constant 16384 : i32
        %and3A_1190 = vector.broadcast %and3A_1189 : i32 to vector<16xi32>
        %and3A_1191 = arith.andi %gather3A_1076, %and3A_1190 : vector<16xi32>
        %ne3A_1192 = arith.constant 0 : i32
        %ne3A_1193 = vector.broadcast %ne3A_1192 : i32 to vector<16xi32>
        %ne3A_1194 = arith.cmpi ne, %and3A_1191, %ne3A_1193 : vector<16xi32>
        %select_n3A_1195 = arith.select %ne3A_1194, %sub3A_369, %broadcast_in_dim3A_413 : vector<16xi1>, vector<16xf32>
        %add3A_1196 = arith.addf %add3A_1064, %select_n3A_1195 : vector<16xf32>
        %and3A_1197 = arith.constant 32768 : i32
        %and3A_1198 = vector.broadcast %and3A_1197 : i32 to vector<16xi32>
        %and3A_1199 = arith.andi %gather3A_1076, %and3A_1198 : vector<16xi32>
        %ne3A_1200 = arith.constant 0 : i32
        %ne3A_1201 = vector.broadcast %ne3A_1200 : i32 to vector<16xi32>
        %ne3A_1202 = arith.cmpi ne, %and3A_1199, %ne3A_1201 : vector<16xi32>
        %select_n3A_1203 = arith.select %ne3A_1202, %sub3A_369, %broadcast_in_dim3A_413 : vector<16xi1>, vector<16xf32>
        %add3A_1204 = arith.addf %add3A_1072, %select_n3A_1203 : vector<16xf32>
        %gather3A_1205 = arith.constant 0 : i32
        %gather3A_1206 = tpu.memref_slice %arg6[%and3A_166, %gather3A_1205] : memref<2x256xi32, #tpu.memory_space<vmem>> -> memref<1x256xi32, #tpu.memory_space<vmem>>
        %gather3A_1207 = tpu.memref_squeeze %gather3A_1206 : memref<1x256xi32, #tpu.memory_space<vmem>> -> memref<256xi32, #tpu.memory_space<vmem>>
        %gather3A_1208 = tpu.vector_load_idx %gather3A_1207[%shift_left3A_405] : memref<256xi32, #tpu.memory_space<vmem>>[vector<16xi32>], vector<16xi32>,
        %and3A_1209 = arith.constant 1 : i32
        %and3A_1210 = vector.broadcast %and3A_1209 : i32 to vector<16xi32>
        %and3A_1211 = arith.andi %gather3A_1208, %and3A_1210 : vector<16xi32>
        %ne3A_1212 = arith.constant 0 : i32
        %ne3A_1213 = vector.broadcast %ne3A_1212 : i32 to vector<16xi32>
        %ne3A_1214 = arith.cmpi ne, %and3A_1211, %ne3A_1213 : vector<16xi32>
        %select_n3A_1215 = arith.select %ne3A_1214, %sub3A_370, %broadcast_in_dim3A_413 : vector<16xi1>, vector<16xf32>
        %add3A_1216 = arith.addf %add3A_1084, %select_n3A_1215 : vector<16xf32>
        %and3A_1217 = arith.constant 2 : i32
        %and3A_1218 = vector.broadcast %and3A_1217 : i32 to vector<16xi32>
        %and3A_1219 = arith.andi %gather3A_1208, %and3A_1218 : vector<16xi32>
        %ne3A_1220 = arith.constant 0 : i32
        %ne3A_1221 = vector.broadcast %ne3A_1220 : i32 to vector<16xi32>
        %ne3A_1222 = arith.cmpi ne, %and3A_1219, %ne3A_1221 : vector<16xi32>
        %select_n3A_1223 = arith.select %ne3A_1222, %sub3A_370, %broadcast_in_dim3A_413 : vector<16xi1>, vector<16xf32>
        %add3A_1224 = arith.addf %add3A_1092, %select_n3A_1223 : vector<16xf32>
        %and3A_1225 = arith.constant 4 : i32
        %and3A_1226 = vector.broadcast %and3A_1225 : i32 to vector<16xi32>
        %and3A_1227 = arith.andi %gather3A_1208, %and3A_1226 : vector<16xi32>
        %ne3A_1228 = arith.constant 0 : i32
        %ne3A_1229 = vector.broadcast %ne3A_1228 : i32 to vector<16xi32>
        %ne3A_1230 = arith.cmpi ne, %and3A_1227, %ne3A_1229 : vector<16xi32>
        %select_n3A_1231 = arith.select %ne3A_1230, %sub3A_370, %broadcast_in_dim3A_413 : vector<16xi1>, vector<16xf32>
        %add3A_1232 = arith.addf %add3A_1100, %select_n3A_1231 : vector<16xf32>
        %and3A_1233 = arith.constant 8 : i32
        %and3A_1234 = vector.broadcast %and3A_1233 : i32 to vector<16xi32>
        %and3A_1235 = arith.andi %gather3A_1208, %and3A_1234 : vector<16xi32>
        %ne3A_1236 = arith.constant 0 : i32
        %ne3A_1237 = vector.broadcast %ne3A_1236 : i32 to vector<16xi32>
        %ne3A_1238 = arith.cmpi ne, %and3A_1235, %ne3A_1237 : vector<16xi32>
        %select_n3A_1239 = arith.select %ne3A_1238, %sub3A_370, %broadcast_in_dim3A_413 : vector<16xi1>, vector<16xf32>
        %add3A_1240 = arith.addf %add3A_1108, %select_n3A_1239 : vector<16xf32>
        %and3A_1241 = arith.constant 16 : i32
        %and3A_1242 = vector.broadcast %and3A_1241 : i32 to vector<16xi32>
        %and3A_1243 = arith.andi %gather3A_1208, %and3A_1242 : vector<16xi32>
        %ne3A_1244 = arith.constant 0 : i32
        %ne3A_1245 = vector.broadcast %ne3A_1244 : i32 to vector<16xi32>
        %ne3A_1246 = arith.cmpi ne, %and3A_1243, %ne3A_1245 : vector<16xi32>
        %select_n3A_1247 = arith.select %ne3A_1246, %sub3A_370, %broadcast_in_dim3A_413 : vector<16xi1>, vector<16xf32>
        %add3A_1248 = arith.addf %add3A_1116, %select_n3A_1247 : vector<16xf32>
        %and3A_1249 = arith.constant 32 : i32
        %and3A_1250 = vector.broadcast %and3A_1249 : i32 to vector<16xi32>
        %and3A_1251 = arith.andi %gather3A_1208, %and3A_1250 : vector<16xi32>
        %ne3A_1252 = arith.constant 0 : i32
        %ne3A_1253 = vector.broadcast %ne3A_1252 : i32 to vector<16xi32>
        %ne3A_1254 = arith.cmpi ne, %and3A_1251, %ne3A_1253 : vector<16xi32>
        %select_n3A_1255 = arith.select %ne3A_1254, %sub3A_370, %broadcast_in_dim3A_413 : vector<16xi1>, vector<16xf32>
        %add3A_1256 = arith.addf %add3A_1124, %select_n3A_1255 : vector<16xf32>
        %and3A_1257 = arith.constant 64 : i32
        %and3A_1258 = vector.broadcast %and3A_1257 : i32 to vector<16xi32>
        %and3A_1259 = arith.andi %gather3A_1208, %and3A_1258 : vector<16xi32>
        %ne3A_1260 = arith.constant 0 : i32
        %ne3A_1261 = vector.broadcast %ne3A_1260 : i32 to vector<16xi32>
        %ne3A_1262 = arith.cmpi ne, %and3A_1259, %ne3A_1261 : vector<16xi32>
        %select_n3A_1263 = arith.select %ne3A_1262, %sub3A_370, %broadcast_in_dim3A_413 : vector<16xi1>, vector<16xf32>
        %add3A_1264 = arith.addf %add3A_1132, %select_n3A_1263 : vector<16xf32>
        %and3A_1265 = arith.constant 128 : i32
        %and3A_1266 = vector.broadcast %and3A_1265 : i32 to vector<16xi32>
        %and3A_1267 = arith.andi %gather3A_1208, %and3A_1266 : vector<16xi32>
        %ne3A_1268 = arith.constant 0 : i32
        %ne3A_1269 = vector.broadcast %ne3A_1268 : i32 to vector<16xi32>
        %ne3A_1270 = arith.cmpi ne, %and3A_1267, %ne3A_1269 : vector<16xi32>
        %select_n3A_1271 = arith.select %ne3A_1270, %sub3A_370, %broadcast_in_dim3A_413 : vector<16xi1>, vector<16xf32>
        %add3A_1272 = arith.addf %add3A_1140, %select_n3A_1271 : vector<16xf32>
        %and3A_1273 = arith.constant 256 : i32
        %and3A_1274 = vector.broadcast %and3A_1273 : i32 to vector<16xi32>
        %and3A_1275 = arith.andi %gather3A_1208, %and3A_1274 : vector<16xi32>
        %ne3A_1276 = arith.constant 0 : i32
        %ne3A_1277 = vector.broadcast %ne3A_1276 : i32 to vector<16xi32>
        %ne3A_1278 = arith.cmpi ne, %and3A_1275, %ne3A_1277 : vector<16xi32>
        %select_n3A_1279 = arith.select %ne3A_1278, %sub3A_370, %broadcast_in_dim3A_413 : vector<16xi1>, vector<16xf32>
        %add3A_1280 = arith.addf %add3A_1148, %select_n3A_1279 : vector<16xf32>
        %and3A_1281 = arith.constant 512 : i32
        %and3A_1282 = vector.broadcast %and3A_1281 : i32 to vector<16xi32>
        %and3A_1283 = arith.andi %gather3A_1208, %and3A_1282 : vector<16xi32>
        %ne3A_1284 = arith.constant 0 : i32
        %ne3A_1285 = vector.broadcast %ne3A_1284 : i32 to vector<16xi32>
        %ne3A_1286 = arith.cmpi ne, %and3A_1283, %ne3A_1285 : vector<16xi32>
        %select_n3A_1287 = arith.select %ne3A_1286, %sub3A_370, %broadcast_in_dim3A_413 : vector<16xi1>, vector<16xf32>
        %add3A_1288 = arith.addf %add3A_1156, %select_n3A_1287 : vector<16xf32>
        %and3A_1289 = arith.constant 1024 : i32
        %and3A_1290 = vector.broadcast %and3A_1289 : i32 to vector<16xi32>
        %and3A_1291 = arith.andi %gather3A_1208, %and3A_1290 : vector<16xi32>
        %ne3A_1292 = arith.constant 0 : i32
        %ne3A_1293 = vector.broadcast %ne3A_1292 : i32 to vector<16xi32>
        %ne3A_1294 = arith.cmpi ne, %and3A_1291, %ne3A_1293 : vector<16xi32>
        %select_n3A_1295 = arith.select %ne3A_1294, %sub3A_370, %broadcast_in_dim3A_413 : vector<16xi1>, vector<16xf32>
        %add3A_1296 = arith.addf %add3A_1164, %select_n3A_1295 : vector<16xf32>
        %and3A_1297 = arith.constant 2048 : i32
        %and3A_1298 = vector.broadcast %and3A_1297 : i32 to vector<16xi32>
        %and3A_1299 = arith.andi %gather3A_1208, %and3A_1298 : vector<16xi32>
        %ne3A_1300 = arith.constant 0 : i32
        %ne3A_1301 = vector.broadcast %ne3A_1300 : i32 to vector<16xi32>
        %ne3A_1302 = arith.cmpi ne, %and3A_1299, %ne3A_1301 : vector<16xi32>
        %select_n3A_1303 = arith.select %ne3A_1302, %sub3A_370, %broadcast_in_dim3A_413 : vector<16xi1>, vector<16xf32>
        %add3A_1304 = arith.addf %add3A_1172, %select_n3A_1303 : vector<16xf32>
        %and3A_1305 = arith.constant 4096 : i32
        %and3A_1306 = vector.broadcast %and3A_1305 : i32 to vector<16xi32>
        %and3A_1307 = arith.andi %gather3A_1208, %and3A_1306 : vector<16xi32>
        %ne3A_1308 = arith.constant 0 : i32
        %ne3A_1309 = vector.broadcast %ne3A_1308 : i32 to vector<16xi32>
        %ne3A_1310 = arith.cmpi ne, %and3A_1307, %ne3A_1309 : vector<16xi32>
        %select_n3A_1311 = arith.select %ne3A_1310, %sub3A_370, %broadcast_in_dim3A_413 : vector<16xi1>, vector<16xf32>
        %add3A_1312 = arith.addf %add3A_1180, %select_n3A_1311 : vector<16xf32>
        %and3A_1313 = arith.constant 8192 : i32
        %and3A_1314 = vector.broadcast %and3A_1313 : i32 to vector<16xi32>
        %and3A_1315 = arith.andi %gather3A_1208, %and3A_1314 : vector<16xi32>
        %ne3A_1316 = arith.constant 0 : i32
        %ne3A_1317 = vector.broadcast %ne3A_1316 : i32 to vector<16xi32>
        %ne3A_1318 = arith.cmpi ne, %and3A_1315, %ne3A_1317 : vector<16xi32>
        %select_n3A_1319 = arith.select %ne3A_1318, %sub3A_370, %broadcast_in_dim3A_413 : vector<16xi1>, vector<16xf32>
        %add3A_1320 = arith.addf %add3A_1188, %select_n3A_1319 : vector<16xf32>
        %and3A_1321 = arith.constant 16384 : i32
        %and3A_1322 = vector.broadcast %and3A_1321 : i32 to vector<16xi32>
        %and3A_1323 = arith.andi %gather3A_1208, %and3A_1322 : vector<16xi32>
        %ne3A_1324 = arith.constant 0 : i32
        %ne3A_1325 = vector.broadcast %ne3A_1324 : i32 to vector<16xi32>
        %ne3A_1326 = arith.cmpi ne, %and3A_1323, %ne3A_1325 : vector<16xi32>
        %select_n3A_1327 = arith.select %ne3A_1326, %sub3A_370, %broadcast_in_dim3A_413 : vector<16xi1>, vector<16xf32>
        %add3A_1328 = arith.addf %add3A_1196, %select_n3A_1327 : vector<16xf32>
        %and3A_1329 = arith.constant 32768 : i32
        %and3A_1330 = vector.broadcast %and3A_1329 : i32 to vector<16xi32>
        %and3A_1331 = arith.andi %gather3A_1208, %and3A_1330 : vector<16xi32>
        %ne3A_1332 = arith.constant 0 : i32
        %ne3A_1333 = vector.broadcast %ne3A_1332 : i32 to vector<16xi32>
        %ne3A_1334 = arith.cmpi ne, %and3A_1331, %ne3A_1333 : vector<16xi32>
        %select_n3A_1335 = arith.select %ne3A_1334, %sub3A_370, %broadcast_in_dim3A_413 : vector<16xi1>, vector<16xf32>
        %add3A_1336 = arith.addf %add3A_1204, %select_n3A_1335 : vector<16xf32>
        %swap3A = arith.constant 0 : i32
        %swap3A_1337 = arith.index_cast %and3A_166 : i32 to index
        %swap3A_1338 = arith.index_cast %swap3A : i32 to index
        %swap3A_1339 = arith.index_cast %mul3A_229 : i32 to index
        %swap3A_1340 = tpu.vector_load %arg7[%swap3A_1337, %swap3A_1338, %swap3A_1339] {strides = array<i32>} : memref<2x16x512xf32, #tpu.memory_space<vmem>>, vector<16xf32>,
        tpu.vector_store %arg7[%swap3A_1337, %swap3A_1338, %swap3A_1339], %add3A_1216 {strides = array<i32>} : memref<2x16x512xf32, #tpu.memory_space<vmem>>, vector<16xf32>,
        %swap3A_1341 = arith.constant 1 : i32
        %swap3A_1342 = arith.index_cast %and3A_166 : i32 to index
        %swap3A_1343 = arith.index_cast %swap3A_1341 : i32 to index
        %swap3A_1344 = arith.index_cast %mul3A_229 : i32 to index
        %swap3A_1345 = tpu.vector_load %arg7[%swap3A_1342, %swap3A_1343, %swap3A_1344] {strides = array<i32>} : memref<2x16x512xf32, #tpu.memory_space<vmem>>, vector<16xf32>,
        tpu.vector_store %arg7[%swap3A_1342, %swap3A_1343, %swap3A_1344], %add3A_1224 {strides = array<i32>} : memref<2x16x512xf32, #tpu.memory_space<vmem>>, vector<16xf32>,
        %swap3A_1346 = arith.constant 2 : i32
        %swap3A_1347 = arith.index_cast %and3A_166 : i32 to index
        %swap3A_1348 = arith.index_cast %swap3A_1346 : i32 to index
        %swap3A_1349 = arith.index_cast %mul3A_229 : i32 to index
        %swap3A_1350 = tpu.vector_load %arg7[%swap3A_1347, %swap3A_1348, %swap3A_1349] {strides = array<i32>} : memref<2x16x512xf32, #tpu.memory_space<vmem>>, vector<16xf32>,
        tpu.vector_store %arg7[%swap3A_1347, %swap3A_1348, %swap3A_1349], %add3A_1232 {strides = array<i32>} : memref<2x16x512xf32, #tpu.memory_space<vmem>>, vector<16xf32>,
        %swap3A_1351 = arith.constant 3 : i32
        %swap3A_1352 = arith.index_cast %and3A_166 : i32 to index
        %swap3A_1353 = arith.index_cast %swap3A_1351 : i32 to index
        %swap3A_1354 = arith.index_cast %mul3A_229 : i32 to index
        %swap3A_1355 = tpu.vector_load %arg7[%swap3A_1352, %swap3A_1353, %swap3A_1354] {strides = array<i32>} : memref<2x16x512xf32, #tpu.memory_space<vmem>>, vector<16xf32>,
        tpu.vector_store %arg7[%swap3A_1352, %swap3A_1353, %swap3A_1354], %add3A_1240 {strides = array<i32>} : memref<2x16x512xf32, #tpu.memory_space<vmem>>, vector<16xf32>,
        %swap3A_1356 = arith.constant 4 : i32
        %swap3A_1357 = arith.index_cast %and3A_166 : i32 to index
        %swap3A_1358 = arith.index_cast %swap3A_1356 : i32 to index
        %swap3A_1359 = arith.index_cast %mul3A_229 : i32 to index
        %swap3A_1360 = tpu.vector_load %arg7[%swap3A_1357, %swap3A_1358, %swap3A_1359] {strides = array<i32>} : memref<2x16x512xf32, #tpu.memory_space<vmem>>, vector<16xf32>,
        tpu.vector_store %arg7[%swap3A_1357, %swap3A_1358, %swap3A_1359], %add3A_1248 {strides = array<i32>} : memref<2x16x512xf32, #tpu.memory_space<vmem>>, vector<16xf32>,
        %swap3A_1361 = arith.constant 5 : i32
        %swap3A_1362 = arith.index_cast %and3A_166 : i32 to index
        %swap3A_1363 = arith.index_cast %swap3A_1361 : i32 to index
        %swap3A_1364 = arith.index_cast %mul3A_229 : i32 to index
        %swap3A_1365 = tpu.vector_load %arg7[%swap3A_1362, %swap3A_1363, %swap3A_1364] {strides = array<i32>} : memref<2x16x512xf32, #tpu.memory_space<vmem>>, vector<16xf32>,
        tpu.vector_store %arg7[%swap3A_1362, %swap3A_1363, %swap3A_1364], %add3A_1256 {strides = array<i32>} : memref<2x16x512xf32, #tpu.memory_space<vmem>>, vector<16xf32>,
        %swap3A_1366 = arith.constant 6 : i32
        %swap3A_1367 = arith.index_cast %and3A_166 : i32 to index
        %swap3A_1368 = arith.index_cast %swap3A_1366 : i32 to index
        %swap3A_1369 = arith.index_cast %mul3A_229 : i32 to index
        %swap3A_1370 = tpu.vector_load %arg7[%swap3A_1367, %swap3A_1368, %swap3A_1369] {strides = array<i32>} : memref<2x16x512xf32, #tpu.memory_space<vmem>>, vector<16xf32>,
        tpu.vector_store %arg7[%swap3A_1367, %swap3A_1368, %swap3A_1369], %add3A_1264 {strides = array<i32>} : memref<2x16x512xf32, #tpu.memory_space<vmem>>, vector<16xf32>,
        %swap3A_1371 = arith.constant 7 : i32
        %swap3A_1372 = arith.index_cast %and3A_166 : i32 to index
        %swap3A_1373 = arith.index_cast %swap3A_1371 : i32 to index
        %swap3A_1374 = arith.index_cast %mul3A_229 : i32 to index
        %swap3A_1375 = tpu.vector_load %arg7[%swap3A_1372, %swap3A_1373, %swap3A_1374] {strides = array<i32>} : memref<2x16x512xf32, #tpu.memory_space<vmem>>, vector<16xf32>,
        tpu.vector_store %arg7[%swap3A_1372, %swap3A_1373, %swap3A_1374], %add3A_1272 {strides = array<i32>} : memref<2x16x512xf32, #tpu.memory_space<vmem>>, vector<16xf32>,
        %swap3A_1376 = arith.constant 8 : i32
        %swap3A_1377 = arith.index_cast %and3A_166 : i32 to index
        %swap3A_1378 = arith.index_cast %swap3A_1376 : i32 to index
        %swap3A_1379 = arith.index_cast %mul3A_229 : i32 to index
        %swap3A_1380 = tpu.vector_load %arg7[%swap3A_1377, %swap3A_1378, %swap3A_1379] {strides = array<i32>} : memref<2x16x512xf32, #tpu.memory_space<vmem>>, vector<16xf32>,
        tpu.vector_store %arg7[%swap3A_1377, %swap3A_1378, %swap3A_1379], %add3A_1280 {strides = array<i32>} : memref<2x16x512xf32, #tpu.memory_space<vmem>>, vector<16xf32>,
        %swap3A_1381 = arith.constant 9 : i32
        %swap3A_1382 = arith.index_cast %and3A_166 : i32 to index
        %swap3A_1383 = arith.index_cast %swap3A_1381 : i32 to index
        %swap3A_1384 = arith.index_cast %mul3A_229 : i32 to index
        %swap3A_1385 = tpu.vector_load %arg7[%swap3A_1382, %swap3A_1383, %swap3A_1384] {strides = array<i32>} : memref<2x16x512xf32, #tpu.memory_space<vmem>>, vector<16xf32>,
        tpu.vector_store %arg7[%swap3A_1382, %swap3A_1383, %swap3A_1384], %add3A_1288 {strides = array<i32>} : memref<2x16x512xf32, #tpu.memory_space<vmem>>, vector<16xf32>,
        %swap3A_1386 = arith.constant 10 : i32
        %swap3A_1387 = arith.index_cast %and3A_166 : i32 to index
        %swap3A_1388 = arith.index_cast %swap3A_1386 : i32 to index
        %swap3A_1389 = arith.index_cast %mul3A_229 : i32 to index
        %swap3A_1390 = tpu.vector_load %arg7[%swap3A_1387, %swap3A_1388, %swap3A_1389] {strides = array<i32>} : memref<2x16x512xf32, #tpu.memory_space<vmem>>, vector<16xf32>,
        tpu.vector_store %arg7[%swap3A_1387, %swap3A_1388, %swap3A_1389], %add3A_1296 {strides = array<i32>} : memref<2x16x512xf32, #tpu.memory_space<vmem>>, vector<16xf32>,
        %swap3A_1391 = arith.constant 11 : i32
        %swap3A_1392 = arith.index_cast %and3A_166 : i32 to index
        %swap3A_1393 = arith.index_cast %swap3A_1391 : i32 to index
        %swap3A_1394 = arith.index_cast %mul3A_229 : i32 to index
        %swap3A_1395 = tpu.vector_load %arg7[%swap3A_1392, %swap3A_1393, %swap3A_1394] {strides = array<i32>} : memref<2x16x512xf32, #tpu.memory_space<vmem>>, vector<16xf32>,
        tpu.vector_store %arg7[%swap3A_1392, %swap3A_1393, %swap3A_1394], %add3A_1304 {strides = array<i32>} : memref<2x16x512xf32, #tpu.memory_space<vmem>>, vector<16xf32>,
        %swap3A_1396 = arith.constant 12 : i32
        %swap3A_1397 = arith.index_cast %and3A_166 : i32 to index
        %swap3A_1398 = arith.index_cast %swap3A_1396 : i32 to index
        %swap3A_1399 = arith.index_cast %mul3A_229 : i32 to index
        %swap3A_1400 = tpu.vector_load %arg7[%swap3A_1397, %swap3A_1398, %swap3A_1399] {strides = array<i32>} : memref<2x16x512xf32, #tpu.memory_space<vmem>>, vector<16xf32>,
        tpu.vector_store %arg7[%swap3A_1397, %swap3A_1398, %swap3A_1399], %add3A_1312 {strides = array<i32>} : memref<2x16x512xf32, #tpu.memory_space<vmem>>, vector<16xf32>,
        %swap3A_1401 = arith.constant 13 : i32
        %swap3A_1402 = arith.index_cast %and3A_166 : i32 to index
        %swap3A_1403 = arith.index_cast %swap3A_1401 : i32 to index
        %swap3A_1404 = arith.index_cast %mul3A_229 : i32 to index
        %swap3A_1405 = tpu.vector_load %arg7[%swap3A_1402, %swap3A_1403, %swap3A_1404] {strides = array<i32>} : memref<2x16x512xf32, #tpu.memory_space<vmem>>, vector<16xf32>,
        tpu.vector_store %arg7[%swap3A_1402, %swap3A_1403, %swap3A_1404], %add3A_1320 {strides = array<i32>} : memref<2x16x512xf32, #tpu.memory_space<vmem>>, vector<16xf32>,
        %swap3A_1406 = arith.constant 14 : i32
        %swap3A_1407 = arith.index_cast %and3A_166 : i32 to index
        %swap3A_1408 = arith.index_cast %swap3A_1406 : i32 to index
        %swap3A_1409 = arith.index_cast %mul3A_229 : i32 to index
        %swap3A_1410 = tpu.vector_load %arg7[%swap3A_1407, %swap3A_1408, %swap3A_1409] {strides = array<i32>} : memref<2x16x512xf32, #tpu.memory_space<vmem>>, vector<16xf32>,
        tpu.vector_store %arg7[%swap3A_1407, %swap3A_1408, %swap3A_1409], %add3A_1328 {strides = array<i32>} : memref<2x16x512xf32, #tpu.memory_space<vmem>>, vector<16xf32>,
        %swap3A_1411 = arith.constant 15 : i32
        %swap3A_1412 = arith.index_cast %and3A_166 : i32 to index
        %swap3A_1413 = arith.index_cast %swap3A_1411 : i32 to index
        %swap3A_1414 = arith.index_cast %mul3A_229 : i32 to index
        %swap3A_1415 = tpu.vector_load %arg7[%swap3A_1412, %swap3A_1413, %swap3A_1414] {strides = array<i32>} : memref<2x16x512xf32, #tpu.memory_space<vmem>>, vector<16xf32>,
        tpu.vector_store %arg7[%swap3A_1412, %swap3A_1413, %swap3A_1414], %add3A_1336 {strides = array<i32>} : memref<2x16x512xf32, #tpu.memory_space<vmem>>, vector<16xf32>,
        %scan3A_1416 = arith.constant 1 : i32
        %scan3A_1417 = arith.addi %scan3A_227, %scan3A_1416 : i32
        %mul3A_1418 = arith.constant 16 : i32
        %mul3A_1419 = arith.muli %scan3A_1417, %mul3A_1418 : i32
        %get3A_1420 = arith.constant 0 : i32
        %get3A_1421 = arith.index_cast %and3A_166 : i32 to index
        %get3A_1422 = arith.index_cast %get3A_1420 : i32 to index
        %get3A_1423 = arith.index_cast %mul3A_1419 : i32 to index
        %get3A_1424 = tpu.vector_load %arg5[%get3A_1421, %get3A_1422, %get3A_1423] {strides = array<i32>} : memref<2x8x512xf32, #tpu.memory_space<vmem>>, vector<16xf32>,
        %get3A_1425 = arith.constant 1 : i32
        %get3A_1426 = arith.index_cast %and3A_166 : i32 to index
        %get3A_1427 = arith.index_cast %get3A_1425 : i32 to index
        %get3A_1428 = arith.index_cast %mul3A_1419 : i32 to index
        %get3A_1429 = tpu.vector_load %arg5[%get3A_1426, %get3A_1427, %get3A_1428] {strides = array<i32>} : memref<2x8x512xf32, #tpu.memory_space<vmem>>, vector<16xf32>,
        %get3A_1430 = arith.constant 2 : i32
        %get3A_1431 = arith.index_cast %and3A_166 : i32 to index
        %get3A_1432 = arith.index_cast %get3A_1430 : i32 to index
        %get3A_1433 = arith.index_cast %mul3A_1419 : i32 to index
        %get3A_1434 = tpu.vector_load %arg5[%get3A_1431, %get3A_1432, %get3A_1433] {strides = array<i32>} : memref<2x8x512xf32, #tpu.memory_space<vmem>>, vector<16xf32>,
        %get3A_1435 = arith.constant 3 : i32
        %get3A_1436 = arith.index_cast %and3A_166 : i32 to index
        %get3A_1437 = arith.index_cast %get3A_1435 : i32 to index
        %get3A_1438 = arith.index_cast %mul3A_1419 : i32 to index
        %get3A_1439 = tpu.vector_load %arg5[%get3A_1436, %get3A_1437, %get3A_1438] {strides = array<i32>} : memref<2x8x512xf32, #tpu.memory_space<vmem>>, vector<16xf32>,
        %get3A_1440 = arith.constant 4 : i32
        %get3A_1441 = arith.index_cast %and3A_166 : i32 to index
        %get3A_1442 = arith.index_cast %get3A_1440 : i32 to index
        %get3A_1443 = arith.index_cast %mul3A_1419 : i32 to index
        %get3A_1444 = tpu.vector_load %arg5[%get3A_1441, %get3A_1442, %get3A_1443] {strides = array<i32>} : memref<2x8x512xf32, #tpu.memory_space<vmem>>, vector<16xf32>,
        %get3A_1445 = arith.constant 5 : i32
        %get3A_1446 = arith.index_cast %and3A_166 : i32 to index
        %get3A_1447 = arith.index_cast %get3A_1445 : i32 to index
        %get3A_1448 = arith.index_cast %mul3A_1419 : i32 to index
        %get3A_1449 = tpu.vector_load %arg5[%get3A_1446, %get3A_1447, %get3A_1448] {strides = array<i32>} : memref<2x8x512xf32, #tpu.memory_space<vmem>>, vector<16xf32>,
        %get3A_1450 = arith.constant 6 : i32
        %get3A_1451 = arith.index_cast %and3A_166 : i32 to index
        %get3A_1452 = arith.index_cast %get3A_1450 : i32 to index
        %get3A_1453 = arith.index_cast %mul3A_1419 : i32 to index
        %get3A_1454 = tpu.vector_load %arg5[%get3A_1451, %get3A_1452, %get3A_1453] {strides = array<i32>} : memref<2x8x512xf32, #tpu.memory_space<vmem>>, vector<16xf32>,
        %get3A_1455 = arith.constant 7 : i32
        %get3A_1456 = arith.index_cast %and3A_166 : i32 to index
        %get3A_1457 = arith.index_cast %get3A_1455 : i32 to index
        %get3A_1458 = arith.index_cast %mul3A_1419 : i32 to index
        %get3A_1459 = tpu.vector_load %arg5[%get3A_1456, %get3A_1457, %get3A_1458] {strides = array<i32>} : memref<2x8x512xf32, #tpu.memory_space<vmem>>, vector<16xf32>,
        %bitcast_convert_type3A_1460 = tpu.bitcast %get3A_1424 : vector<16xf32> -> vector<16xi32>
        %and3A_1461 = arith.constant -8 : i32
        %and3A_1462 = vector.broadcast %and3A_1461 : i32 to vector<16xi32>
        %and3A_1463 = arith.andi %bitcast_convert_type3A_1460, %and3A_1462 : vector<16xi32>
        %bitcast_convert_type3A_1464 = tpu.bitcast %and3A_1463 : vector<16xi32> -> vector<16xf32>
        %bitcast_convert_type3A_1465 = tpu.bitcast %get3A_1429 : vector<16xf32> -> vector<16xi32>
        %and3A_1466 = arith.constant -8 : i32
        %and3A_1467 = vector.broadcast %and3A_1466 : i32 to vector<16xi32>
        %and3A_1468 = arith.andi %bitcast_convert_type3A_1465, %and3A_1467 : vector<16xi32>
        %or3A_1469 = arith.constant 1 : i32
        %or3A_1470 = vector.broadcast %or3A_1469 : i32 to vector<16xi32>
        %or3A_1471 = arith.ori %and3A_1468, %or3A_1470 : vector<16xi32>
        %bitcast_convert_type3A_1472 = tpu.bitcast %or3A_1471 : vector<16xi32> -> vector<16xf32>
        %bitcast_convert_type3A_1473 = tpu.bitcast %get3A_1434 : vector<16xf32> -> vector<16xi32>
        %and3A_1474 = arith.constant -8 : i32
        %and3A_1475 = vector.broadcast %and3A_1474 : i32 to vector<16xi32>
        %and3A_1476 = arith.andi %bitcast_convert_type3A_1473, %and3A_1475 : vector<16xi32>
        %or3A_1477 = arith.constant 2 : i32
        %or3A_1478 = vector.broadcast %or3A_1477 : i32 to vector<16xi32>
        %or3A_1479 = arith.ori %and3A_1476, %or3A_1478 : vector<16xi32>
        %bitcast_convert_type3A_1480 = tpu.bitcast %or3A_1479 : vector<16xi32> -> vector<16xf32>
        %bitcast_convert_type3A_1481 = tpu.bitcast %get3A_1439 : vector<16xf32> -> vector<16xi32>
        %and3A_1482 = arith.constant -8 : i32
        %and3A_1483 = vector.broadcast %and3A_1482 : i32 to vector<16xi32>
        %and3A_1484 = arith.andi %bitcast_convert_type3A_1481, %and3A_1483 : vector<16xi32>
        %or3A_1485 = arith.constant 3 : i32
        %or3A_1486 = vector.broadcast %or3A_1485 : i32 to vector<16xi32>
        %or3A_1487 = arith.ori %and3A_1484, %or3A_1486 : vector<16xi32>
        %bitcast_convert_type3A_1488 = tpu.bitcast %or3A_1487 : vector<16xi32> -> vector<16xf32>
        %bitcast_convert_type3A_1489 = tpu.bitcast %get3A_1444 : vector<16xf32> -> vector<16xi32>
        %and3A_1490 = arith.constant -8 : i32
        %and3A_1491 = vector.broadcast %and3A_1490 : i32 to vector<16xi32>
        %and3A_1492 = arith.andi %bitcast_convert_type3A_1489, %and3A_1491 : vector<16xi32>
        %or3A_1493 = arith.constant 4 : i32
        %or3A_1494 = vector.broadcast %or3A_1493 : i32 to vector<16xi32>
        %or3A_1495 = arith.ori %and3A_1492, %or3A_1494 : vector<16xi32>
        %bitcast_convert_type3A_1496 = tpu.bitcast %or3A_1495 : vector<16xi32> -> vector<16xf32>
        %bitcast_convert_type3A_1497 = tpu.bitcast %get3A_1449 : vector<16xf32> -> vector<16xi32>
        %and3A_1498 = arith.constant -8 : i32
        %and3A_1499 = vector.broadcast %and3A_1498 : i32 to vector<16xi32>
        %and3A_1500 = arith.andi %bitcast_convert_type3A_1497, %and3A_1499 : vector<16xi32>
        %or3A_1501 = arith.constant 5 : i32
        %or3A_1502 = vector.broadcast %or3A_1501 : i32 to vector<16xi32>
        %or3A_1503 = arith.ori %and3A_1500, %or3A_1502 : vector<16xi32>
        %bitcast_convert_type3A_1504 = tpu.bitcast %or3A_1503 : vector<16xi32> -> vector<16xf32>
        %bitcast_convert_type3A_1505 = tpu.bitcast %get3A_1454 : vector<16xf32> -> vector<16xi32>
        %and3A_1506 = arith.constant -8 : i32
        %and3A_1507 = vector.broadcast %and3A_1506 : i32 to vector<16xi32>
        %and3A_1508 = arith.andi %bitcast_convert_type3A_1505, %and3A_1507 : vector<16xi32>
        %or3A_1509 = arith.constant 6 : i32
        %or3A_1510 = vector.broadcast %or3A_1509 : i32 to vector<16xi32>
        %or3A_1511 = arith.ori %and3A_1508, %or3A_1510 : vector<16xi32>
        %bitcast_convert_type3A_1512 = tpu.bitcast %or3A_1511 : vector<16xi32> -> vector<16xf32>
        %bitcast_convert_type3A_1513 = tpu.bitcast %get3A_1459 : vector<16xf32> -> vector<16xi32>
        %and3A_1514 = arith.constant -8 : i32
        %and3A_1515 = vector.broadcast %and3A_1514 : i32 to vector<16xi32>
        %and3A_1516 = arith.andi %bitcast_convert_type3A_1513, %and3A_1515 : vector<16xi32>
        %or3A_1517 = arith.constant 7 : i32
        %or3A_1518 = vector.broadcast %or3A_1517 : i32 to vector<16xi32>
        %or3A_1519 = arith.ori %and3A_1516, %or3A_1518 : vector<16xi32>
        %bitcast_convert_type3A_1520 = tpu.bitcast %or3A_1519 : vector<16xi32> -> vector<16xf32>
        %min3A_1521 = arith.minimumf %bitcast_convert_type3A_1464, %bitcast_convert_type3A_1472 : vector<16xf32>
        %max3A_1522 = arith.maximumf %bitcast_convert_type3A_1464, %bitcast_convert_type3A_1472 : vector<16xf32>
        %min3A_1523 = arith.minimumf %bitcast_convert_type3A_1480, %bitcast_convert_type3A_1488 : vector<16xf32>
        %max3A_1524 = arith.maximumf %bitcast_convert_type3A_1480, %bitcast_convert_type3A_1488 : vector<16xf32>
        %min3A_1525 = arith.minimumf %bitcast_convert_type3A_1496, %bitcast_convert_type3A_1504 : vector<16xf32>
        %max3A_1526 = arith.maximumf %bitcast_convert_type3A_1496, %bitcast_convert_type3A_1504 : vector<16xf32>
        %min3A_1527 = arith.minimumf %bitcast_convert_type3A_1512, %bitcast_convert_type3A_1520 : vector<16xf32>
        %max3A_1528 = arith.maximumf %bitcast_convert_type3A_1512, %bitcast_convert_type3A_1520 : vector<16xf32>
        %min3A_1529 = arith.minimumf %min3A_1521, %min3A_1523 : vector<16xf32>
        %max3A_1530 = arith.maximumf %min3A_1521, %min3A_1523 : vector<16xf32>
        %min3A_1531 = arith.minimumf %max3A_1522, %max3A_1524 : vector<16xf32>
        %max3A_1532 = arith.maximumf %max3A_1522, %max3A_1524 : vector<16xf32>
        %min3A_1533 = arith.minimumf %min3A_1525, %min3A_1527 : vector<16xf32>
        %max3A_1534 = arith.maximumf %min3A_1525, %min3A_1527 : vector<16xf32>
        %min3A_1535 = arith.minimumf %max3A_1526, %max3A_1528 : vector<16xf32>
        %max3A_1536 = arith.maximumf %max3A_1526, %max3A_1528 : vector<16xf32>
        %min3A_1537 = arith.minimumf %min3A_1531, %max3A_1530 : vector<16xf32>
        %max3A_1538 = arith.maximumf %min3A_1531, %max3A_1530 : vector<16xf32>
        %min3A_1539 = arith.minimumf %min3A_1535, %max3A_1534 : vector<16xf32>
        %max3A_1540 = arith.maximumf %min3A_1535, %max3A_1534 : vector<16xf32>
        %min3A_1541 = arith.minimumf %min3A_1529, %min3A_1533 : vector<16xf32>
        %max3A_1542 = arith.maximumf %min3A_1529, %min3A_1533 : vector<16xf32>
        %min3A_1543 = arith.minimumf %min3A_1537, %min3A_1539 : vector<16xf32>
        %max3A_1544 = arith.maximumf %min3A_1537, %min3A_1539 : vector<16xf32>
        %min3A_1545 = arith.minimumf %max3A_1538, %max3A_1540 : vector<16xf32>
        %max3A_1546 = arith.maximumf %max3A_1538, %max3A_1540 : vector<16xf32>
        %min3A_1547 = arith.minimumf %max3A_1532, %max3A_1536 : vector<16xf32>
        %max3A_1548 = arith.maximumf %max3A_1532, %max3A_1536 : vector<16xf32>
        %min3A_1549 = arith.minimumf %min3A_1545, %max3A_1542 : vector<16xf32>
        %max3A_1550 = arith.maximumf %min3A_1545, %max3A_1542 : vector<16xf32>
        %min3A_1551 = arith.minimumf %min3A_1547, %max3A_1544 : vector<16xf32>
        %max3A_1552 = arith.maximumf %min3A_1547, %max3A_1544 : vector<16xf32>
        %min3A_1553 = arith.minimumf %min3A_1543, %min3A_1549 : vector<16xf32>
        %max3A_1554 = arith.maximumf %min3A_1543, %min3A_1549 : vector<16xf32>
        %min3A_1555 = arith.minimumf %min3A_1551, %max3A_1550 : vector<16xf32>
        %max3A_1556 = arith.maximumf %min3A_1551, %max3A_1550 : vector<16xf32>
        %min3A_1557 = arith.minimumf %max3A_1552, %max3A_1546 : vector<16xf32>
        %max3A_1558 = arith.maximumf %max3A_1552, %max3A_1546 : vector<16xf32>
        %sub3A_1559 = arith.subf %min3A_1553, %min3A_1541 : vector<16xf32>
        %sub3A_1560 = arith.subf %max3A_1554, %min3A_1553 : vector<16xf32>
        %sub3A_1561 = arith.subf %min3A_1555, %max3A_1554 : vector<16xf32>
        %sub3A_1562 = arith.subf %max3A_1556, %min3A_1555 : vector<16xf32>
        %sub3A_1563 = arith.subf %min3A_1557, %max3A_1556 : vector<16xf32>
        %sub3A_1564 = arith.subf %max3A_1558, %min3A_1557 : vector<16xf32>
        %sub3A_1565 = arith.subf %max3A_1548, %max3A_1558 : vector<16xf32>
        %broadcast_in_dim3A_1566 = arith.constant 1 : i32
        %broadcast_in_dim3A_1567 = vector.broadcast %broadcast_in_dim3A_1566 : i32 to vector<16xi32>
        %bitcast_convert_type3A_1568 = tpu.bitcast %min3A_1553 : vector<16xf32> -> vector<16xi32>
        %and3A_1569 = arith.constant 7 : i32
        %and3A_1570 = vector.broadcast %and3A_1569 : i32 to vector<16xi32>
        %and3A_1571 = arith.andi %bitcast_convert_type3A_1568, %and3A_1570 : vector<16xi32>
        %shift_left3A_1572 = arith.shli %broadcast_in_dim3A_1567, %and3A_1571 : vector<16xi32>
        %bitcast_convert_type3A_1573 = tpu.bitcast %max3A_1554 : vector<16xf32> -> vector<16xi32>
        %and3A_1574 = arith.constant 7 : i32
        %and3A_1575 = vector.broadcast %and3A_1574 : i32 to vector<16xi32>
        %and3A_1576 = arith.andi %bitcast_convert_type3A_1573, %and3A_1575 : vector<16xi32>
        %shift_left3A_1577 = arith.shli %broadcast_in_dim3A_1567, %and3A_1576 : vector<16xi32>
        %bitcast_convert_type3A_1578 = tpu.bitcast %min3A_1555 : vector<16xf32> -> vector<16xi32>
        %and3A_1579 = arith.constant 7 : i32
        %and3A_1580 = vector.broadcast %and3A_1579 : i32 to vector<16xi32>
        %and3A_1581 = arith.andi %bitcast_convert_type3A_1578, %and3A_1580 : vector<16xi32>
        %shift_left3A_1582 = arith.shli %broadcast_in_dim3A_1567, %and3A_1581 : vector<16xi32>
        %bitcast_convert_type3A_1583 = tpu.bitcast %max3A_1556 : vector<16xf32> -> vector<16xi32>
        %and3A_1584 = arith.constant 7 : i32
        %and3A_1585 = vector.broadcast %and3A_1584 : i32 to vector<16xi32>
        %and3A_1586 = arith.andi %bitcast_convert_type3A_1583, %and3A_1585 : vector<16xi32>
        %shift_left3A_1587 = arith.shli %broadcast_in_dim3A_1567, %and3A_1586 : vector<16xi32>
        %bitcast_convert_type3A_1588 = tpu.bitcast %min3A_1557 : vector<16xf32> -> vector<16xi32>
        %and3A_1589 = arith.constant 7 : i32
        %and3A_1590 = vector.broadcast %and3A_1589 : i32 to vector<16xi32>
        %and3A_1591 = arith.andi %bitcast_convert_type3A_1588, %and3A_1590 : vector<16xi32>
        %shift_left3A_1592 = arith.shli %broadcast_in_dim3A_1567, %and3A_1591 : vector<16xi32>
        %bitcast_convert_type3A_1593 = tpu.bitcast %max3A_1558 : vector<16xf32> -> vector<16xi32>
        %and3A_1594 = arith.constant 7 : i32
        %and3A_1595 = vector.broadcast %and3A_1594 : i32 to vector<16xi32>
        %and3A_1596 = arith.andi %bitcast_convert_type3A_1593, %and3A_1595 : vector<16xi32>
        %shift_left3A_1597 = arith.shli %broadcast_in_dim3A_1567, %and3A_1596 : vector<16xi32>
        %bitcast_convert_type3A_1598 = tpu.bitcast %max3A_1548 : vector<16xf32> -> vector<16xi32>
        %and3A_1599 = arith.constant 7 : i32
        %and3A_1600 = vector.broadcast %and3A_1599 : i32 to vector<16xi32>
        %and3A_1601 = arith.andi %bitcast_convert_type3A_1598, %and3A_1600 : vector<16xi32>
        %shift_left3A_1602 = arith.shli %broadcast_in_dim3A_1567, %and3A_1601 : vector<16xi32>
        %add3A_1603 = arith.addi %shift_left3A_1602, %shift_left3A_1597 : vector<16xi32>
        %add3A_1604 = arith.addi %add3A_1603, %shift_left3A_1592 : vector<16xi32>
        %add3A_1605 = arith.addi %add3A_1604, %shift_left3A_1587 : vector<16xi32>
        %add3A_1606 = arith.addi %add3A_1605, %shift_left3A_1582 : vector<16xi32>
        %add3A_1607 = arith.addi %add3A_1606, %shift_left3A_1577 : vector<16xi32>
        %add3A_1608 = arith.addi %add3A_1607, %shift_left3A_1572 : vector<16xi32>
        %broadcast_in_dim3A_1609 = arith.constant 0.000000e+00 : f32
        %broadcast_in_dim3A_1610 = vector.broadcast %broadcast_in_dim3A_1609 : f32 to vector<16xf32>
        %gather3A_1611 = arith.constant 0 : i32
        %gather3A_1612 = tpu.memref_slice %arg6[%and3A_166, %gather3A_1611] : memref<2x256xi32, #tpu.memory_space<vmem>> -> memref<1x256xi32, #tpu.memory_space<vmem>>
        %gather3A_1613 = tpu.memref_squeeze %gather3A_1612 : memref<1x256xi32, #tpu.memory_space<vmem>> -> memref<256xi32, #tpu.memory_space<vmem>>
        %gather3A_1614 = tpu.vector_load_idx %gather3A_1613[%add3A_1608] : memref<256xi32, #tpu.memory_space<vmem>>[vector<16xi32>], vector<16xi32>,
        %and3A_1615 = arith.constant 1 : i32
        %and3A_1616 = vector.broadcast %and3A_1615 : i32 to vector<16xi32>
        %and3A_1617 = arith.andi %gather3A_1614, %and3A_1616 : vector<16xi32>
        %ne3A_1618 = arith.constant 0 : i32
        %ne3A_1619 = vector.broadcast %ne3A_1618 : i32 to vector<16xi32>
        %ne3A_1620 = arith.cmpi ne, %and3A_1617, %ne3A_1619 : vector<16xi32>
        %select_n3A_1621 = arith.select %ne3A_1620, %sub3A_1559, %broadcast_in_dim3A_1610 : vector<16xi1>, vector<16xf32>
        %add3A_1622 = arith.addf %min3A_1541, %select_n3A_1621 : vector<16xf32>
        %and3A_1623 = arith.constant 2 : i32
        %and3A_1624 = vector.broadcast %and3A_1623 : i32 to vector<16xi32>
        %and3A_1625 = arith.andi %gather3A_1614, %and3A_1624 : vector<16xi32>
        %ne3A_1626 = arith.constant 0 : i32
        %ne3A_1627 = vector.broadcast %ne3A_1626 : i32 to vector<16xi32>
        %ne3A_1628 = arith.cmpi ne, %and3A_1625, %ne3A_1627 : vector<16xi32>
        %select_n3A_1629 = arith.select %ne3A_1628, %sub3A_1559, %broadcast_in_dim3A_1610 : vector<16xi1>, vector<16xf32>
        %add3A_1630 = arith.addf %min3A_1541, %select_n3A_1629 : vector<16xf32>
        %and3A_1631 = arith.constant 4 : i32
        %and3A_1632 = vector.broadcast %and3A_1631 : i32 to vector<16xi32>
        %and3A_1633 = arith.andi %gather3A_1614, %and3A_1632 : vector<16xi32>
        %ne3A_1634 = arith.constant 0 : i32
        %ne3A_1635 = vector.broadcast %ne3A_1634 : i32 to vector<16xi32>
        %ne3A_1636 = arith.cmpi ne, %and3A_1633, %ne3A_1635 : vector<16xi32>
        %select_n3A_1637 = arith.select %ne3A_1636, %sub3A_1559, %broadcast_in_dim3A_1610 : vector<16xi1>, vector<16xf32>
        %add3A_1638 = arith.addf %min3A_1541, %select_n3A_1637 : vector<16xf32>
        %and3A_1639 = arith.constant 8 : i32
        %and3A_1640 = vector.broadcast %and3A_1639 : i32 to vector<16xi32>
        %and3A_1641 = arith.andi %gather3A_1614, %and3A_1640 : vector<16xi32>
        %ne3A_1642 = arith.constant 0 : i32
        %ne3A_1643 = vector.broadcast %ne3A_1642 : i32 to vector<16xi32>
        %ne3A_1644 = arith.cmpi ne, %and3A_1641, %ne3A_1643 : vector<16xi32>
        %select_n3A_1645 = arith.select %ne3A_1644, %sub3A_1559, %broadcast_in_dim3A_1610 : vector<16xi1>, vector<16xf32>
        %add3A_1646 = arith.addf %min3A_1541, %select_n3A_1645 : vector<16xf32>
        %and3A_1647 = arith.constant 16 : i32
        %and3A_1648 = vector.broadcast %and3A_1647 : i32 to vector<16xi32>
        %and3A_1649 = arith.andi %gather3A_1614, %and3A_1648 : vector<16xi32>
        %ne3A_1650 = arith.constant 0 : i32
        %ne3A_1651 = vector.broadcast %ne3A_1650 : i32 to vector<16xi32>
        %ne3A_1652 = arith.cmpi ne, %and3A_1649, %ne3A_1651 : vector<16xi32>
        %select_n3A_1653 = arith.select %ne3A_1652, %sub3A_1559, %broadcast_in_dim3A_1610 : vector<16xi1>, vector<16xf32>
        %add3A_1654 = arith.addf %min3A_1541, %select_n3A_1653 : vector<16xf32>
        %and3A_1655 = arith.constant 32 : i32
        %and3A_1656 = vector.broadcast %and3A_1655 : i32 to vector<16xi32>
        %and3A_1657 = arith.andi %gather3A_1614, %and3A_1656 : vector<16xi32>
        %ne3A_1658 = arith.constant 0 : i32
        %ne3A_1659 = vector.broadcast %ne3A_1658 : i32 to vector<16xi32>
        %ne3A_1660 = arith.cmpi ne, %and3A_1657, %ne3A_1659 : vector<16xi32>
        %select_n3A_1661 = arith.select %ne3A_1660, %sub3A_1559, %broadcast_in_dim3A_1610 : vector<16xi1>, vector<16xf32>
        %add3A_1662 = arith.addf %min3A_1541, %select_n3A_1661 : vector<16xf32>
        %and3A_1663 = arith.constant 64 : i32
        %and3A_1664 = vector.broadcast %and3A_1663 : i32 to vector<16xi32>
        %and3A_1665 = arith.andi %gather3A_1614, %and3A_1664 : vector<16xi32>
        %ne3A_1666 = arith.constant 0 : i32
        %ne3A_1667 = vector.broadcast %ne3A_1666 : i32 to vector<16xi32>
        %ne3A_1668 = arith.cmpi ne, %and3A_1665, %ne3A_1667 : vector<16xi32>
        %select_n3A_1669 = arith.select %ne3A_1668, %sub3A_1559, %broadcast_in_dim3A_1610 : vector<16xi1>, vector<16xf32>
        %add3A_1670 = arith.addf %min3A_1541, %select_n3A_1669 : vector<16xf32>
        %and3A_1671 = arith.constant 128 : i32
        %and3A_1672 = vector.broadcast %and3A_1671 : i32 to vector<16xi32>
        %and3A_1673 = arith.andi %gather3A_1614, %and3A_1672 : vector<16xi32>
        %ne3A_1674 = arith.constant 0 : i32
        %ne3A_1675 = vector.broadcast %ne3A_1674 : i32 to vector<16xi32>
        %ne3A_1676 = arith.cmpi ne, %and3A_1673, %ne3A_1675 : vector<16xi32>
        %select_n3A_1677 = arith.select %ne3A_1676, %sub3A_1559, %broadcast_in_dim3A_1610 : vector<16xi1>, vector<16xf32>
        %add3A_1678 = arith.addf %min3A_1541, %select_n3A_1677 : vector<16xf32>
        %and3A_1679 = arith.constant 256 : i32
        %and3A_1680 = vector.broadcast %and3A_1679 : i32 to vector<16xi32>
        %and3A_1681 = arith.andi %gather3A_1614, %and3A_1680 : vector<16xi32>
        %ne3A_1682 = arith.constant 0 : i32
        %ne3A_1683 = vector.broadcast %ne3A_1682 : i32 to vector<16xi32>
        %ne3A_1684 = arith.cmpi ne, %and3A_1681, %ne3A_1683 : vector<16xi32>
        %select_n3A_1685 = arith.select %ne3A_1684, %sub3A_1559, %broadcast_in_dim3A_1610 : vector<16xi1>, vector<16xf32>
        %add3A_1686 = arith.addf %min3A_1541, %select_n3A_1685 : vector<16xf32>
        %and3A_1687 = arith.constant 512 : i32
        %and3A_1688 = vector.broadcast %and3A_1687 : i32 to vector<16xi32>
        %and3A_1689 = arith.andi %gather3A_1614, %and3A_1688 : vector<16xi32>
        %ne3A_1690 = arith.constant 0 : i32
        %ne3A_1691 = vector.broadcast %ne3A_1690 : i32 to vector<16xi32>
        %ne3A_1692 = arith.cmpi ne, %and3A_1689, %ne3A_1691 : vector<16xi32>
        %select_n3A_1693 = arith.select %ne3A_1692, %sub3A_1559, %broadcast_in_dim3A_1610 : vector<16xi1>, vector<16xf32>
        %add3A_1694 = arith.addf %min3A_1541, %select_n3A_1693 : vector<16xf32>
        %and3A_1695 = arith.constant 1024 : i32
        %and3A_1696 = vector.broadcast %and3A_1695 : i32 to vector<16xi32>
        %and3A_1697 = arith.andi %gather3A_1614, %and3A_1696 : vector<16xi32>
        %ne3A_1698 = arith.constant 0 : i32
        %ne3A_1699 = vector.broadcast %ne3A_1698 : i32 to vector<16xi32>
        %ne3A_1700 = arith.cmpi ne, %and3A_1697, %ne3A_1699 : vector<16xi32>
        %select_n3A_1701 = arith.select %ne3A_1700, %sub3A_1559, %broadcast_in_dim3A_1610 : vector<16xi1>, vector<16xf32>
        %add3A_1702 = arith.addf %min3A_1541, %select_n3A_1701 : vector<16xf32>
        %and3A_1703 = arith.constant 2048 : i32
        %and3A_1704 = vector.broadcast %and3A_1703 : i32 to vector<16xi32>
        %and3A_1705 = arith.andi %gather3A_1614, %and3A_1704 : vector<16xi32>
        %ne3A_1706 = arith.constant 0 : i32
        %ne3A_1707 = vector.broadcast %ne3A_1706 : i32 to vector<16xi32>
        %ne3A_1708 = arith.cmpi ne, %and3A_1705, %ne3A_1707 : vector<16xi32>
        %select_n3A_1709 = arith.select %ne3A_1708, %sub3A_1559, %broadcast_in_dim3A_1610 : vector<16xi1>, vector<16xf32>
        %add3A_1710 = arith.addf %min3A_1541, %select_n3A_1709 : vector<16xf32>
        %and3A_1711 = arith.constant 4096 : i32
        %and3A_1712 = vector.broadcast %and3A_1711 : i32 to vector<16xi32>
        %and3A_1713 = arith.andi %gather3A_1614, %and3A_1712 : vector<16xi32>
        %ne3A_1714 = arith.constant 0 : i32
        %ne3A_1715 = vector.broadcast %ne3A_1714 : i32 to vector<16xi32>
        %ne3A_1716 = arith.cmpi ne, %and3A_1713, %ne3A_1715 : vector<16xi32>
        %select_n3A_1717 = arith.select %ne3A_1716, %sub3A_1559, %broadcast_in_dim3A_1610 : vector<16xi1>, vector<16xf32>
        %add3A_1718 = arith.addf %min3A_1541, %select_n3A_1717 : vector<16xf32>
        %and3A_1719 = arith.constant 8192 : i32
        %and3A_1720 = vector.broadcast %and3A_1719 : i32 to vector<16xi32>
        %and3A_1721 = arith.andi %gather3A_1614, %and3A_1720 : vector<16xi32>
        %ne3A_1722 = arith.constant 0 : i32
        %ne3A_1723 = vector.broadcast %ne3A_1722 : i32 to vector<16xi32>
        %ne3A_1724 = arith.cmpi ne, %and3A_1721, %ne3A_1723 : vector<16xi32>
        %select_n3A_1725 = arith.select %ne3A_1724, %sub3A_1559, %broadcast_in_dim3A_1610 : vector<16xi1>, vector<16xf32>
        %add3A_1726 = arith.addf %min3A_1541, %select_n3A_1725 : vector<16xf32>
        %and3A_1727 = arith.constant 16384 : i32
        %and3A_1728 = vector.broadcast %and3A_1727 : i32 to vector<16xi32>
        %and3A_1729 = arith.andi %gather3A_1614, %and3A_1728 : vector<16xi32>
        %ne3A_1730 = arith.constant 0 : i32
        %ne3A_1731 = vector.broadcast %ne3A_1730 : i32 to vector<16xi32>
        %ne3A_1732 = arith.cmpi ne, %and3A_1729, %ne3A_1731 : vector<16xi32>
        %select_n3A_1733 = arith.select %ne3A_1732, %sub3A_1559, %broadcast_in_dim3A_1610 : vector<16xi1>, vector<16xf32>
        %add3A_1734 = arith.addf %min3A_1541, %select_n3A_1733 : vector<16xf32>
        %and3A_1735 = arith.constant 32768 : i32
        %and3A_1736 = vector.broadcast %and3A_1735 : i32 to vector<16xi32>
        %and3A_1737 = arith.andi %gather3A_1614, %and3A_1736 : vector<16xi32>
        %ne3A_1738 = arith.constant 0 : i32
        %ne3A_1739 = vector.broadcast %ne3A_1738 : i32 to vector<16xi32>
        %ne3A_1740 = arith.cmpi ne, %and3A_1737, %ne3A_1739 : vector<16xi32>
        %select_n3A_1741 = arith.select %ne3A_1740, %sub3A_1559, %broadcast_in_dim3A_1610 : vector<16xi1>, vector<16xf32>
        %add3A_1742 = arith.addf %min3A_1541, %select_n3A_1741 : vector<16xf32>
        %gather3A_1743 = arith.constant 0 : i32
        %gather3A_1744 = tpu.memref_slice %arg6[%and3A_166, %gather3A_1743] : memref<2x256xi32, #tpu.memory_space<vmem>> -> memref<1x256xi32, #tpu.memory_space<vmem>>
        %gather3A_1745 = tpu.memref_squeeze %gather3A_1744 : memref<1x256xi32, #tpu.memory_space<vmem>> -> memref<256xi32, #tpu.memory_space<vmem>>
        %gather3A_1746 = tpu.vector_load_idx %gather3A_1745[%add3A_1607] : memref<256xi32, #tpu.memory_space<vmem>>[vector<16xi32>], vector<16xi32>,
        %and3A_1747 = arith.constant 1 : i32
        %and3A_1748 = vector.broadcast %and3A_1747 : i32 to vector<16xi32>
        %and3A_1749 = arith.andi %gather3A_1746, %and3A_1748 : vector<16xi32>
        %ne3A_1750 = arith.constant 0 : i32
        %ne3A_1751 = vector.broadcast %ne3A_1750 : i32 to vector<16xi32>
        %ne3A_1752 = arith.cmpi ne, %and3A_1749, %ne3A_1751 : vector<16xi32>
        %select_n3A_1753 = arith.select %ne3A_1752, %sub3A_1560, %broadcast_in_dim3A_1610 : vector<16xi1>, vector<16xf32>
        %add3A_1754 = arith.addf %add3A_1622, %select_n3A_1753 : vector<16xf32>
        %and3A_1755 = arith.constant 2 : i32
        %and3A_1756 = vector.broadcast %and3A_1755 : i32 to vector<16xi32>
        %and3A_1757 = arith.andi %gather3A_1746, %and3A_1756 : vector<16xi32>
        %ne3A_1758 = arith.constant 0 : i32
        %ne3A_1759 = vector.broadcast %ne3A_1758 : i32 to vector<16xi32>
        %ne3A_1760 = arith.cmpi ne, %and3A_1757, %ne3A_1759 : vector<16xi32>
        %select_n3A_1761 = arith.select %ne3A_1760, %sub3A_1560, %broadcast_in_dim3A_1610 : vector<16xi1>, vector<16xf32>
        %add3A_1762 = arith.addf %add3A_1630, %select_n3A_1761 : vector<16xf32>
        %and3A_1763 = arith.constant 4 : i32
        %and3A_1764 = vector.broadcast %and3A_1763 : i32 to vector<16xi32>
        %and3A_1765 = arith.andi %gather3A_1746, %and3A_1764 : vector<16xi32>
        %ne3A_1766 = arith.constant 0 : i32
        %ne3A_1767 = vector.broadcast %ne3A_1766 : i32 to vector<16xi32>
        %ne3A_1768 = arith.cmpi ne, %and3A_1765, %ne3A_1767 : vector<16xi32>
        %select_n3A_1769 = arith.select %ne3A_1768, %sub3A_1560, %broadcast_in_dim3A_1610 : vector<16xi1>, vector<16xf32>
        %add3A_1770 = arith.addf %add3A_1638, %select_n3A_1769 : vector<16xf32>
        %and3A_1771 = arith.constant 8 : i32
        %and3A_1772 = vector.broadcast %and3A_1771 : i32 to vector<16xi32>
        %and3A_1773 = arith.andi %gather3A_1746, %and3A_1772 : vector<16xi32>
        %ne3A_1774 = arith.constant 0 : i32
        %ne3A_1775 = vector.broadcast %ne3A_1774 : i32 to vector<16xi32>
        %ne3A_1776 = arith.cmpi ne, %and3A_1773, %ne3A_1775 : vector<16xi32>
        %select_n3A_1777 = arith.select %ne3A_1776, %sub3A_1560, %broadcast_in_dim3A_1610 : vector<16xi1>, vector<16xf32>
        %add3A_1778 = arith.addf %add3A_1646, %select_n3A_1777 : vector<16xf32>
        %and3A_1779 = arith.constant 16 : i32
        %and3A_1780 = vector.broadcast %and3A_1779 : i32 to vector<16xi32>
        %and3A_1781 = arith.andi %gather3A_1746, %and3A_1780 : vector<16xi32>
        %ne3A_1782 = arith.constant 0 : i32
        %ne3A_1783 = vector.broadcast %ne3A_1782 : i32 to vector<16xi32>
        %ne3A_1784 = arith.cmpi ne, %and3A_1781, %ne3A_1783 : vector<16xi32>
        %select_n3A_1785 = arith.select %ne3A_1784, %sub3A_1560, %broadcast_in_dim3A_1610 : vector<16xi1>, vector<16xf32>
        %add3A_1786 = arith.addf %add3A_1654, %select_n3A_1785 : vector<16xf32>
        %and3A_1787 = arith.constant 32 : i32
        %and3A_1788 = vector.broadcast %and3A_1787 : i32 to vector<16xi32>
        %and3A_1789 = arith.andi %gather3A_1746, %and3A_1788 : vector<16xi32>
        %ne3A_1790 = arith.constant 0 : i32
        %ne3A_1791 = vector.broadcast %ne3A_1790 : i32 to vector<16xi32>
        %ne3A_1792 = arith.cmpi ne, %and3A_1789, %ne3A_1791 : vector<16xi32>
        %select_n3A_1793 = arith.select %ne3A_1792, %sub3A_1560, %broadcast_in_dim3A_1610 : vector<16xi1>, vector<16xf32>
        %add3A_1794 = arith.addf %add3A_1662, %select_n3A_1793 : vector<16xf32>
        %and3A_1795 = arith.constant 64 : i32
        %and3A_1796 = vector.broadcast %and3A_1795 : i32 to vector<16xi32>
        %and3A_1797 = arith.andi %gather3A_1746, %and3A_1796 : vector<16xi32>
        %ne3A_1798 = arith.constant 0 : i32
        %ne3A_1799 = vector.broadcast %ne3A_1798 : i32 to vector<16xi32>
        %ne3A_1800 = arith.cmpi ne, %and3A_1797, %ne3A_1799 : vector<16xi32>
        %select_n3A_1801 = arith.select %ne3A_1800, %sub3A_1560, %broadcast_in_dim3A_1610 : vector<16xi1>, vector<16xf32>
        %add3A_1802 = arith.addf %add3A_1670, %select_n3A_1801 : vector<16xf32>
        %and3A_1803 = arith.constant 128 : i32
        %and3A_1804 = vector.broadcast %and3A_1803 : i32 to vector<16xi32>
        %and3A_1805 = arith.andi %gather3A_1746, %and3A_1804 : vector<16xi32>
        %ne3A_1806 = arith.constant 0 : i32
        %ne3A_1807 = vector.broadcast %ne3A_1806 : i32 to vector<16xi32>
        %ne3A_1808 = arith.cmpi ne, %and3A_1805, %ne3A_1807 : vector<16xi32>
        %select_n3A_1809 = arith.select %ne3A_1808, %sub3A_1560, %broadcast_in_dim3A_1610 : vector<16xi1>, vector<16xf32>
        %add3A_1810 = arith.addf %add3A_1678, %select_n3A_1809 : vector<16xf32>
        %and3A_1811 = arith.constant 256 : i32
        %and3A_1812 = vector.broadcast %and3A_1811 : i32 to vector<16xi32>
        %and3A_1813 = arith.andi %gather3A_1746, %and3A_1812 : vector<16xi32>
        %ne3A_1814 = arith.constant 0 : i32
        %ne3A_1815 = vector.broadcast %ne3A_1814 : i32 to vector<16xi32>
        %ne3A_1816 = arith.cmpi ne, %and3A_1813, %ne3A_1815 : vector<16xi32>
        %select_n3A_1817 = arith.select %ne3A_1816, %sub3A_1560, %broadcast_in_dim3A_1610 : vector<16xi1>, vector<16xf32>
        %add3A_1818 = arith.addf %add3A_1686, %select_n3A_1817 : vector<16xf32>
        %and3A_1819 = arith.constant 512 : i32
        %and3A_1820 = vector.broadcast %and3A_1819 : i32 to vector<16xi32>
        %and3A_1821 = arith.andi %gather3A_1746, %and3A_1820 : vector<16xi32>
        %ne3A_1822 = arith.constant 0 : i32
        %ne3A_1823 = vector.broadcast %ne3A_1822 : i32 to vector<16xi32>
        %ne3A_1824 = arith.cmpi ne, %and3A_1821, %ne3A_1823 : vector<16xi32>
        %select_n3A_1825 = arith.select %ne3A_1824, %sub3A_1560, %broadcast_in_dim3A_1610 : vector<16xi1>, vector<16xf32>
        %add3A_1826 = arith.addf %add3A_1694, %select_n3A_1825 : vector<16xf32>
        %and3A_1827 = arith.constant 1024 : i32
        %and3A_1828 = vector.broadcast %and3A_1827 : i32 to vector<16xi32>
        %and3A_1829 = arith.andi %gather3A_1746, %and3A_1828 : vector<16xi32>
        %ne3A_1830 = arith.constant 0 : i32
        %ne3A_1831 = vector.broadcast %ne3A_1830 : i32 to vector<16xi32>
        %ne3A_1832 = arith.cmpi ne, %and3A_1829, %ne3A_1831 : vector<16xi32>
        %select_n3A_1833 = arith.select %ne3A_1832, %sub3A_1560, %broadcast_in_dim3A_1610 : vector<16xi1>, vector<16xf32>
        %add3A_1834 = arith.addf %add3A_1702, %select_n3A_1833 : vector<16xf32>
        %and3A_1835 = arith.constant 2048 : i32
        %and3A_1836 = vector.broadcast %and3A_1835 : i32 to vector<16xi32>
        %and3A_1837 = arith.andi %gather3A_1746, %and3A_1836 : vector<16xi32>
        %ne3A_1838 = arith.constant 0 : i32
        %ne3A_1839 = vector.broadcast %ne3A_1838 : i32 to vector<16xi32>
        %ne3A_1840 = arith.cmpi ne, %and3A_1837, %ne3A_1839 : vector<16xi32>
        %select_n3A_1841 = arith.select %ne3A_1840, %sub3A_1560, %broadcast_in_dim3A_1610 : vector<16xi1>, vector<16xf32>
        %add3A_1842 = arith.addf %add3A_1710, %select_n3A_1841 : vector<16xf32>
        %and3A_1843 = arith.constant 4096 : i32
        %and3A_1844 = vector.broadcast %and3A_1843 : i32 to vector<16xi32>
        %and3A_1845 = arith.andi %gather3A_1746, %and3A_1844 : vector<16xi32>
        %ne3A_1846 = arith.constant 0 : i32
        %ne3A_1847 = vector.broadcast %ne3A_1846 : i32 to vector<16xi32>
        %ne3A_1848 = arith.cmpi ne, %and3A_1845, %ne3A_1847 : vector<16xi32>
        %select_n3A_1849 = arith.select %ne3A_1848, %sub3A_1560, %broadcast_in_dim3A_1610 : vector<16xi1>, vector<16xf32>
        %add3A_1850 = arith.addf %add3A_1718, %select_n3A_1849 : vector<16xf32>
        %and3A_1851 = arith.constant 8192 : i32
        %and3A_1852 = vector.broadcast %and3A_1851 : i32 to vector<16xi32>
        %and3A_1853 = arith.andi %gather3A_1746, %and3A_1852 : vector<16xi32>
        %ne3A_1854 = arith.constant 0 : i32
        %ne3A_1855 = vector.broadcast %ne3A_1854 : i32 to vector<16xi32>
        %ne3A_1856 = arith.cmpi ne, %and3A_1853, %ne3A_1855 : vector<16xi32>
        %select_n3A_1857 = arith.select %ne3A_1856, %sub3A_1560, %broadcast_in_dim3A_1610 : vector<16xi1>, vector<16xf32>
        %add3A_1858 = arith.addf %add3A_1726, %select_n3A_1857 : vector<16xf32>
        %and3A_1859 = arith.constant 16384 : i32
        %and3A_1860 = vector.broadcast %and3A_1859 : i32 to vector<16xi32>
        %and3A_1861 = arith.andi %gather3A_1746, %and3A_1860 : vector<16xi32>
        %ne3A_1862 = arith.constant 0 : i32
        %ne3A_1863 = vector.broadcast %ne3A_1862 : i32 to vector<16xi32>
        %ne3A_1864 = arith.cmpi ne, %and3A_1861, %ne3A_1863 : vector<16xi32>
        %select_n3A_1865 = arith.select %ne3A_1864, %sub3A_1560, %broadcast_in_dim3A_1610 : vector<16xi1>, vector<16xf32>
        %add3A_1866 = arith.addf %add3A_1734, %select_n3A_1865 : vector<16xf32>
        %and3A_1867 = arith.constant 32768 : i32
        %and3A_1868 = vector.broadcast %and3A_1867 : i32 to vector<16xi32>
        %and3A_1869 = arith.andi %gather3A_1746, %and3A_1868 : vector<16xi32>
        %ne3A_1870 = arith.constant 0 : i32
        %ne3A_1871 = vector.broadcast %ne3A_1870 : i32 to vector<16xi32>
        %ne3A_1872 = arith.cmpi ne, %and3A_1869, %ne3A_1871 : vector<16xi32>
        %select_n3A_1873 = arith.select %ne3A_1872, %sub3A_1560, %broadcast_in_dim3A_1610 : vector<16xi1>, vector<16xf32>
        %add3A_1874 = arith.addf %add3A_1742, %select_n3A_1873 : vector<16xf32>
        %gather3A_1875 = arith.constant 0 : i32
        %gather3A_1876 = tpu.memref_slice %arg6[%and3A_166, %gather3A_1875] : memref<2x256xi32, #tpu.memory_space<vmem>> -> memref<1x256xi32, #tpu.memory_space<vmem>>
        %gather3A_1877 = tpu.memref_squeeze %gather3A_1876 : memref<1x256xi32, #tpu.memory_space<vmem>> -> memref<256xi32, #tpu.memory_space<vmem>>
        %gather3A_1878 = tpu.vector_load_idx %gather3A_1877[%add3A_1606] : memref<256xi32, #tpu.memory_space<vmem>>[vector<16xi32>], vector<16xi32>,
        %and3A_1879 = arith.constant 1 : i32
        %and3A_1880 = vector.broadcast %and3A_1879 : i32 to vector<16xi32>
        %and3A_1881 = arith.andi %gather3A_1878, %and3A_1880 : vector<16xi32>
        %ne3A_1882 = arith.constant 0 : i32
        %ne3A_1883 = vector.broadcast %ne3A_1882 : i32 to vector<16xi32>
        %ne3A_1884 = arith.cmpi ne, %and3A_1881, %ne3A_1883 : vector<16xi32>
        %select_n3A_1885 = arith.select %ne3A_1884, %sub3A_1561, %broadcast_in_dim3A_1610 : vector<16xi1>, vector<16xf32>
        %add3A_1886 = arith.addf %add3A_1754, %select_n3A_1885 : vector<16xf32>
        %and3A_1887 = arith.constant 2 : i32
        %and3A_1888 = vector.broadcast %and3A_1887 : i32 to vector<16xi32>
        %and3A_1889 = arith.andi %gather3A_1878, %and3A_1888 : vector<16xi32>
        %ne3A_1890 = arith.constant 0 : i32
        %ne3A_1891 = vector.broadcast %ne3A_1890 : i32 to vector<16xi32>
        %ne3A_1892 = arith.cmpi ne, %and3A_1889, %ne3A_1891 : vector<16xi32>
        %select_n3A_1893 = arith.select %ne3A_1892, %sub3A_1561, %broadcast_in_dim3A_1610 : vector<16xi1>, vector<16xf32>
        %add3A_1894 = arith.addf %add3A_1762, %select_n3A_1893 : vector<16xf32>
        %and3A_1895 = arith.constant 4 : i32
        %and3A_1896 = vector.broadcast %and3A_1895 : i32 to vector<16xi32>
        %and3A_1897 = arith.andi %gather3A_1878, %and3A_1896 : vector<16xi32>
        %ne3A_1898 = arith.constant 0 : i32
        %ne3A_1899 = vector.broadcast %ne3A_1898 : i32 to vector<16xi32>
        %ne3A_1900 = arith.cmpi ne, %and3A_1897, %ne3A_1899 : vector<16xi32>
        %select_n3A_1901 = arith.select %ne3A_1900, %sub3A_1561, %broadcast_in_dim3A_1610 : vector<16xi1>, vector<16xf32>
        %add3A_1902 = arith.addf %add3A_1770, %select_n3A_1901 : vector<16xf32>
        %and3A_1903 = arith.constant 8 : i32
        %and3A_1904 = vector.broadcast %and3A_1903 : i32 to vector<16xi32>
        %and3A_1905 = arith.andi %gather3A_1878, %and3A_1904 : vector<16xi32>
        %ne3A_1906 = arith.constant 0 : i32
        %ne3A_1907 = vector.broadcast %ne3A_1906 : i32 to vector<16xi32>
        %ne3A_1908 = arith.cmpi ne, %and3A_1905, %ne3A_1907 : vector<16xi32>
        %select_n3A_1909 = arith.select %ne3A_1908, %sub3A_1561, %broadcast_in_dim3A_1610 : vector<16xi1>, vector<16xf32>
        %add3A_1910 = arith.addf %add3A_1778, %select_n3A_1909 : vector<16xf32>
        %and3A_1911 = arith.constant 16 : i32
        %and3A_1912 = vector.broadcast %and3A_1911 : i32 to vector<16xi32>
        %and3A_1913 = arith.andi %gather3A_1878, %and3A_1912 : vector<16xi32>
        %ne3A_1914 = arith.constant 0 : i32
        %ne3A_1915 = vector.broadcast %ne3A_1914 : i32 to vector<16xi32>
        %ne3A_1916 = arith.cmpi ne, %and3A_1913, %ne3A_1915 : vector<16xi32>
        %select_n3A_1917 = arith.select %ne3A_1916, %sub3A_1561, %broadcast_in_dim3A_1610 : vector<16xi1>, vector<16xf32>
        %add3A_1918 = arith.addf %add3A_1786, %select_n3A_1917 : vector<16xf32>
        %and3A_1919 = arith.constant 32 : i32
        %and3A_1920 = vector.broadcast %and3A_1919 : i32 to vector<16xi32>
        %and3A_1921 = arith.andi %gather3A_1878, %and3A_1920 : vector<16xi32>
        %ne3A_1922 = arith.constant 0 : i32
        %ne3A_1923 = vector.broadcast %ne3A_1922 : i32 to vector<16xi32>
        %ne3A_1924 = arith.cmpi ne, %and3A_1921, %ne3A_1923 : vector<16xi32>
        %select_n3A_1925 = arith.select %ne3A_1924, %sub3A_1561, %broadcast_in_dim3A_1610 : vector<16xi1>, vector<16xf32>
        %add3A_1926 = arith.addf %add3A_1794, %select_n3A_1925 : vector<16xf32>
        %and3A_1927 = arith.constant 64 : i32
        %and3A_1928 = vector.broadcast %and3A_1927 : i32 to vector<16xi32>
        %and3A_1929 = arith.andi %gather3A_1878, %and3A_1928 : vector<16xi32>
        %ne3A_1930 = arith.constant 0 : i32
        %ne3A_1931 = vector.broadcast %ne3A_1930 : i32 to vector<16xi32>
        %ne3A_1932 = arith.cmpi ne, %and3A_1929, %ne3A_1931 : vector<16xi32>
        %select_n3A_1933 = arith.select %ne3A_1932, %sub3A_1561, %broadcast_in_dim3A_1610 : vector<16xi1>, vector<16xf32>
        %add3A_1934 = arith.addf %add3A_1802, %select_n3A_1933 : vector<16xf32>
        %and3A_1935 = arith.constant 128 : i32
        %and3A_1936 = vector.broadcast %and3A_1935 : i32 to vector<16xi32>
        %and3A_1937 = arith.andi %gather3A_1878, %and3A_1936 : vector<16xi32>
        %ne3A_1938 = arith.constant 0 : i32
        %ne3A_1939 = vector.broadcast %ne3A_1938 : i32 to vector<16xi32>
        %ne3A_1940 = arith.cmpi ne, %and3A_1937, %ne3A_1939 : vector<16xi32>
        %select_n3A_1941 = arith.select %ne3A_1940, %sub3A_1561, %broadcast_in_dim3A_1610 : vector<16xi1>, vector<16xf32>
        %add3A_1942 = arith.addf %add3A_1810, %select_n3A_1941 : vector<16xf32>
        %and3A_1943 = arith.constant 256 : i32
        %and3A_1944 = vector.broadcast %and3A_1943 : i32 to vector<16xi32>
        %and3A_1945 = arith.andi %gather3A_1878, %and3A_1944 : vector<16xi32>
        %ne3A_1946 = arith.constant 0 : i32
        %ne3A_1947 = vector.broadcast %ne3A_1946 : i32 to vector<16xi32>
        %ne3A_1948 = arith.cmpi ne, %and3A_1945, %ne3A_1947 : vector<16xi32>
        %select_n3A_1949 = arith.select %ne3A_1948, %sub3A_1561, %broadcast_in_dim3A_1610 : vector<16xi1>, vector<16xf32>
        %add3A_1950 = arith.addf %add3A_1818, %select_n3A_1949 : vector<16xf32>
        %and3A_1951 = arith.constant 512 : i32
        %and3A_1952 = vector.broadcast %and3A_1951 : i32 to vector<16xi32>
        %and3A_1953 = arith.andi %gather3A_1878, %and3A_1952 : vector<16xi32>
        %ne3A_1954 = arith.constant 0 : i32
        %ne3A_1955 = vector.broadcast %ne3A_1954 : i32 to vector<16xi32>
        %ne3A_1956 = arith.cmpi ne, %and3A_1953, %ne3A_1955 : vector<16xi32>
        %select_n3A_1957 = arith.select %ne3A_1956, %sub3A_1561, %broadcast_in_dim3A_1610 : vector<16xi1>, vector<16xf32>
        %add3A_1958 = arith.addf %add3A_1826, %select_n3A_1957 : vector<16xf32>
        %and3A_1959 = arith.constant 1024 : i32
        %and3A_1960 = vector.broadcast %and3A_1959 : i32 to vector<16xi32>
        %and3A_1961 = arith.andi %gather3A_1878, %and3A_1960 : vector<16xi32>
        %ne3A_1962 = arith.constant 0 : i32
        %ne3A_1963 = vector.broadcast %ne3A_1962 : i32 to vector<16xi32>
        %ne3A_1964 = arith.cmpi ne, %and3A_1961, %ne3A_1963 : vector<16xi32>
        %select_n3A_1965 = arith.select %ne3A_1964, %sub3A_1561, %broadcast_in_dim3A_1610 : vector<16xi1>, vector<16xf32>
        %add3A_1966 = arith.addf %add3A_1834, %select_n3A_1965 : vector<16xf32>
        %and3A_1967 = arith.constant 2048 : i32
        %and3A_1968 = vector.broadcast %and3A_1967 : i32 to vector<16xi32>
        %and3A_1969 = arith.andi %gather3A_1878, %and3A_1968 : vector<16xi32>
        %ne3A_1970 = arith.constant 0 : i32
        %ne3A_1971 = vector.broadcast %ne3A_1970 : i32 to vector<16xi32>
        %ne3A_1972 = arith.cmpi ne, %and3A_1969, %ne3A_1971 : vector<16xi32>
        %select_n3A_1973 = arith.select %ne3A_1972, %sub3A_1561, %broadcast_in_dim3A_1610 : vector<16xi1>, vector<16xf32>
        %add3A_1974 = arith.addf %add3A_1842, %select_n3A_1973 : vector<16xf32>
        %and3A_1975 = arith.constant 4096 : i32
        %and3A_1976 = vector.broadcast %and3A_1975 : i32 to vector<16xi32>
        %and3A_1977 = arith.andi %gather3A_1878, %and3A_1976 : vector<16xi32>
        %ne3A_1978 = arith.constant 0 : i32
        %ne3A_1979 = vector.broadcast %ne3A_1978 : i32 to vector<16xi32>
        %ne3A_1980 = arith.cmpi ne, %and3A_1977, %ne3A_1979 : vector<16xi32>
        %select_n3A_1981 = arith.select %ne3A_1980, %sub3A_1561, %broadcast_in_dim3A_1610 : vector<16xi1>, vector<16xf32>
        %add3A_1982 = arith.addf %add3A_1850, %select_n3A_1981 : vector<16xf32>
        %and3A_1983 = arith.constant 8192 : i32
        %and3A_1984 = vector.broadcast %and3A_1983 : i32 to vector<16xi32>
        %and3A_1985 = arith.andi %gather3A_1878, %and3A_1984 : vector<16xi32>
        %ne3A_1986 = arith.constant 0 : i32
        %ne3A_1987 = vector.broadcast %ne3A_1986 : i32 to vector<16xi32>
        %ne3A_1988 = arith.cmpi ne, %and3A_1985, %ne3A_1987 : vector<16xi32>
        %select_n3A_1989 = arith.select %ne3A_1988, %sub3A_1561, %broadcast_in_dim3A_1610 : vector<16xi1>, vector<16xf32>
        %add3A_1990 = arith.addf %add3A_1858, %select_n3A_1989 : vector<16xf32>
        %and3A_1991 = arith.constant 16384 : i32
        %and3A_1992 = vector.broadcast %and3A_1991 : i32 to vector<16xi32>
        %and3A_1993 = arith.andi %gather3A_1878, %and3A_1992 : vector<16xi32>
        %ne3A_1994 = arith.constant 0 : i32
        %ne3A_1995 = vector.broadcast %ne3A_1994 : i32 to vector<16xi32>
        %ne3A_1996 = arith.cmpi ne, %and3A_1993, %ne3A_1995 : vector<16xi32>
        %select_n3A_1997 = arith.select %ne3A_1996, %sub3A_1561, %broadcast_in_dim3A_1610 : vector<16xi1>, vector<16xf32>
        %add3A_1998 = arith.addf %add3A_1866, %select_n3A_1997 : vector<16xf32>
        %and3A_1999 = arith.constant 32768 : i32
        %and3A_2000 = vector.broadcast %and3A_1999 : i32 to vector<16xi32>
        %and3A_2001 = arith.andi %gather3A_1878, %and3A_2000 : vector<16xi32>
        %ne3A_2002 = arith.constant 0 : i32
        %ne3A_2003 = vector.broadcast %ne3A_2002 : i32 to vector<16xi32>
        %ne3A_2004 = arith.cmpi ne, %and3A_2001, %ne3A_2003 : vector<16xi32>
        %select_n3A_2005 = arith.select %ne3A_2004, %sub3A_1561, %broadcast_in_dim3A_1610 : vector<16xi1>, vector<16xf32>
        %add3A_2006 = arith.addf %add3A_1874, %select_n3A_2005 : vector<16xf32>
        %gather3A_2007 = arith.constant 0 : i32
        %gather3A_2008 = tpu.memref_slice %arg6[%and3A_166, %gather3A_2007] : memref<2x256xi32, #tpu.memory_space<vmem>> -> memref<1x256xi32, #tpu.memory_space<vmem>>
        %gather3A_2009 = tpu.memref_squeeze %gather3A_2008 : memref<1x256xi32, #tpu.memory_space<vmem>> -> memref<256xi32, #tpu.memory_space<vmem>>
        %gather3A_2010 = tpu.vector_load_idx %gather3A_2009[%add3A_1605] : memref<256xi32, #tpu.memory_space<vmem>>[vector<16xi32>], vector<16xi32>,
        %and3A_2011 = arith.constant 1 : i32
        %and3A_2012 = vector.broadcast %and3A_2011 : i32 to vector<16xi32>
        %and3A_2013 = arith.andi %gather3A_2010, %and3A_2012 : vector<16xi32>
        %ne3A_2014 = arith.constant 0 : i32
        %ne3A_2015 = vector.broadcast %ne3A_2014 : i32 to vector<16xi32>
        %ne3A_2016 = arith.cmpi ne, %and3A_2013, %ne3A_2015 : vector<16xi32>
        %select_n3A_2017 = arith.select %ne3A_2016, %sub3A_1562, %broadcast_in_dim3A_1610 : vector<16xi1>, vector<16xf32>
        %add3A_2018 = arith.addf %add3A_1886, %select_n3A_2017 : vector<16xf32>
        %and3A_2019 = arith.constant 2 : i32
        %and3A_2020 = vector.broadcast %and3A_2019 : i32 to vector<16xi32>
        %and3A_2021 = arith.andi %gather3A_2010, %and3A_2020 : vector<16xi32>
        %ne3A_2022 = arith.constant 0 : i32
        %ne3A_2023 = vector.broadcast %ne3A_2022 : i32 to vector<16xi32>
        %ne3A_2024 = arith.cmpi ne, %and3A_2021, %ne3A_2023 : vector<16xi32>
        %select_n3A_2025 = arith.select %ne3A_2024, %sub3A_1562, %broadcast_in_dim3A_1610 : vector<16xi1>, vector<16xf32>
        %add3A_2026 = arith.addf %add3A_1894, %select_n3A_2025 : vector<16xf32>
        %and3A_2027 = arith.constant 4 : i32
        %and3A_2028 = vector.broadcast %and3A_2027 : i32 to vector<16xi32>
        %and3A_2029 = arith.andi %gather3A_2010, %and3A_2028 : vector<16xi32>
        %ne3A_2030 = arith.constant 0 : i32
        %ne3A_2031 = vector.broadcast %ne3A_2030 : i32 to vector<16xi32>
        %ne3A_2032 = arith.cmpi ne, %and3A_2029, %ne3A_2031 : vector<16xi32>
        %select_n3A_2033 = arith.select %ne3A_2032, %sub3A_1562, %broadcast_in_dim3A_1610 : vector<16xi1>, vector<16xf32>
        %add3A_2034 = arith.addf %add3A_1902, %select_n3A_2033 : vector<16xf32>
        %and3A_2035 = arith.constant 8 : i32
        %and3A_2036 = vector.broadcast %and3A_2035 : i32 to vector<16xi32>
        %and3A_2037 = arith.andi %gather3A_2010, %and3A_2036 : vector<16xi32>
        %ne3A_2038 = arith.constant 0 : i32
        %ne3A_2039 = vector.broadcast %ne3A_2038 : i32 to vector<16xi32>
        %ne3A_2040 = arith.cmpi ne, %and3A_2037, %ne3A_2039 : vector<16xi32>
        %select_n3A_2041 = arith.select %ne3A_2040, %sub3A_1562, %broadcast_in_dim3A_1610 : vector<16xi1>, vector<16xf32>
        %add3A_2042 = arith.addf %add3A_1910, %select_n3A_2041 : vector<16xf32>
        %and3A_2043 = arith.constant 16 : i32
        %and3A_2044 = vector.broadcast %and3A_2043 : i32 to vector<16xi32>
        %and3A_2045 = arith.andi %gather3A_2010, %and3A_2044 : vector<16xi32>
        %ne3A_2046 = arith.constant 0 : i32
        %ne3A_2047 = vector.broadcast %ne3A_2046 : i32 to vector<16xi32>
        %ne3A_2048 = arith.cmpi ne, %and3A_2045, %ne3A_2047 : vector<16xi32>
        %select_n3A_2049 = arith.select %ne3A_2048, %sub3A_1562, %broadcast_in_dim3A_1610 : vector<16xi1>, vector<16xf32>
        %add3A_2050 = arith.addf %add3A_1918, %select_n3A_2049 : vector<16xf32>
        %and3A_2051 = arith.constant 32 : i32
        %and3A_2052 = vector.broadcast %and3A_2051 : i32 to vector<16xi32>
        %and3A_2053 = arith.andi %gather3A_2010, %and3A_2052 : vector<16xi32>
        %ne3A_2054 = arith.constant 0 : i32
        %ne3A_2055 = vector.broadcast %ne3A_2054 : i32 to vector<16xi32>
        %ne3A_2056 = arith.cmpi ne, %and3A_2053, %ne3A_2055 : vector<16xi32>
        %select_n3A_2057 = arith.select %ne3A_2056, %sub3A_1562, %broadcast_in_dim3A_1610 : vector<16xi1>, vector<16xf32>
        %add3A_2058 = arith.addf %add3A_1926, %select_n3A_2057 : vector<16xf32>
        %and3A_2059 = arith.constant 64 : i32
        %and3A_2060 = vector.broadcast %and3A_2059 : i32 to vector<16xi32>
        %and3A_2061 = arith.andi %gather3A_2010, %and3A_2060 : vector<16xi32>
        %ne3A_2062 = arith.constant 0 : i32
        %ne3A_2063 = vector.broadcast %ne3A_2062 : i32 to vector<16xi32>
        %ne3A_2064 = arith.cmpi ne, %and3A_2061, %ne3A_2063 : vector<16xi32>
        %select_n3A_2065 = arith.select %ne3A_2064, %sub3A_1562, %broadcast_in_dim3A_1610 : vector<16xi1>, vector<16xf32>
        %add3A_2066 = arith.addf %add3A_1934, %select_n3A_2065 : vector<16xf32>
        %and3A_2067 = arith.constant 128 : i32
        %and3A_2068 = vector.broadcast %and3A_2067 : i32 to vector<16xi32>
        %and3A_2069 = arith.andi %gather3A_2010, %and3A_2068 : vector<16xi32>
        %ne3A_2070 = arith.constant 0 : i32
        %ne3A_2071 = vector.broadcast %ne3A_2070 : i32 to vector<16xi32>
        %ne3A_2072 = arith.cmpi ne, %and3A_2069, %ne3A_2071 : vector<16xi32>
        %select_n3A_2073 = arith.select %ne3A_2072, %sub3A_1562, %broadcast_in_dim3A_1610 : vector<16xi1>, vector<16xf32>
        %add3A_2074 = arith.addf %add3A_1942, %select_n3A_2073 : vector<16xf32>
        %and3A_2075 = arith.constant 256 : i32
        %and3A_2076 = vector.broadcast %and3A_2075 : i32 to vector<16xi32>
        %and3A_2077 = arith.andi %gather3A_2010, %and3A_2076 : vector<16xi32>
        %ne3A_2078 = arith.constant 0 : i32
        %ne3A_2079 = vector.broadcast %ne3A_2078 : i32 to vector<16xi32>
        %ne3A_2080 = arith.cmpi ne, %and3A_2077, %ne3A_2079 : vector<16xi32>
        %select_n3A_2081 = arith.select %ne3A_2080, %sub3A_1562, %broadcast_in_dim3A_1610 : vector<16xi1>, vector<16xf32>
        %add3A_2082 = arith.addf %add3A_1950, %select_n3A_2081 : vector<16xf32>
        %and3A_2083 = arith.constant 512 : i32
        %and3A_2084 = vector.broadcast %and3A_2083 : i32 to vector<16xi32>
        %and3A_2085 = arith.andi %gather3A_2010, %and3A_2084 : vector<16xi32>
        %ne3A_2086 = arith.constant 0 : i32
        %ne3A_2087 = vector.broadcast %ne3A_2086 : i32 to vector<16xi32>
        %ne3A_2088 = arith.cmpi ne, %and3A_2085, %ne3A_2087 : vector<16xi32>
        %select_n3A_2089 = arith.select %ne3A_2088, %sub3A_1562, %broadcast_in_dim3A_1610 : vector<16xi1>, vector<16xf32>
        %add3A_2090 = arith.addf %add3A_1958, %select_n3A_2089 : vector<16xf32>
        %and3A_2091 = arith.constant 1024 : i32
        %and3A_2092 = vector.broadcast %and3A_2091 : i32 to vector<16xi32>
        %and3A_2093 = arith.andi %gather3A_2010, %and3A_2092 : vector<16xi32>
        %ne3A_2094 = arith.constant 0 : i32
        %ne3A_2095 = vector.broadcast %ne3A_2094 : i32 to vector<16xi32>
        %ne3A_2096 = arith.cmpi ne, %and3A_2093, %ne3A_2095 : vector<16xi32>
        %select_n3A_2097 = arith.select %ne3A_2096, %sub3A_1562, %broadcast_in_dim3A_1610 : vector<16xi1>, vector<16xf32>
        %add3A_2098 = arith.addf %add3A_1966, %select_n3A_2097 : vector<16xf32>
        %and3A_2099 = arith.constant 2048 : i32
        %and3A_2100 = vector.broadcast %and3A_2099 : i32 to vector<16xi32>
        %and3A_2101 = arith.andi %gather3A_2010, %and3A_2100 : vector<16xi32>
        %ne3A_2102 = arith.constant 0 : i32
        %ne3A_2103 = vector.broadcast %ne3A_2102 : i32 to vector<16xi32>
        %ne3A_2104 = arith.cmpi ne, %and3A_2101, %ne3A_2103 : vector<16xi32>
        %select_n3A_2105 = arith.select %ne3A_2104, %sub3A_1562, %broadcast_in_dim3A_1610 : vector<16xi1>, vector<16xf32>
        %add3A_2106 = arith.addf %add3A_1974, %select_n3A_2105 : vector<16xf32>
        %and3A_2107 = arith.constant 4096 : i32
        %and3A_2108 = vector.broadcast %and3A_2107 : i32 to vector<16xi32>
        %and3A_2109 = arith.andi %gather3A_2010, %and3A_2108 : vector<16xi32>
        %ne3A_2110 = arith.constant 0 : i32
        %ne3A_2111 = vector.broadcast %ne3A_2110 : i32 to vector<16xi32>
        %ne3A_2112 = arith.cmpi ne, %and3A_2109, %ne3A_2111 : vector<16xi32>
        %select_n3A_2113 = arith.select %ne3A_2112, %sub3A_1562, %broadcast_in_dim3A_1610 : vector<16xi1>, vector<16xf32>
        %add3A_2114 = arith.addf %add3A_1982, %select_n3A_2113 : vector<16xf32>
        %and3A_2115 = arith.constant 8192 : i32
        %and3A_2116 = vector.broadcast %and3A_2115 : i32 to vector<16xi32>
        %and3A_2117 = arith.andi %gather3A_2010, %and3A_2116 : vector<16xi32>
        %ne3A_2118 = arith.constant 0 : i32
        %ne3A_2119 = vector.broadcast %ne3A_2118 : i32 to vector<16xi32>
        %ne3A_2120 = arith.cmpi ne, %and3A_2117, %ne3A_2119 : vector<16xi32>
        %select_n3A_2121 = arith.select %ne3A_2120, %sub3A_1562, %broadcast_in_dim3A_1610 : vector<16xi1>, vector<16xf32>
        %add3A_2122 = arith.addf %add3A_1990, %select_n3A_2121 : vector<16xf32>
        %and3A_2123 = arith.constant 16384 : i32
        %and3A_2124 = vector.broadcast %and3A_2123 : i32 to vector<16xi32>
        %and3A_2125 = arith.andi %gather3A_2010, %and3A_2124 : vector<16xi32>
        %ne3A_2126 = arith.constant 0 : i32
        %ne3A_2127 = vector.broadcast %ne3A_2126 : i32 to vector<16xi32>
        %ne3A_2128 = arith.cmpi ne, %and3A_2125, %ne3A_2127 : vector<16xi32>
        %select_n3A_2129 = arith.select %ne3A_2128, %sub3A_1562, %broadcast_in_dim3A_1610 : vector<16xi1>, vector<16xf32>
        %add3A_2130 = arith.addf %add3A_1998, %select_n3A_2129 : vector<16xf32>
        %and3A_2131 = arith.constant 32768 : i32
        %and3A_2132 = vector.broadcast %and3A_2131 : i32 to vector<16xi32>
        %and3A_2133 = arith.andi %gather3A_2010, %and3A_2132 : vector<16xi32>
        %ne3A_2134 = arith.constant 0 : i32
        %ne3A_2135 = vector.broadcast %ne3A_2134 : i32 to vector<16xi32>
        %ne3A_2136 = arith.cmpi ne, %and3A_2133, %ne3A_2135 : vector<16xi32>
        %select_n3A_2137 = arith.select %ne3A_2136, %sub3A_1562, %broadcast_in_dim3A_1610 : vector<16xi1>, vector<16xf32>
        %add3A_2138 = arith.addf %add3A_2006, %select_n3A_2137 : vector<16xf32>
        %gather3A_2139 = arith.constant 0 : i32
        %gather3A_2140 = tpu.memref_slice %arg6[%and3A_166, %gather3A_2139] : memref<2x256xi32, #tpu.memory_space<vmem>> -> memref<1x256xi32, #tpu.memory_space<vmem>>
        %gather3A_2141 = tpu.memref_squeeze %gather3A_2140 : memref<1x256xi32, #tpu.memory_space<vmem>> -> memref<256xi32, #tpu.memory_space<vmem>>
        %gather3A_2142 = tpu.vector_load_idx %gather3A_2141[%add3A_1604] : memref<256xi32, #tpu.memory_space<vmem>>[vector<16xi32>], vector<16xi32>,
        %and3A_2143 = arith.constant 1 : i32
        %and3A_2144 = vector.broadcast %and3A_2143 : i32 to vector<16xi32>
        %and3A_2145 = arith.andi %gather3A_2142, %and3A_2144 : vector<16xi32>
        %ne3A_2146 = arith.constant 0 : i32
        %ne3A_2147 = vector.broadcast %ne3A_2146 : i32 to vector<16xi32>
        %ne3A_2148 = arith.cmpi ne, %and3A_2145, %ne3A_2147 : vector<16xi32>
        %select_n3A_2149 = arith.select %ne3A_2148, %sub3A_1563, %broadcast_in_dim3A_1610 : vector<16xi1>, vector<16xf32>
        %add3A_2150 = arith.addf %add3A_2018, %select_n3A_2149 : vector<16xf32>
        %and3A_2151 = arith.constant 2 : i32
        %and3A_2152 = vector.broadcast %and3A_2151 : i32 to vector<16xi32>
        %and3A_2153 = arith.andi %gather3A_2142, %and3A_2152 : vector<16xi32>
        %ne3A_2154 = arith.constant 0 : i32
        %ne3A_2155 = vector.broadcast %ne3A_2154 : i32 to vector<16xi32>
        %ne3A_2156 = arith.cmpi ne, %and3A_2153, %ne3A_2155 : vector<16xi32>
        %select_n3A_2157 = arith.select %ne3A_2156, %sub3A_1563, %broadcast_in_dim3A_1610 : vector<16xi1>, vector<16xf32>
        %add3A_2158 = arith.addf %add3A_2026, %select_n3A_2157 : vector<16xf32>
        %and3A_2159 = arith.constant 4 : i32
        %and3A_2160 = vector.broadcast %and3A_2159 : i32 to vector<16xi32>
        %and3A_2161 = arith.andi %gather3A_2142, %and3A_2160 : vector<16xi32>
        %ne3A_2162 = arith.constant 0 : i32
        %ne3A_2163 = vector.broadcast %ne3A_2162 : i32 to vector<16xi32>
        %ne3A_2164 = arith.cmpi ne, %and3A_2161, %ne3A_2163 : vector<16xi32>
        %select_n3A_2165 = arith.select %ne3A_2164, %sub3A_1563, %broadcast_in_dim3A_1610 : vector<16xi1>, vector<16xf32>
        %add3A_2166 = arith.addf %add3A_2034, %select_n3A_2165 : vector<16xf32>
        %and3A_2167 = arith.constant 8 : i32
        %and3A_2168 = vector.broadcast %and3A_2167 : i32 to vector<16xi32>
        %and3A_2169 = arith.andi %gather3A_2142, %and3A_2168 : vector<16xi32>
        %ne3A_2170 = arith.constant 0 : i32
        %ne3A_2171 = vector.broadcast %ne3A_2170 : i32 to vector<16xi32>
        %ne3A_2172 = arith.cmpi ne, %and3A_2169, %ne3A_2171 : vector<16xi32>
        %select_n3A_2173 = arith.select %ne3A_2172, %sub3A_1563, %broadcast_in_dim3A_1610 : vector<16xi1>, vector<16xf32>
        %add3A_2174 = arith.addf %add3A_2042, %select_n3A_2173 : vector<16xf32>
        %and3A_2175 = arith.constant 16 : i32
        %and3A_2176 = vector.broadcast %and3A_2175 : i32 to vector<16xi32>
        %and3A_2177 = arith.andi %gather3A_2142, %and3A_2176 : vector<16xi32>
        %ne3A_2178 = arith.constant 0 : i32
        %ne3A_2179 = vector.broadcast %ne3A_2178 : i32 to vector<16xi32>
        %ne3A_2180 = arith.cmpi ne, %and3A_2177, %ne3A_2179 : vector<16xi32>
        %select_n3A_2181 = arith.select %ne3A_2180, %sub3A_1563, %broadcast_in_dim3A_1610 : vector<16xi1>, vector<16xf32>
        %add3A_2182 = arith.addf %add3A_2050, %select_n3A_2181 : vector<16xf32>
        %and3A_2183 = arith.constant 32 : i32
        %and3A_2184 = vector.broadcast %and3A_2183 : i32 to vector<16xi32>
        %and3A_2185 = arith.andi %gather3A_2142, %and3A_2184 : vector<16xi32>
        %ne3A_2186 = arith.constant 0 : i32
        %ne3A_2187 = vector.broadcast %ne3A_2186 : i32 to vector<16xi32>
        %ne3A_2188 = arith.cmpi ne, %and3A_2185, %ne3A_2187 : vector<16xi32>
        %select_n3A_2189 = arith.select %ne3A_2188, %sub3A_1563, %broadcast_in_dim3A_1610 : vector<16xi1>, vector<16xf32>
        %add3A_2190 = arith.addf %add3A_2058, %select_n3A_2189 : vector<16xf32>
        %and3A_2191 = arith.constant 64 : i32
        %and3A_2192 = vector.broadcast %and3A_2191 : i32 to vector<16xi32>
        %and3A_2193 = arith.andi %gather3A_2142, %and3A_2192 : vector<16xi32>
        %ne3A_2194 = arith.constant 0 : i32
        %ne3A_2195 = vector.broadcast %ne3A_2194 : i32 to vector<16xi32>
        %ne3A_2196 = arith.cmpi ne, %and3A_2193, %ne3A_2195 : vector<16xi32>
        %select_n3A_2197 = arith.select %ne3A_2196, %sub3A_1563, %broadcast_in_dim3A_1610 : vector<16xi1>, vector<16xf32>
        %add3A_2198 = arith.addf %add3A_2066, %select_n3A_2197 : vector<16xf32>
        %and3A_2199 = arith.constant 128 : i32
        %and3A_2200 = vector.broadcast %and3A_2199 : i32 to vector<16xi32>
        %and3A_2201 = arith.andi %gather3A_2142, %and3A_2200 : vector<16xi32>
        %ne3A_2202 = arith.constant 0 : i32
        %ne3A_2203 = vector.broadcast %ne3A_2202 : i32 to vector<16xi32>
        %ne3A_2204 = arith.cmpi ne, %and3A_2201, %ne3A_2203 : vector<16xi32>
        %select_n3A_2205 = arith.select %ne3A_2204, %sub3A_1563, %broadcast_in_dim3A_1610 : vector<16xi1>, vector<16xf32>
        %add3A_2206 = arith.addf %add3A_2074, %select_n3A_2205 : vector<16xf32>
        %and3A_2207 = arith.constant 256 : i32
        %and3A_2208 = vector.broadcast %and3A_2207 : i32 to vector<16xi32>
        %and3A_2209 = arith.andi %gather3A_2142, %and3A_2208 : vector<16xi32>
        %ne3A_2210 = arith.constant 0 : i32
        %ne3A_2211 = vector.broadcast %ne3A_2210 : i32 to vector<16xi32>
        %ne3A_2212 = arith.cmpi ne, %and3A_2209, %ne3A_2211 : vector<16xi32>
        %select_n3A_2213 = arith.select %ne3A_2212, %sub3A_1563, %broadcast_in_dim3A_1610 : vector<16xi1>, vector<16xf32>
        %add3A_2214 = arith.addf %add3A_2082, %select_n3A_2213 : vector<16xf32>
        %and3A_2215 = arith.constant 512 : i32
        %and3A_2216 = vector.broadcast %and3A_2215 : i32 to vector<16xi32>
        %and3A_2217 = arith.andi %gather3A_2142, %and3A_2216 : vector<16xi32>
        %ne3A_2218 = arith.constant 0 : i32
        %ne3A_2219 = vector.broadcast %ne3A_2218 : i32 to vector<16xi32>
        %ne3A_2220 = arith.cmpi ne, %and3A_2217, %ne3A_2219 : vector<16xi32>
        %select_n3A_2221 = arith.select %ne3A_2220, %sub3A_1563, %broadcast_in_dim3A_1610 : vector<16xi1>, vector<16xf32>
        %add3A_2222 = arith.addf %add3A_2090, %select_n3A_2221 : vector<16xf32>
        %and3A_2223 = arith.constant 1024 : i32
        %and3A_2224 = vector.broadcast %and3A_2223 : i32 to vector<16xi32>
        %and3A_2225 = arith.andi %gather3A_2142, %and3A_2224 : vector<16xi32>
        %ne3A_2226 = arith.constant 0 : i32
        %ne3A_2227 = vector.broadcast %ne3A_2226 : i32 to vector<16xi32>
        %ne3A_2228 = arith.cmpi ne, %and3A_2225, %ne3A_2227 : vector<16xi32>
        %select_n3A_2229 = arith.select %ne3A_2228, %sub3A_1563, %broadcast_in_dim3A_1610 : vector<16xi1>, vector<16xf32>
        %add3A_2230 = arith.addf %add3A_2098, %select_n3A_2229 : vector<16xf32>
        %and3A_2231 = arith.constant 2048 : i32
        %and3A_2232 = vector.broadcast %and3A_2231 : i32 to vector<16xi32>
        %and3A_2233 = arith.andi %gather3A_2142, %and3A_2232 : vector<16xi32>
        %ne3A_2234 = arith.constant 0 : i32
        %ne3A_2235 = vector.broadcast %ne3A_2234 : i32 to vector<16xi32>
        %ne3A_2236 = arith.cmpi ne, %and3A_2233, %ne3A_2235 : vector<16xi32>
        %select_n3A_2237 = arith.select %ne3A_2236, %sub3A_1563, %broadcast_in_dim3A_1610 : vector<16xi1>, vector<16xf32>
        %add3A_2238 = arith.addf %add3A_2106, %select_n3A_2237 : vector<16xf32>
        %and3A_2239 = arith.constant 4096 : i32
        %and3A_2240 = vector.broadcast %and3A_2239 : i32 to vector<16xi32>
        %and3A_2241 = arith.andi %gather3A_2142, %and3A_2240 : vector<16xi32>
        %ne3A_2242 = arith.constant 0 : i32
        %ne3A_2243 = vector.broadcast %ne3A_2242 : i32 to vector<16xi32>
        %ne3A_2244 = arith.cmpi ne, %and3A_2241, %ne3A_2243 : vector<16xi32>
        %select_n3A_2245 = arith.select %ne3A_2244, %sub3A_1563, %broadcast_in_dim3A_1610 : vector<16xi1>, vector<16xf32>
        %add3A_2246 = arith.addf %add3A_2114, %select_n3A_2245 : vector<16xf32>
        %and3A_2247 = arith.constant 8192 : i32
        %and3A_2248 = vector.broadcast %and3A_2247 : i32 to vector<16xi32>
        %and3A_2249 = arith.andi %gather3A_2142, %and3A_2248 : vector<16xi32>
        %ne3A_2250 = arith.constant 0 : i32
        %ne3A_2251 = vector.broadcast %ne3A_2250 : i32 to vector<16xi32>
        %ne3A_2252 = arith.cmpi ne, %and3A_2249, %ne3A_2251 : vector<16xi32>
        %select_n3A_2253 = arith.select %ne3A_2252, %sub3A_1563, %broadcast_in_dim3A_1610 : vector<16xi1>, vector<16xf32>
        %add3A_2254 = arith.addf %add3A_2122, %select_n3A_2253 : vector<16xf32>
        %and3A_2255 = arith.constant 16384 : i32
        %and3A_2256 = vector.broadcast %and3A_2255 : i32 to vector<16xi32>
        %and3A_2257 = arith.andi %gather3A_2142, %and3A_2256 : vector<16xi32>
        %ne3A_2258 = arith.constant 0 : i32
        %ne3A_2259 = vector.broadcast %ne3A_2258 : i32 to vector<16xi32>
        %ne3A_2260 = arith.cmpi ne, %and3A_2257, %ne3A_2259 : vector<16xi32>
        %select_n3A_2261 = arith.select %ne3A_2260, %sub3A_1563, %broadcast_in_dim3A_1610 : vector<16xi1>, vector<16xf32>
        %add3A_2262 = arith.addf %add3A_2130, %select_n3A_2261 : vector<16xf32>
        %and3A_2263 = arith.constant 32768 : i32
        %and3A_2264 = vector.broadcast %and3A_2263 : i32 to vector<16xi32>
        %and3A_2265 = arith.andi %gather3A_2142, %and3A_2264 : vector<16xi32>
        %ne3A_2266 = arith.constant 0 : i32
        %ne3A_2267 = vector.broadcast %ne3A_2266 : i32 to vector<16xi32>
        %ne3A_2268 = arith.cmpi ne, %and3A_2265, %ne3A_2267 : vector<16xi32>
        %select_n3A_2269 = arith.select %ne3A_2268, %sub3A_1563, %broadcast_in_dim3A_1610 : vector<16xi1>, vector<16xf32>
        %add3A_2270 = arith.addf %add3A_2138, %select_n3A_2269 : vector<16xf32>
        %gather3A_2271 = arith.constant 0 : i32
        %gather3A_2272 = tpu.memref_slice %arg6[%and3A_166, %gather3A_2271] : memref<2x256xi32, #tpu.memory_space<vmem>> -> memref<1x256xi32, #tpu.memory_space<vmem>>
        %gather3A_2273 = tpu.memref_squeeze %gather3A_2272 : memref<1x256xi32, #tpu.memory_space<vmem>> -> memref<256xi32, #tpu.memory_space<vmem>>
        %gather3A_2274 = tpu.vector_load_idx %gather3A_2273[%add3A_1603] : memref<256xi32, #tpu.memory_space<vmem>>[vector<16xi32>], vector<16xi32>,
        %and3A_2275 = arith.constant 1 : i32
        %and3A_2276 = vector.broadcast %and3A_2275 : i32 to vector<16xi32>
        %and3A_2277 = arith.andi %gather3A_2274, %and3A_2276 : vector<16xi32>
        %ne3A_2278 = arith.constant 0 : i32
        %ne3A_2279 = vector.broadcast %ne3A_2278 : i32 to vector<16xi32>
        %ne3A_2280 = arith.cmpi ne, %and3A_2277, %ne3A_2279 : vector<16xi32>
        %select_n3A_2281 = arith.select %ne3A_2280, %sub3A_1564, %broadcast_in_dim3A_1610 : vector<16xi1>, vector<16xf32>
        %add3A_2282 = arith.addf %add3A_2150, %select_n3A_2281 : vector<16xf32>
        %and3A_2283 = arith.constant 2 : i32
        %and3A_2284 = vector.broadcast %and3A_2283 : i32 to vector<16xi32>
        %and3A_2285 = arith.andi %gather3A_2274, %and3A_2284 : vector<16xi32>
        %ne3A_2286 = arith.constant 0 : i32
        %ne3A_2287 = vector.broadcast %ne3A_2286 : i32 to vector<16xi32>
        %ne3A_2288 = arith.cmpi ne, %and3A_2285, %ne3A_2287 : vector<16xi32>
        %select_n3A_2289 = arith.select %ne3A_2288, %sub3A_1564, %broadcast_in_dim3A_1610 : vector<16xi1>, vector<16xf32>
        %add3A_2290 = arith.addf %add3A_2158, %select_n3A_2289 : vector<16xf32>
        %and3A_2291 = arith.constant 4 : i32
        %and3A_2292 = vector.broadcast %and3A_2291 : i32 to vector<16xi32>
        %and3A_2293 = arith.andi %gather3A_2274, %and3A_2292 : vector<16xi32>
        %ne3A_2294 = arith.constant 0 : i32
        %ne3A_2295 = vector.broadcast %ne3A_2294 : i32 to vector<16xi32>
        %ne3A_2296 = arith.cmpi ne, %and3A_2293, %ne3A_2295 : vector<16xi32>
        %select_n3A_2297 = arith.select %ne3A_2296, %sub3A_1564, %broadcast_in_dim3A_1610 : vector<16xi1>, vector<16xf32>
        %add3A_2298 = arith.addf %add3A_2166, %select_n3A_2297 : vector<16xf32>
        %and3A_2299 = arith.constant 8 : i32
        %and3A_2300 = vector.broadcast %and3A_2299 : i32 to vector<16xi32>
        %and3A_2301 = arith.andi %gather3A_2274, %and3A_2300 : vector<16xi32>
        %ne3A_2302 = arith.constant 0 : i32
        %ne3A_2303 = vector.broadcast %ne3A_2302 : i32 to vector<16xi32>
        %ne3A_2304 = arith.cmpi ne, %and3A_2301, %ne3A_2303 : vector<16xi32>
        %select_n3A_2305 = arith.select %ne3A_2304, %sub3A_1564, %broadcast_in_dim3A_1610 : vector<16xi1>, vector<16xf32>
        %add3A_2306 = arith.addf %add3A_2174, %select_n3A_2305 : vector<16xf32>
        %and3A_2307 = arith.constant 16 : i32
        %and3A_2308 = vector.broadcast %and3A_2307 : i32 to vector<16xi32>
        %and3A_2309 = arith.andi %gather3A_2274, %and3A_2308 : vector<16xi32>
        %ne3A_2310 = arith.constant 0 : i32
        %ne3A_2311 = vector.broadcast %ne3A_2310 : i32 to vector<16xi32>
        %ne3A_2312 = arith.cmpi ne, %and3A_2309, %ne3A_2311 : vector<16xi32>
        %select_n3A_2313 = arith.select %ne3A_2312, %sub3A_1564, %broadcast_in_dim3A_1610 : vector<16xi1>, vector<16xf32>
        %add3A_2314 = arith.addf %add3A_2182, %select_n3A_2313 : vector<16xf32>
        %and3A_2315 = arith.constant 32 : i32
        %and3A_2316 = vector.broadcast %and3A_2315 : i32 to vector<16xi32>
        %and3A_2317 = arith.andi %gather3A_2274, %and3A_2316 : vector<16xi32>
        %ne3A_2318 = arith.constant 0 : i32
        %ne3A_2319 = vector.broadcast %ne3A_2318 : i32 to vector<16xi32>
        %ne3A_2320 = arith.cmpi ne, %and3A_2317, %ne3A_2319 : vector<16xi32>
        %select_n3A_2321 = arith.select %ne3A_2320, %sub3A_1564, %broadcast_in_dim3A_1610 : vector<16xi1>, vector<16xf32>
        %add3A_2322 = arith.addf %add3A_2190, %select_n3A_2321 : vector<16xf32>
        %and3A_2323 = arith.constant 64 : i32
        %and3A_2324 = vector.broadcast %and3A_2323 : i32 to vector<16xi32>
        %and3A_2325 = arith.andi %gather3A_2274, %and3A_2324 : vector<16xi32>
        %ne3A_2326 = arith.constant 0 : i32
        %ne3A_2327 = vector.broadcast %ne3A_2326 : i32 to vector<16xi32>
        %ne3A_2328 = arith.cmpi ne, %and3A_2325, %ne3A_2327 : vector<16xi32>
        %select_n3A_2329 = arith.select %ne3A_2328, %sub3A_1564, %broadcast_in_dim3A_1610 : vector<16xi1>, vector<16xf32>
        %add3A_2330 = arith.addf %add3A_2198, %select_n3A_2329 : vector<16xf32>
        %and3A_2331 = arith.constant 128 : i32
        %and3A_2332 = vector.broadcast %and3A_2331 : i32 to vector<16xi32>
        %and3A_2333 = arith.andi %gather3A_2274, %and3A_2332 : vector<16xi32>
        %ne3A_2334 = arith.constant 0 : i32
        %ne3A_2335 = vector.broadcast %ne3A_2334 : i32 to vector<16xi32>
        %ne3A_2336 = arith.cmpi ne, %and3A_2333, %ne3A_2335 : vector<16xi32>
        %select_n3A_2337 = arith.select %ne3A_2336, %sub3A_1564, %broadcast_in_dim3A_1610 : vector<16xi1>, vector<16xf32>
        %add3A_2338 = arith.addf %add3A_2206, %select_n3A_2337 : vector<16xf32>
        %and3A_2339 = arith.constant 256 : i32
        %and3A_2340 = vector.broadcast %and3A_2339 : i32 to vector<16xi32>
        %and3A_2341 = arith.andi %gather3A_2274, %and3A_2340 : vector<16xi32>
        %ne3A_2342 = arith.constant 0 : i32
        %ne3A_2343 = vector.broadcast %ne3A_2342 : i32 to vector<16xi32>
        %ne3A_2344 = arith.cmpi ne, %and3A_2341, %ne3A_2343 : vector<16xi32>
        %select_n3A_2345 = arith.select %ne3A_2344, %sub3A_1564, %broadcast_in_dim3A_1610 : vector<16xi1>, vector<16xf32>
        %add3A_2346 = arith.addf %add3A_2214, %select_n3A_2345 : vector<16xf32>
        %and3A_2347 = arith.constant 512 : i32
        %and3A_2348 = vector.broadcast %and3A_2347 : i32 to vector<16xi32>
        %and3A_2349 = arith.andi %gather3A_2274, %and3A_2348 : vector<16xi32>
        %ne3A_2350 = arith.constant 0 : i32
        %ne3A_2351 = vector.broadcast %ne3A_2350 : i32 to vector<16xi32>
        %ne3A_2352 = arith.cmpi ne, %and3A_2349, %ne3A_2351 : vector<16xi32>
        %select_n3A_2353 = arith.select %ne3A_2352, %sub3A_1564, %broadcast_in_dim3A_1610 : vector<16xi1>, vector<16xf32>
        %add3A_2354 = arith.addf %add3A_2222, %select_n3A_2353 : vector<16xf32>
        %and3A_2355 = arith.constant 1024 : i32
        %and3A_2356 = vector.broadcast %and3A_2355 : i32 to vector<16xi32>
        %and3A_2357 = arith.andi %gather3A_2274, %and3A_2356 : vector<16xi32>
        %ne3A_2358 = arith.constant 0 : i32
        %ne3A_2359 = vector.broadcast %ne3A_2358 : i32 to vector<16xi32>
        %ne3A_2360 = arith.cmpi ne, %and3A_2357, %ne3A_2359 : vector<16xi32>
        %select_n3A_2361 = arith.select %ne3A_2360, %sub3A_1564, %broadcast_in_dim3A_1610 : vector<16xi1>, vector<16xf32>
        %add3A_2362 = arith.addf %add3A_2230, %select_n3A_2361 : vector<16xf32>
        %and3A_2363 = arith.constant 2048 : i32
        %and3A_2364 = vector.broadcast %and3A_2363 : i32 to vector<16xi32>
        %and3A_2365 = arith.andi %gather3A_2274, %and3A_2364 : vector<16xi32>
        %ne3A_2366 = arith.constant 0 : i32
        %ne3A_2367 = vector.broadcast %ne3A_2366 : i32 to vector<16xi32>
        %ne3A_2368 = arith.cmpi ne, %and3A_2365, %ne3A_2367 : vector<16xi32>
        %select_n3A_2369 = arith.select %ne3A_2368, %sub3A_1564, %broadcast_in_dim3A_1610 : vector<16xi1>, vector<16xf32>
        %add3A_2370 = arith.addf %add3A_2238, %select_n3A_2369 : vector<16xf32>
        %and3A_2371 = arith.constant 4096 : i32
        %and3A_2372 = vector.broadcast %and3A_2371 : i32 to vector<16xi32>
        %and3A_2373 = arith.andi %gather3A_2274, %and3A_2372 : vector<16xi32>
        %ne3A_2374 = arith.constant 0 : i32
        %ne3A_2375 = vector.broadcast %ne3A_2374 : i32 to vector<16xi32>
        %ne3A_2376 = arith.cmpi ne, %and3A_2373, %ne3A_2375 : vector<16xi32>
        %select_n3A_2377 = arith.select %ne3A_2376, %sub3A_1564, %broadcast_in_dim3A_1610 : vector<16xi1>, vector<16xf32>
        %add3A_2378 = arith.addf %add3A_2246, %select_n3A_2377 : vector<16xf32>
        %and3A_2379 = arith.constant 8192 : i32
        %and3A_2380 = vector.broadcast %and3A_2379 : i32 to vector<16xi32>
        %and3A_2381 = arith.andi %gather3A_2274, %and3A_2380 : vector<16xi32>
        %ne3A_2382 = arith.constant 0 : i32
        %ne3A_2383 = vector.broadcast %ne3A_2382 : i32 to vector<16xi32>
        %ne3A_2384 = arith.cmpi ne, %and3A_2381, %ne3A_2383 : vector<16xi32>
        %select_n3A_2385 = arith.select %ne3A_2384, %sub3A_1564, %broadcast_in_dim3A_1610 : vector<16xi1>, vector<16xf32>
        %add3A_2386 = arith.addf %add3A_2254, %select_n3A_2385 : vector<16xf32>
        %and3A_2387 = arith.constant 16384 : i32
        %and3A_2388 = vector.broadcast %and3A_2387 : i32 to vector<16xi32>
        %and3A_2389 = arith.andi %gather3A_2274, %and3A_2388 : vector<16xi32>
        %ne3A_2390 = arith.constant 0 : i32
        %ne3A_2391 = vector.broadcast %ne3A_2390 : i32 to vector<16xi32>
        %ne3A_2392 = arith.cmpi ne, %and3A_2389, %ne3A_2391 : vector<16xi32>
        %select_n3A_2393 = arith.select %ne3A_2392, %sub3A_1564, %broadcast_in_dim3A_1610 : vector<16xi1>, vector<16xf32>
        %add3A_2394 = arith.addf %add3A_2262, %select_n3A_2393 : vector<16xf32>
        %and3A_2395 = arith.constant 32768 : i32
        %and3A_2396 = vector.broadcast %and3A_2395 : i32 to vector<16xi32>
        %and3A_2397 = arith.andi %gather3A_2274, %and3A_2396 : vector<16xi32>
        %ne3A_2398 = arith.constant 0 : i32
        %ne3A_2399 = vector.broadcast %ne3A_2398 : i32 to vector<16xi32>
        %ne3A_2400 = arith.cmpi ne, %and3A_2397, %ne3A_2399 : vector<16xi32>
        %select_n3A_2401 = arith.select %ne3A_2400, %sub3A_1564, %broadcast_in_dim3A_1610 : vector<16xi1>, vector<16xf32>
        %add3A_2402 = arith.addf %add3A_2270, %select_n3A_2401 : vector<16xf32>
        %gather3A_2403 = arith.constant 0 : i32
        %gather3A_2404 = tpu.memref_slice %arg6[%and3A_166, %gather3A_2403] : memref<2x256xi32, #tpu.memory_space<vmem>> -> memref<1x256xi32, #tpu.memory_space<vmem>>
        %gather3A_2405 = tpu.memref_squeeze %gather3A_2404 : memref<1x256xi32, #tpu.memory_space<vmem>> -> memref<256xi32, #tpu.memory_space<vmem>>
        %gather3A_2406 = tpu.vector_load_idx %gather3A_2405[%shift_left3A_1602] : memref<256xi32, #tpu.memory_space<vmem>>[vector<16xi32>], vector<16xi32>,
        %and3A_2407 = arith.constant 1 : i32
        %and3A_2408 = vector.broadcast %and3A_2407 : i32 to vector<16xi32>
        %and3A_2409 = arith.andi %gather3A_2406, %and3A_2408 : vector<16xi32>
        %ne3A_2410 = arith.constant 0 : i32
        %ne3A_2411 = vector.broadcast %ne3A_2410 : i32 to vector<16xi32>
        %ne3A_2412 = arith.cmpi ne, %and3A_2409, %ne3A_2411 : vector<16xi32>
        %select_n3A_2413 = arith.select %ne3A_2412, %sub3A_1565, %broadcast_in_dim3A_1610 : vector<16xi1>, vector<16xf32>
        %add3A_2414 = arith.addf %add3A_2282, %select_n3A_2413 : vector<16xf32>
        %and3A_2415 = arith.constant 2 : i32
        %and3A_2416 = vector.broadcast %and3A_2415 : i32 to vector<16xi32>
        %and3A_2417 = arith.andi %gather3A_2406, %and3A_2416 : vector<16xi32>
        %ne3A_2418 = arith.constant 0 : i32
        %ne3A_2419 = vector.broadcast %ne3A_2418 : i32 to vector<16xi32>
        %ne3A_2420 = arith.cmpi ne, %and3A_2417, %ne3A_2419 : vector<16xi32>
        %select_n3A_2421 = arith.select %ne3A_2420, %sub3A_1565, %broadcast_in_dim3A_1610 : vector<16xi1>, vector<16xf32>
        %add3A_2422 = arith.addf %add3A_2290, %select_n3A_2421 : vector<16xf32>
        %and3A_2423 = arith.constant 4 : i32
        %and3A_2424 = vector.broadcast %and3A_2423 : i32 to vector<16xi32>
        %and3A_2425 = arith.andi %gather3A_2406, %and3A_2424 : vector<16xi32>
        %ne3A_2426 = arith.constant 0 : i32
        %ne3A_2427 = vector.broadcast %ne3A_2426 : i32 to vector<16xi32>
        %ne3A_2428 = arith.cmpi ne, %and3A_2425, %ne3A_2427 : vector<16xi32>
        %select_n3A_2429 = arith.select %ne3A_2428, %sub3A_1565, %broadcast_in_dim3A_1610 : vector<16xi1>, vector<16xf32>
        %add3A_2430 = arith.addf %add3A_2298, %select_n3A_2429 : vector<16xf32>
        %and3A_2431 = arith.constant 8 : i32
        %and3A_2432 = vector.broadcast %and3A_2431 : i32 to vector<16xi32>
        %and3A_2433 = arith.andi %gather3A_2406, %and3A_2432 : vector<16xi32>
        %ne3A_2434 = arith.constant 0 : i32
        %ne3A_2435 = vector.broadcast %ne3A_2434 : i32 to vector<16xi32>
        %ne3A_2436 = arith.cmpi ne, %and3A_2433, %ne3A_2435 : vector<16xi32>
        %select_n3A_2437 = arith.select %ne3A_2436, %sub3A_1565, %broadcast_in_dim3A_1610 : vector<16xi1>, vector<16xf32>
        %add3A_2438 = arith.addf %add3A_2306, %select_n3A_2437 : vector<16xf32>
        %and3A_2439 = arith.constant 16 : i32
        %and3A_2440 = vector.broadcast %and3A_2439 : i32 to vector<16xi32>
        %and3A_2441 = arith.andi %gather3A_2406, %and3A_2440 : vector<16xi32>
        %ne3A_2442 = arith.constant 0 : i32
        %ne3A_2443 = vector.broadcast %ne3A_2442 : i32 to vector<16xi32>
        %ne3A_2444 = arith.cmpi ne, %and3A_2441, %ne3A_2443 : vector<16xi32>
        %select_n3A_2445 = arith.select %ne3A_2444, %sub3A_1565, %broadcast_in_dim3A_1610 : vector<16xi1>, vector<16xf32>
        %add3A_2446 = arith.addf %add3A_2314, %select_n3A_2445 : vector<16xf32>
        %and3A_2447 = arith.constant 32 : i32
        %and3A_2448 = vector.broadcast %and3A_2447 : i32 to vector<16xi32>
        %and3A_2449 = arith.andi %gather3A_2406, %and3A_2448 : vector<16xi32>
        %ne3A_2450 = arith.constant 0 : i32
        %ne3A_2451 = vector.broadcast %ne3A_2450 : i32 to vector<16xi32>
        %ne3A_2452 = arith.cmpi ne, %and3A_2449, %ne3A_2451 : vector<16xi32>
        %select_n3A_2453 = arith.select %ne3A_2452, %sub3A_1565, %broadcast_in_dim3A_1610 : vector<16xi1>, vector<16xf32>
        %add3A_2454 = arith.addf %add3A_2322, %select_n3A_2453 : vector<16xf32>
        %and3A_2455 = arith.constant 64 : i32
        %and3A_2456 = vector.broadcast %and3A_2455 : i32 to vector<16xi32>
        %and3A_2457 = arith.andi %gather3A_2406, %and3A_2456 : vector<16xi32>
        %ne3A_2458 = arith.constant 0 : i32
        %ne3A_2459 = vector.broadcast %ne3A_2458 : i32 to vector<16xi32>
        %ne3A_2460 = arith.cmpi ne, %and3A_2457, %ne3A_2459 : vector<16xi32>
        %select_n3A_2461 = arith.select %ne3A_2460, %sub3A_1565, %broadcast_in_dim3A_1610 : vector<16xi1>, vector<16xf32>
        %add3A_2462 = arith.addf %add3A_2330, %select_n3A_2461 : vector<16xf32>
        %and3A_2463 = arith.constant 128 : i32
        %and3A_2464 = vector.broadcast %and3A_2463 : i32 to vector<16xi32>
        %and3A_2465 = arith.andi %gather3A_2406, %and3A_2464 : vector<16xi32>
        %ne3A_2466 = arith.constant 0 : i32
        %ne3A_2467 = vector.broadcast %ne3A_2466 : i32 to vector<16xi32>
        %ne3A_2468 = arith.cmpi ne, %and3A_2465, %ne3A_2467 : vector<16xi32>
        %select_n3A_2469 = arith.select %ne3A_2468, %sub3A_1565, %broadcast_in_dim3A_1610 : vector<16xi1>, vector<16xf32>
        %add3A_2470 = arith.addf %add3A_2338, %select_n3A_2469 : vector<16xf32>
        %and3A_2471 = arith.constant 256 : i32
        %and3A_2472 = vector.broadcast %and3A_2471 : i32 to vector<16xi32>
        %and3A_2473 = arith.andi %gather3A_2406, %and3A_2472 : vector<16xi32>
        %ne3A_2474 = arith.constant 0 : i32
        %ne3A_2475 = vector.broadcast %ne3A_2474 : i32 to vector<16xi32>
        %ne3A_2476 = arith.cmpi ne, %and3A_2473, %ne3A_2475 : vector<16xi32>
        %select_n3A_2477 = arith.select %ne3A_2476, %sub3A_1565, %broadcast_in_dim3A_1610 : vector<16xi1>, vector<16xf32>
        %add3A_2478 = arith.addf %add3A_2346, %select_n3A_2477 : vector<16xf32>
        %and3A_2479 = arith.constant 512 : i32
        %and3A_2480 = vector.broadcast %and3A_2479 : i32 to vector<16xi32>
        %and3A_2481 = arith.andi %gather3A_2406, %and3A_2480 : vector<16xi32>
        %ne3A_2482 = arith.constant 0 : i32
        %ne3A_2483 = vector.broadcast %ne3A_2482 : i32 to vector<16xi32>
        %ne3A_2484 = arith.cmpi ne, %and3A_2481, %ne3A_2483 : vector<16xi32>
        %select_n3A_2485 = arith.select %ne3A_2484, %sub3A_1565, %broadcast_in_dim3A_1610 : vector<16xi1>, vector<16xf32>
        %add3A_2486 = arith.addf %add3A_2354, %select_n3A_2485 : vector<16xf32>
        %and3A_2487 = arith.constant 1024 : i32
        %and3A_2488 = vector.broadcast %and3A_2487 : i32 to vector<16xi32>
        %and3A_2489 = arith.andi %gather3A_2406, %and3A_2488 : vector<16xi32>
        %ne3A_2490 = arith.constant 0 : i32
        %ne3A_2491 = vector.broadcast %ne3A_2490 : i32 to vector<16xi32>
        %ne3A_2492 = arith.cmpi ne, %and3A_2489, %ne3A_2491 : vector<16xi32>
        %select_n3A_2493 = arith.select %ne3A_2492, %sub3A_1565, %broadcast_in_dim3A_1610 : vector<16xi1>, vector<16xf32>
        %add3A_2494 = arith.addf %add3A_2362, %select_n3A_2493 : vector<16xf32>
        %and3A_2495 = arith.constant 2048 : i32
        %and3A_2496 = vector.broadcast %and3A_2495 : i32 to vector<16xi32>
        %and3A_2497 = arith.andi %gather3A_2406, %and3A_2496 : vector<16xi32>
        %ne3A_2498 = arith.constant 0 : i32
        %ne3A_2499 = vector.broadcast %ne3A_2498 : i32 to vector<16xi32>
        %ne3A_2500 = arith.cmpi ne, %and3A_2497, %ne3A_2499 : vector<16xi32>
        %select_n3A_2501 = arith.select %ne3A_2500, %sub3A_1565, %broadcast_in_dim3A_1610 : vector<16xi1>, vector<16xf32>
        %add3A_2502 = arith.addf %add3A_2370, %select_n3A_2501 : vector<16xf32>
        %and3A_2503 = arith.constant 4096 : i32
        %and3A_2504 = vector.broadcast %and3A_2503 : i32 to vector<16xi32>
        %and3A_2505 = arith.andi %gather3A_2406, %and3A_2504 : vector<16xi32>
        %ne3A_2506 = arith.constant 0 : i32
        %ne3A_2507 = vector.broadcast %ne3A_2506 : i32 to vector<16xi32>
        %ne3A_2508 = arith.cmpi ne, %and3A_2505, %ne3A_2507 : vector<16xi32>
        %select_n3A_2509 = arith.select %ne3A_2508, %sub3A_1565, %broadcast_in_dim3A_1610 : vector<16xi1>, vector<16xf32>
        %add3A_2510 = arith.addf %add3A_2378, %select_n3A_2509 : vector<16xf32>
        %and3A_2511 = arith.constant 8192 : i32
        %and3A_2512 = vector.broadcast %and3A_2511 : i32 to vector<16xi32>
        %and3A_2513 = arith.andi %gather3A_2406, %and3A_2512 : vector<16xi32>
        %ne3A_2514 = arith.constant 0 : i32
        %ne3A_2515 = vector.broadcast %ne3A_2514 : i32 to vector<16xi32>
        %ne3A_2516 = arith.cmpi ne, %and3A_2513, %ne3A_2515 : vector<16xi32>
        %select_n3A_2517 = arith.select %ne3A_2516, %sub3A_1565, %broadcast_in_dim3A_1610 : vector<16xi1>, vector<16xf32>
        %add3A_2518 = arith.addf %add3A_2386, %select_n3A_2517 : vector<16xf32>
        %and3A_2519 = arith.constant 16384 : i32
        %and3A_2520 = vector.broadcast %and3A_2519 : i32 to vector<16xi32>
        %and3A_2521 = arith.andi %gather3A_2406, %and3A_2520 : vector<16xi32>
        %ne3A_2522 = arith.constant 0 : i32
        %ne3A_2523 = vector.broadcast %ne3A_2522 : i32 to vector<16xi32>
        %ne3A_2524 = arith.cmpi ne, %and3A_2521, %ne3A_2523 : vector<16xi32>
        %select_n3A_2525 = arith.select %ne3A_2524, %sub3A_1565, %broadcast_in_dim3A_1610 : vector<16xi1>, vector<16xf32>
        %add3A_2526 = arith.addf %add3A_2394, %select_n3A_2525 : vector<16xf32>
        %and3A_2527 = arith.constant 32768 : i32
        %and3A_2528 = vector.broadcast %and3A_2527 : i32 to vector<16xi32>
        %and3A_2529 = arith.andi %gather3A_2406, %and3A_2528 : vector<16xi32>
        %ne3A_2530 = arith.constant 0 : i32
        %ne3A_2531 = vector.broadcast %ne3A_2530 : i32 to vector<16xi32>
        %ne3A_2532 = arith.cmpi ne, %and3A_2529, %ne3A_2531 : vector<16xi32>
        %select_n3A_2533 = arith.select %ne3A_2532, %sub3A_1565, %broadcast_in_dim3A_1610 : vector<16xi1>, vector<16xf32>
        %add3A_2534 = arith.addf %add3A_2402, %select_n3A_2533 : vector<16xf32>
        %swap3A_2535 = arith.constant 0 : i32
        %swap3A_2536 = arith.index_cast %and3A_166 : i32 to index
        %swap3A_2537 = arith.index_cast %swap3A_2535 : i32 to index
        %swap3A_2538 = arith.index_cast %mul3A_1419 : i32 to index
        %swap3A_2539 = tpu.vector_load %arg7[%swap3A_2536, %swap3A_2537, %swap3A_2538] {strides = array<i32>} : memref<2x16x512xf32, #tpu.memory_space<vmem>>, vector<16xf32>,
        tpu.vector_store %arg7[%swap3A_2536, %swap3A_2537, %swap3A_2538], %add3A_2414 {strides = array<i32>} : memref<2x16x512xf32, #tpu.memory_space<vmem>>, vector<16xf32>,
        %swap3A_2540 = arith.constant 1 : i32
        %swap3A_2541 = arith.index_cast %and3A_166 : i32 to index
        %swap3A_2542 = arith.index_cast %swap3A_2540 : i32 to index
        %swap3A_2543 = arith.index_cast %mul3A_1419 : i32 to index
        %swap3A_2544 = tpu.vector_load %arg7[%swap3A_2541, %swap3A_2542, %swap3A_2543] {strides = array<i32>} : memref<2x16x512xf32, #tpu.memory_space<vmem>>, vector<16xf32>,
        tpu.vector_store %arg7[%swap3A_2541, %swap3A_2542, %swap3A_2543], %add3A_2422 {strides = array<i32>} : memref<2x16x512xf32, #tpu.memory_space<vmem>>, vector<16xf32>,
        %swap3A_2545 = arith.constant 2 : i32
        %swap3A_2546 = arith.index_cast %and3A_166 : i32 to index
        %swap3A_2547 = arith.index_cast %swap3A_2545 : i32 to index
        %swap3A_2548 = arith.index_cast %mul3A_1419 : i32 to index
        %swap3A_2549 = tpu.vector_load %arg7[%swap3A_2546, %swap3A_2547, %swap3A_2548] {strides = array<i32>} : memref<2x16x512xf32, #tpu.memory_space<vmem>>, vector<16xf32>,
        tpu.vector_store %arg7[%swap3A_2546, %swap3A_2547, %swap3A_2548], %add3A_2430 {strides = array<i32>} : memref<2x16x512xf32, #tpu.memory_space<vmem>>, vector<16xf32>,
        %swap3A_2550 = arith.constant 3 : i32
        %swap3A_2551 = arith.index_cast %and3A_166 : i32 to index
        %swap3A_2552 = arith.index_cast %swap3A_2550 : i32 to index
        %swap3A_2553 = arith.index_cast %mul3A_1419 : i32 to index
        %swap3A_2554 = tpu.vector_load %arg7[%swap3A_2551, %swap3A_2552, %swap3A_2553] {strides = array<i32>} : memref<2x16x512xf32, #tpu.memory_space<vmem>>, vector<16xf32>,
        tpu.vector_store %arg7[%swap3A_2551, %swap3A_2552, %swap3A_2553], %add3A_2438 {strides = array<i32>} : memref<2x16x512xf32, #tpu.memory_space<vmem>>, vector<16xf32>,
        %swap3A_2555 = arith.constant 4 : i32
        %swap3A_2556 = arith.index_cast %and3A_166 : i32 to index
        %swap3A_2557 = arith.index_cast %swap3A_2555 : i32 to index
        %swap3A_2558 = arith.index_cast %mul3A_1419 : i32 to index
        %swap3A_2559 = tpu.vector_load %arg7[%swap3A_2556, %swap3A_2557, %swap3A_2558] {strides = array<i32>} : memref<2x16x512xf32, #tpu.memory_space<vmem>>, vector<16xf32>,
        tpu.vector_store %arg7[%swap3A_2556, %swap3A_2557, %swap3A_2558], %add3A_2446 {strides = array<i32>} : memref<2x16x512xf32, #tpu.memory_space<vmem>>, vector<16xf32>,
        %swap3A_2560 = arith.constant 5 : i32
        %swap3A_2561 = arith.index_cast %and3A_166 : i32 to index
        %swap3A_2562 = arith.index_cast %swap3A_2560 : i32 to index
        %swap3A_2563 = arith.index_cast %mul3A_1419 : i32 to index
        %swap3A_2564 = tpu.vector_load %arg7[%swap3A_2561, %swap3A_2562, %swap3A_2563] {strides = array<i32>} : memref<2x16x512xf32, #tpu.memory_space<vmem>>, vector<16xf32>,
        tpu.vector_store %arg7[%swap3A_2561, %swap3A_2562, %swap3A_2563], %add3A_2454 {strides = array<i32>} : memref<2x16x512xf32, #tpu.memory_space<vmem>>, vector<16xf32>,
        %swap3A_2565 = arith.constant 6 : i32
        %swap3A_2566 = arith.index_cast %and3A_166 : i32 to index
        %swap3A_2567 = arith.index_cast %swap3A_2565 : i32 to index
        %swap3A_2568 = arith.index_cast %mul3A_1419 : i32 to index
        %swap3A_2569 = tpu.vector_load %arg7[%swap3A_2566, %swap3A_2567, %swap3A_2568] {strides = array<i32>} : memref<2x16x512xf32, #tpu.memory_space<vmem>>, vector<16xf32>,
        tpu.vector_store %arg7[%swap3A_2566, %swap3A_2567, %swap3A_2568], %add3A_2462 {strides = array<i32>} : memref<2x16x512xf32, #tpu.memory_space<vmem>>, vector<16xf32>,
        %swap3A_2570 = arith.constant 7 : i32
        %swap3A_2571 = arith.index_cast %and3A_166 : i32 to index
        %swap3A_2572 = arith.index_cast %swap3A_2570 : i32 to index
        %swap3A_2573 = arith.index_cast %mul3A_1419 : i32 to index
        %swap3A_2574 = tpu.vector_load %arg7[%swap3A_2571, %swap3A_2572, %swap3A_2573] {strides = array<i32>} : memref<2x16x512xf32, #tpu.memory_space<vmem>>, vector<16xf32>,
        tpu.vector_store %arg7[%swap3A_2571, %swap3A_2572, %swap3A_2573], %add3A_2470 {strides = array<i32>} : memref<2x16x512xf32, #tpu.memory_space<vmem>>, vector<16xf32>,
        %swap3A_2575 = arith.constant 8 : i32
        %swap3A_2576 = arith.index_cast %and3A_166 : i32 to index
        %swap3A_2577 = arith.index_cast %swap3A_2575 : i32 to index
        %swap3A_2578 = arith.index_cast %mul3A_1419 : i32 to index
        %swap3A_2579 = tpu.vector_load %arg7[%swap3A_2576, %swap3A_2577, %swap3A_2578] {strides = array<i32>} : memref<2x16x512xf32, #tpu.memory_space<vmem>>, vector<16xf32>,
        tpu.vector_store %arg7[%swap3A_2576, %swap3A_2577, %swap3A_2578], %add3A_2478 {strides = array<i32>} : memref<2x16x512xf32, #tpu.memory_space<vmem>>, vector<16xf32>,
        %swap3A_2580 = arith.constant 9 : i32
        %swap3A_2581 = arith.index_cast %and3A_166 : i32 to index
        %swap3A_2582 = arith.index_cast %swap3A_2580 : i32 to index
        %swap3A_2583 = arith.index_cast %mul3A_1419 : i32 to index
        %swap3A_2584 = tpu.vector_load %arg7[%swap3A_2581, %swap3A_2582, %swap3A_2583] {strides = array<i32>} : memref<2x16x512xf32, #tpu.memory_space<vmem>>, vector<16xf32>,
        tpu.vector_store %arg7[%swap3A_2581, %swap3A_2582, %swap3A_2583], %add3A_2486 {strides = array<i32>} : memref<2x16x512xf32, #tpu.memory_space<vmem>>, vector<16xf32>,
        %swap3A_2585 = arith.constant 10 : i32
        %swap3A_2586 = arith.index_cast %and3A_166 : i32 to index
        %swap3A_2587 = arith.index_cast %swap3A_2585 : i32 to index
        %swap3A_2588 = arith.index_cast %mul3A_1419 : i32 to index
        %swap3A_2589 = tpu.vector_load %arg7[%swap3A_2586, %swap3A_2587, %swap3A_2588] {strides = array<i32>} : memref<2x16x512xf32, #tpu.memory_space<vmem>>, vector<16xf32>,
        tpu.vector_store %arg7[%swap3A_2586, %swap3A_2587, %swap3A_2588], %add3A_2494 {strides = array<i32>} : memref<2x16x512xf32, #tpu.memory_space<vmem>>, vector<16xf32>,
        %swap3A_2590 = arith.constant 11 : i32
        %swap3A_2591 = arith.index_cast %and3A_166 : i32 to index
        %swap3A_2592 = arith.index_cast %swap3A_2590 : i32 to index
        %swap3A_2593 = arith.index_cast %mul3A_1419 : i32 to index
        %swap3A_2594 = tpu.vector_load %arg7[%swap3A_2591, %swap3A_2592, %swap3A_2593] {strides = array<i32>} : memref<2x16x512xf32, #tpu.memory_space<vmem>>, vector<16xf32>,
        tpu.vector_store %arg7[%swap3A_2591, %swap3A_2592, %swap3A_2593], %add3A_2502 {strides = array<i32>} : memref<2x16x512xf32, #tpu.memory_space<vmem>>, vector<16xf32>,
        %swap3A_2595 = arith.constant 12 : i32
        %swap3A_2596 = arith.index_cast %and3A_166 : i32 to index
        %swap3A_2597 = arith.index_cast %swap3A_2595 : i32 to index
        %swap3A_2598 = arith.index_cast %mul3A_1419 : i32 to index
        %swap3A_2599 = tpu.vector_load %arg7[%swap3A_2596, %swap3A_2597, %swap3A_2598] {strides = array<i32>} : memref<2x16x512xf32, #tpu.memory_space<vmem>>, vector<16xf32>,
        tpu.vector_store %arg7[%swap3A_2596, %swap3A_2597, %swap3A_2598], %add3A_2510 {strides = array<i32>} : memref<2x16x512xf32, #tpu.memory_space<vmem>>, vector<16xf32>,
        %swap3A_2600 = arith.constant 13 : i32
        %swap3A_2601 = arith.index_cast %and3A_166 : i32 to index
        %swap3A_2602 = arith.index_cast %swap3A_2600 : i32 to index
        %swap3A_2603 = arith.index_cast %mul3A_1419 : i32 to index
        %swap3A_2604 = tpu.vector_load %arg7[%swap3A_2601, %swap3A_2602, %swap3A_2603] {strides = array<i32>} : memref<2x16x512xf32, #tpu.memory_space<vmem>>, vector<16xf32>,
        tpu.vector_store %arg7[%swap3A_2601, %swap3A_2602, %swap3A_2603], %add3A_2518 {strides = array<i32>} : memref<2x16x512xf32, #tpu.memory_space<vmem>>, vector<16xf32>,
        %swap3A_2605 = arith.constant 14 : i32
        %swap3A_2606 = arith.index_cast %and3A_166 : i32 to index
        %swap3A_2607 = arith.index_cast %swap3A_2605 : i32 to index
        %swap3A_2608 = arith.index_cast %mul3A_1419 : i32 to index
        %swap3A_2609 = tpu.vector_load %arg7[%swap3A_2606, %swap3A_2607, %swap3A_2608] {strides = array<i32>} : memref<2x16x512xf32, #tpu.memory_space<vmem>>, vector<16xf32>,
        tpu.vector_store %arg7[%swap3A_2606, %swap3A_2607, %swap3A_2608], %add3A_2526 {strides = array<i32>} : memref<2x16x512xf32, #tpu.memory_space<vmem>>, vector<16xf32>,
        %swap3A_2610 = arith.constant 15 : i32
        %swap3A_2611 = arith.index_cast %and3A_166 : i32 to index
        %swap3A_2612 = arith.index_cast %swap3A_2610 : i32 to index
        %swap3A_2613 = arith.index_cast %mul3A_1419 : i32 to index
        %swap3A_2614 = tpu.vector_load %arg7[%swap3A_2611, %swap3A_2612, %swap3A_2613] {strides = array<i32>} : memref<2x16x512xf32, #tpu.memory_space<vmem>>, vector<16xf32>,
        tpu.vector_store %arg7[%swap3A_2611, %swap3A_2612, %swap3A_2613], %add3A_2534 {strides = array<i32>} : memref<2x16x512xf32, #tpu.memory_space<vmem>>, vector<16xf32>,
      }
      %scan3A_210 = arith.constant 32 : i32
      %dma_start3A_211 = arith.constant 0 : i32
      %dma_start3A_212 = arith.constant 0 : i32
      %dma_start3A_213 = tpu.memref_slice %arg7[%and3A_166, %dma_start3A_211, %dma_start3A_212] : memref<2x16x512xf32, #tpu.memory_space<vmem>> -> memref<1x16x512xf32, #tpu.memory_space<vmem>>
      %dma_start3A_214 = tpu.memref_squeeze %dma_start3A_213 : memref<1x16x512xf32, #tpu.memory_space<vmem>> -> memref<16x512xf32, #tpu.memory_space<vmem>>
      %dma_start3A_215 = arith.constant 0 : i32
      %dma_start3A_216 = tpu.memref_slice %arg4[%select_n3A_159, %dma_start3A_215, %mul3A_164] : memref<100x16x4096xf32, #tpu.memory_space<hbm>> -> memref<1x16x512xf32, #tpu.memory_space<hbm>>
      %dma_start3A_217 = tpu.memref_squeeze %dma_start3A_216 : memref<1x16x512xf32, #tpu.memory_space<hbm>> -> memref<16x512xf32, #tpu.memory_space<hbm>>
      %dma_start3A_218 = tpu.memref_slice %arg10[%and3A_166] : memref<2x!tpu.dma_semaphore, #tpu.memory_space<semaphore_mem>> -> memref<1x!tpu.dma_semaphore, #tpu.memory_space<semaphore_mem>>
      %dma_start3A_219 = tpu.memref_squeeze %dma_start3A_218 : memref<1x!tpu.dma_semaphore, #tpu.memory_space<semaphore_mem>> -> memref<!tpu.dma_semaphore, #tpu.memory_space<semaphore_mem>>
      %dma_start3A_220 = arith.constant 0 : i32
      %dma_start3A_221 = tpu.memref_slice %arg4[%select_n3A_159, %dma_start3A_220, %mul3A_164] : memref<100x16x4096xf32, #tpu.memory_space<hbm>> -> memref<1x16x512xf32, #tpu.memory_space<hbm>>
      %dma_start3A_222 = tpu.memref_squeeze %dma_start3A_221 : memref<1x16x512xf32, #tpu.memory_space<hbm>> -> memref<16x512xf32, #tpu.memory_space<hbm>>
      %dma_start3A_223 = arith.constant 0 : i32
      %dma_start3A_224 = arith.constant 0 : i32
      %dma_start3A_225 = tpu.memref_slice %arg7[%and3A_166, %dma_start3A_223, %dma_start3A_224] : memref<2x16x512xf32, #tpu.memory_space<vmem>> -> memref<1x16x512xf32, #tpu.memory_space<vmem>>
      %dma_start3A_226 = tpu.memref_squeeze %dma_start3A_225 : memref<1x16x512xf32, #tpu.memory_space<vmem>> -> memref<16x512xf32, #tpu.memory_space<vmem>>
      tpu.enqueue_dma source(%dma_start3A_226 : memref<16x512xf32, #tpu.memory_space<vmem>>) target(%dma_start3A_222 : memref<16x512xf32, #tpu.memory_space<hbm>>) target_semaphore(%dma_start3A_219 : memref<!tpu.dma_semaphore, #tpu.memory_space<semaphore_mem>>)
    }
    %scan3A_61 = arith.constant 25 : i32
    %mul3A_62 = arith.constant 25 : i32
    %mul3A_63 = arith.muli %add3A, %mul3A_62 : i32
    %add3A_64 = arith.constant 25 : i32
    %add3A_65 = arith.addi %mul3A_63, %add3A_64 : i32
    %sub3A_66 = arith.constant 1 : i32
    %sub3A_67 = arith.subi %add3A_65, %sub3A_66 : i32
    %jit3A_68 = arith.constant 8 : i32
    %div3A_69 = arith.divsi %sub3A_67, %jit3A_68 : i32
    %sign3A_70 = arith.constant 0 : i32
    %sign3A_71 = arith.cmpi sgt, %sub3A_67, %sign3A_70 : i32
    %sign3A_72 = arith.extui %sign3A_71 : i1 to i32
    %sign3A_73 = arith.constant 0 : i32
    %sign3A_74 = arith.cmpi slt, %sub3A_67, %sign3A_73 : i32
    %sign3A_75 = arith.extui %sign3A_74 : i1 to i32
    %sign3A_76 = arith.subi %sign3A_72, %sign3A_75 : i32
    %sign3A_77 = arith.constant 0 : i32
    %sign3A_78 = arith.cmpi sgt, %jit3A_68, %sign3A_77 : i32
    %sign3A_79 = arith.extui %sign3A_78 : i1 to i32
    %sign3A_80 = arith.constant 0 : i32
    %sign3A_81 = arith.cmpi slt, %jit3A_68, %sign3A_80 : i32
    %sign3A_82 = arith.extui %sign3A_81 : i1 to i32
    %sign3A_83 = arith.subi %sign3A_79, %sign3A_82 : i32
    %ne3A_84 = arith.cmpi ne, %sign3A_76, %sign3A_83 : i32
    %rem3A_85 = arith.remsi %sub3A_67, %jit3A_68 : i32
    %ne3A_86 = arith.constant 0 : i32
    %ne3A_87 = arith.cmpi ne, %rem3A_85, %ne3A_86 : i32
    %and3A_88 = arith.andi %ne3A_84, %ne3A_87 : i1
    %sub3A_89 = arith.constant 1 : i32
    %sub3A_90 = arith.subi %div3A_69, %sub3A_89 : i32
    %select_n3A_91 = arith.select %and3A_88, %sub3A_90, %div3A_69 : i32
    %mul3A_92 = arith.constant 8 : i32
    %mul3A_93 = arith.muli %select_n3A_91, %mul3A_92 : i32
    %sub3A_94 = arith.subi %sub3A_67, %mul3A_93 : i32
    %mul3A_95 = arith.constant 512 : i32
    %mul3A_96 = arith.muli %sub3A_94, %mul3A_95 : i32
    %dma_wait3A = arith.constant 0 : i32
    %dma_wait3A_97 = arith.constant 0 : i32
    %dma_wait3A_98 = arith.constant 0 : i32
    %dma_wait3A_99 = arith.constant 0 : i32
    %dma_wait3A_100 = tpu.memref_slice %arg7[%dma_wait3A, %dma_wait3A_98, %dma_wait3A_99] : memref<2x16x512xf32, #tpu.memory_space<vmem>> -> memref<1x16x512xf32, #tpu.memory_space<vmem>>
    %dma_wait3A_101 = tpu.memref_squeeze %dma_wait3A_100 : memref<1x16x512xf32, #tpu.memory_space<vmem>> -> memref<16x512xf32, #tpu.memory_space<vmem>>
    %dma_wait3A_102 = arith.constant 0 : i32
    %dma_wait3A_103 = tpu.memref_slice %arg4[%select_n3A_91, %dma_wait3A_102, %mul3A_96] : memref<100x16x4096xf32, #tpu.memory_space<hbm>> -> memref<1x16x512xf32, #tpu.memory_space<hbm>>
    %dma_wait3A_104 = tpu.memref_squeeze %dma_wait3A_103 : memref<1x16x512xf32, #tpu.memory_space<hbm>> -> memref<16x512xf32, #tpu.memory_space<hbm>>
    %dma_wait3A_105 = tpu.memref_slice %arg10[%dma_wait3A_97] : memref<2x!tpu.dma_semaphore, #tpu.memory_space<semaphore_mem>> -> memref<1x!tpu.dma_semaphore, #tpu.memory_space<semaphore_mem>>
    %dma_wait3A_106 = tpu.memref_squeeze %dma_wait3A_105 : memref<1x!tpu.dma_semaphore, #tpu.memory_space<semaphore_mem>> -> memref<!tpu.dma_semaphore, #tpu.memory_space<semaphore_mem>>
    %dma_wait3A_107 = arith.constant 0 : i32
    %dma_wait3A_108 = tpu.memref_slice %arg4[%select_n3A_91, %dma_wait3A_107, %mul3A_96] : memref<100x16x4096xf32, #tpu.memory_space<hbm>> -> memref<1x16x512xf32, #tpu.memory_space<hbm>>
    %dma_wait3A_109 = tpu.memref_squeeze %dma_wait3A_108 : memref<1x16x512xf32, #tpu.memory_space<hbm>> -> memref<16x512xf32, #tpu.memory_space<hbm>>
    %dma_wait3A_110 = arith.constant 0 : i32
    %dma_wait3A_111 = arith.constant 0 : i32
    %dma_wait3A_112 = tpu.memref_slice %arg7[%dma_wait3A, %dma_wait3A_110, %dma_wait3A_111] : memref<2x16x512xf32, #tpu.memory_space<vmem>> -> memref<1x16x512xf32, #tpu.memory_space<vmem>>
    %dma_wait3A_113 = tpu.memref_squeeze %dma_wait3A_112 : memref<1x16x512xf32, #tpu.memory_space<vmem>> -> memref<16x512xf32, #tpu.memory_space<vmem>>
    tpu.wait_dma2 semaphore(%dma_wait3A_106 : memref<!tpu.dma_semaphore, #tpu.memory_space<semaphore_mem>>) src(%dma_wait3A_113 : memref<16x512xf32, #tpu.memory_space<vmem>>) dst(%dma_wait3A_109 : memref<16x512xf32, #tpu.memory_space<hbm>>)
    %dma_wait3A_114 = arith.constant 1 : i32
    %dma_wait3A_115 = arith.constant 1 : i32
    %dma_wait3A_116 = arith.constant 0 : i32
    %dma_wait3A_117 = arith.constant 0 : i32
    %dma_wait3A_118 = tpu.memref_slice %arg7[%dma_wait3A_114, %dma_wait3A_116, %dma_wait3A_117] : memref<2x16x512xf32, #tpu.memory_space<vmem>> -> memref<1x16x512xf32, #tpu.memory_space<vmem>>
    %dma_wait3A_119 = tpu.memref_squeeze %dma_wait3A_118 : memref<1x16x512xf32, #tpu.memory_space<vmem>> -> memref<16x512xf32, #tpu.memory_space<vmem>>
    %dma_wait3A_120 = arith.constant 0 : i32
    %dma_wait3A_121 = tpu.memref_slice %arg4[%select_n3A_91, %dma_wait3A_120, %mul3A_96] : memref<100x16x4096xf32, #tpu.memory_space<hbm>> -> memref<1x16x512xf32, #tpu.memory_space<hbm>>
    %dma_wait3A_122 = tpu.memref_squeeze %dma_wait3A_121 : memref<1x16x512xf32, #tpu.memory_space<hbm>> -> memref<16x512xf32, #tpu.memory_space<hbm>>
    %dma_wait3A_123 = tpu.memref_slice %arg10[%dma_wait3A_115] : memref<2x!tpu.dma_semaphore, #tpu.memory_space<semaphore_mem>> -> memref<1x!tpu.dma_semaphore, #tpu.memory_space<semaphore_mem>>
    %dma_wait3A_124 = tpu.memref_squeeze %dma_wait3A_123 : memref<1x!tpu.dma_semaphore, #tpu.memory_space<semaphore_mem>> -> memref<!tpu.dma_semaphore, #tpu.memory_space<semaphore_mem>>
    %dma_wait3A_125 = arith.constant 0 : i32
    %dma_wait3A_126 = tpu.memref_slice %arg4[%select_n3A_91, %dma_wait3A_125, %mul3A_96] : memref<100x16x4096xf32, #tpu.memory_space<hbm>> -> memref<1x16x512xf32, #tpu.memory_space<hbm>>
    %dma_wait3A_127 = tpu.memref_squeeze %dma_wait3A_126 : memref<1x16x512xf32, #tpu.memory_space<hbm>> -> memref<16x512xf32, #tpu.memory_space<hbm>>
    %dma_wait3A_128 = arith.constant 0 : i32
    %dma_wait3A_129 = arith.constant 0 : i32
    %dma_wait3A_130 = tpu.memref_slice %arg7[%dma_wait3A_114, %dma_wait3A_128, %dma_wait3A_129] : memref<2x16x512xf32, #tpu.memory_space<vmem>> -> memref<1x16x512xf32, #tpu.memory_space<vmem>>
    %dma_wait3A_131 = tpu.memref_squeeze %dma_wait3A_130 : memref<1x16x512xf32, #tpu.memory_space<vmem>> -> memref<16x512xf32, #tpu.memory_space<vmem>>
    tpu.wait_dma2 semaphore(%dma_wait3A_124 : memref<!tpu.dma_semaphore, #tpu.memory_space<semaphore_mem>>) src(%dma_wait3A_131 : memref<16x512xf32, #tpu.memory_space<vmem>>) dst(%dma_wait3A_127 : memref<16x512xf32, #tpu.memory_space<hbm>>)
    return
  }
}

</mosaic_0001>

<sc_bundles>
// kernel: kernel.3.cloned.1.call-start
scs
__scs_entry_jumppad:
0x0: {  	(pc) =	sbr.rel $0x88, $3  }
0x1: {  	(tag) =	ssettag $0x0;
	lr =	simm.s32 $0x1  }
0x2: {  	[smem:$0x3F9F] =	sst lr;
	_ =	strace $0xD0000000  }
0x3: {  	_ = 	snop  }
0x4: {  	_ = 	snop  }
0x5: {  	_ = 	snop  }
0x6: {  	_ = 	snop  }
0x7: {  	_ = 	snop  }
__scs_overlays_trampoline_lowered:
0x8: {  	[smem:$0x3FAE] =	sst s0  }
0x9: {  	[smem:$0x3FAF] =	sst s1  }
0xa: {  	[smem:$0x3FB0] =	sst s2  }
0xb: {  	[smem:$0x3FB1] =	sst s3  }
0xc: {  	[smem:$0x3FB2] =	sst s4  }
0xd: {  	[smem:$0x3FB3] =	sst s5  }
0xe: {  	[smem:$0x3FB4] =	sst s6  }
0xf: {  	[smem:$0x3FB5] =	sst s7  }
0x10: {  	[smem:$0x3FB6] =	sst s8  }
0x11: {  	[smem:$0x3FB7] =	sst s9;
	s0 =	simm.s32 @!p0 $0x0  }
0x12: {  	s1 =	sld [smem:$0x3F9D];
	s0 =	simm.s32 @p0 $0x1  }
0x13: {  	[smem:$0x3FB8] =	sst s0;
	s0 =	simm.s32 @!p1 $0x0  }
0x14: {  	s2 =	sld [smem:$0x3F9C];
	s0 =	simm.s32 @p1 $0x1  }
0x15: {  	[smem:$0x3FB9] =	sst s0;
	s0 =	simm.s32 @!p2 $0x0  }
0x16: {  	s3 =	sld [smem:$0x3FDB];
	s0 =	simm.s32 @p2 $0x1  }
0x17: {  	s4 =	simm.s32 $0x1BF5;
	[smem:$0x3FBB] =	sst s0  }
0x18: {  	s0 =	sld [smem:$0x3F9E];
	_ =	swait.ge [sflag:s4], $0x0  }
0x19: {  	s7 =	sld [smem:$0x3F9F]  }
0x1a: {  	s8 =	sadd.s32 $0xFFFFE003, lr  }
0x1b: {  	s9 =	sadd.s32 $0xFFFFFEF7, lr;
	s5 =	simm.s32 $0xFFFFFFFF;
	p2 =	slt.u32 s8, $0xFFFFF086  }
0x1c: {  	p1 =	slt.u32 s9, $0xF7A;
	s5 =	simm.s32 @!p2 $0x0  }
0x1d: {  	s5 =	simm.s32 @p1 $0x1;
	p0 =	seq.s32 s7, s2  }
0x1e: {  	s7 =	smul.u32 @!p0 $0xF7A, s2;
	p2 =	seq.s32 @!p0 s5, $0x0  }
0x1f: {  	s9 =	smul.u32 $0xF7A, s1;
	s8 =	simm.s32 @!p0 $0x1BF5;
	p2 =	por !p2, p0  }
0x20: {  	[sflag:s8] =	ssyncset.s32 @!p0 $0xFFFFF086;
	s6 =	sadd.s32 @!p0 s3, s7;
	s7 =	simm.s32 @!p0 $0x108  }
0x21: {  	s3 =	sadd.s32 s3, s9;
	s6 =	sadd.s32 @!p0 $0x88, s6;
	s7 =	simm.s32 @p2 $0x1082  }
0x22: {  	[simem:s7], [sflag:s8] =	dma.local @!p0 [hbm:s6], $0xF7A  }
0x23: {  	s9 =	sor.u32 $0xD0000000, s2;
	s6 =	simm.s32 $0x108;
	_ =	swait.ge @!p0 [sflag:s8], $0x0  }
0x24: {  	s3 =	sadd.s32 $0x88, s3;
	s6 =	simm.s32 @!p1 $0x1082;
	[sflag:s4] =	ssyncset.s32 $0xFFFFF086  }
0x25: {  	[simem:s6], [sflag:s4] =	dma.local [hbm:s3], $0xF7A  }
0x26: {  	[smem:$0x3F9F] =	sst s1;
	(tag) =	ssettag s2;
	_ =	strace s9  }
0x27: {  	s1 =	sld [smem:$0x3FAF]  }
0x28: {  	s2 =	sld [smem:$0x3FB0]  }
0x29: {  	s4 =	sld [smem:$0x3FB2]  }
0x2a: {  	p0 =	seq.s32 s5, $0x0;
	s5 =	sld [smem:$0x3FB3]  }
0x2b: {  	s6 =	sld [smem:$0x3FB4]  }
0x2c: {  	s7 =	sld [smem:$0x3FB5]  }
0x2d: {  	s3 =	simm.s32 $0x108;
	s8 =	sld [smem:$0x3FB6]  }
0x2e: {  	s3 =	simm.s32 @!p0 $0x1082;
	s9 =	sld [smem:$0x3FB7]  }
0x2f: {  	lr =	sadd.s32 s0, s3;
	s0 =	sld [smem:$0x3FAE]  }
0x30: {  	s3 =	sld [smem:$0x3FB1]  }
0x31: {  	[smem:$0x3FBA] =	sst s10  }
0x32: {  	s10 =	sld [smem:$0x3FB8];
	_ =	sdelay $0x3  }
0x33: {  	p0 =	seq.s32 s10, $0x1;
	s10 =	sld [smem:$0x3FBA];
	_ =	sdelay $0x3  }
0x34: {  	[smem:$0x3FBA] =	sst s10  }
0x35: {  	s10 =	sld [smem:$0x3FB9];
	_ =	sdelay $0x3  }
0x36: {  	p1 =	seq.s32 s10, $0x1;
	s10 =	sld [smem:$0x3FBA];
	_ =	sdelay $0x3  }
0x37: {  	[smem:$0x3FBA] =	sst s10  }
0x38: {  	s10 =	sld [smem:$0x3FBB]  }
0x39: {  	_ = 	snop;
	(pc) =	sbr.ind lr, $3  }
0x3a: {  	_ = 	snop  }
0x3b: {  	_ = 	snop  }
0x3c: {  	p2 =	seq.s32 s10, $0x1;
	s10 =	sld [smem:$0x3FBA]  }
0x3d: {  	_ =	shalt  }
0x3e: {  	_ =	shalt  }
0x3f: {  	_ =	shalt  }
0x40: {  	_ =	shalt  }
0x41: {  	_ =	shalt  }
0x42: {  	_ =	shalt  }
0x43: {  	_ =	shalt  }
0x44: {  	_ =	shalt  }
0x45: {  	_ =	shalt  }
0x46: {  	_ =	shalt  }
0x47: {  	_ =	shalt  }
0x48: {  	_ =	shalt  }
0x49: {  	_ =	shalt  }
0x4a: {  	_ =	shalt  }
0x4b: {  	_ =	shalt  }
0x4c: {  	_ =	shalt  }
0x4d: {  	_ =	shalt  }
0x4e: {  	_ =	shalt  }
0x4f: {  	_ =	shalt  }
0x50: {  	_ =	shalt  }
0x51: {  	_ =	shalt  }
0x52: {  	_ =	shalt  }
0x53: {  	_ =	shalt  }
0x54: {  	_ =	shalt  }
0x55: {  	_ =	shalt  }
0x56: {  	_ =	shalt  }
0x57: {  	_ =	shalt  }
0x58: {  	_ =	shalt  }
0x59: {  	_ =	shalt  }
0x5a: {  	_ =	shalt  }
0x5b: {  	_ =	shalt  }
0x5c: {  	_ =	shalt  }
0x5d: {  	_ =	shalt  }
0x5e: {  	_ =	shalt  }
0x5f: {  	_ =	shalt  }
0x60: {  	_ =	shalt  }
0x61: {  	_ =	shalt  }
0x62: {  	_ =	shalt  }
0x63: {  	_ =	shalt  }
0x64: {  	_ =	shalt  }
0x65: {  	_ =	shalt  }
0x66: {  	_ =	shalt  }
0x67: {  	_ =	shalt  }
0x68: {  	_ =	shalt  }
0x69: {  	_ =	shalt  }
0x6a: {  	_ =	shalt  }
0x6b: {  	_ =	shalt  }
0x6c: {  	_ =	shalt  }
0x6d: {  	_ =	shalt  }
0x6e: {  	_ =	shalt  }
0x6f: {  	_ =	shalt  }
0x70: {  	_ =	shalt  }
0x71: {  	_ =	shalt  }
0x72: {  	_ =	shalt  }
0x73: {  	_ =	shalt  }
0x74: {  	_ =	shalt  }
0x75: {  	_ =	shalt  }
0x76: {  	_ =	shalt  }
0x77: {  	_ =	shalt  }
0x78: {  	_ =	shalt  }
0x79: {  	_ =	shalt  }
0x7a: {  	_ =	shalt  }
0x7b: {  	_ =	shalt  }
0x7c: {  	_ =	shalt  }
0x7d: {  	_ =	shalt  }
0x7e: {  	_ =	shalt  }
0x7f: {  	_ =	shalt  }
0x80: {  	_ =	shalt  }
0x81: {  	_ =	shalt  }
0x82: {  	_ =	shalt  }
0x83: {  	_ =	shalt  }
0x84: {  	_ =	shalt  }
0x85: {  	_ =	shalt  }
0x86: {  	_ =	shalt  }
0x87: {  	_ =	shalt  }
.Lfunc_end0:
.L_simem_size_0:
called_computation_lowered:
.L_overlay_start_0:
0x88: {  	s2 =	sld [smem:$0x3FD9]  }
0x89: {  	s3 =	sld [smem:$0x3FFE];
	_ =	sdelay $0x1  }
0x8a: {  	s1 =	srdreg.scid  }
0x8b: {  	s0 =	sand.u32 $0x1, s1  }
0x8c: {  	s17 =	sshll.u32 s0, $0xA;
	s2 =	sadd.s32 s3, s2  }
0x8d: {  	s2 =	sadd.s32 s2, s17  }
0x8e: {  	[smem:$0x3FC6] =	sst s2  }
0x8f: {  	_ = 	snop  }
0x90: {  	s2 =	sld [smem:$0x3FD0];
	(tm) =	ssettm $0x1  }
0x91: {  	s18 =	sld [smem:$0x3FFB];
	_ =	sdelay $0x3  }
0x92: {  	_ =	strace s18  }
0x93: {  	s3 =	sld [smem:$0x3FFC];
	_ =	sdelay $0x3  }
0x94: {  	_ =	strace s3  }
0x95: {  	s3 =	sld [smem:$0x3FFD];
	_ =	sdelay $0x3  }
0x96: {  	_ =	strace s3  }
0x97: {  	_ =	strace $0x8FFFFFFF  }
0x98: {  	s19 =	sld [smem:$0x3FDB];
	_ =	sdelay $0x1  }
0x99: {  	s4 =	simm.s32 $_scs_section_size  }
0x9a: {  	s5 =	simm.s32 $_size__tile_overlayer_lowered;
	s6 =	simm.s32 $_tile_overlayer_lowered  }
0x9b: {  	s22 =	simm.s32 $0x1BFF;
	s21 =	sshll.u32 s6, $0x1;
	s3 =	sadd.s32 s4, s19  }
0x9c: {  	s7 =	simm.s32 $0x0;
	s20 =	sshll.u32 s5, $0x1;
	s5 =	sadd.s32 s21, s3  }
0x9d: {  	[timem:s7], [sflag:s22] =	dma.local [hbm:s5], s20  }
0x9e: {  	_ =	swait.ge [sflag:s22], s20  }
0x9f: {  	s4 =	ssub.s32 $0x0, s20;
	[sflag:s22] =	ssyncset.done $0x0  }
0xa0: {  	[sflag:s22] =	ssyncadd.s32 s4;
	_ =	sdelay $0x1  }
0xa1: {  	s23 =	simm.s32 $0x1B8B  }
0xa2: {  	_ =	swait.ge [sflag:s23], $0x1  }
0xa3: {  	[sflag:s23] =	ssyncset.done $0x0  }
0xa4: {  	s25 =	simm.s32 $0x1B8E;
	s24 =	sld [smem:$0x3FFE];
	[sflag:s23] =	ssyncadd.s32 $0xFFFFFFFF  }
0xa5: {  	s26 =	simm.s32 $execute0_lowered;
	[smem:$0x3FD2] =	sst s25  }
0xa6: {  	s5 =	sshll.u32 s26, $0x1;
	_ =	strace $0x80000046;
	[dreg:$0x1] =	wrdreg $0xFFFFFFFF  }
0xa7: {  	s28 =	simm.s32 $_size_execute0_lowered;
	s3 =	sadd.s32 s3, s5;
	[dreg:$0x0] =	wrdreg $0x0  }
0xa8: {  	s5 =	sshll.u32 s28, $0x1;
	[dreg:$0x2] =	wrdreg s3  }
0xa9: {  	[dreg:$0x3] =	wrdreg s5  }
0xaa: {  	[dreg:$0x4] =	wrdreg $0xC0  }
0xab: {  	_ =	task [dreg:s7], $0x5FFFF  }
0xac: {  	[dreg:$0x1] =	wrdreg $0xFFFFFFFF  }
0xad: {  	[dreg:$0x0] =	wrdreg $0x60  }
0xae: {  	[dreg:$0x2] =	wrdreg s2  }
0xaf: {  	[dreg:$0x3] =	wrdreg s24  }
0xb0: {  	[dreg:$0x4] =	wrdreg $0x9  }
0xb1: {  	_ =	task.clear_ibuf [dreg:s7], $0x5FFFF;
	_ =	strace $0x90000046  }
0xb2: {  	s29 =	simm.s32 $0x9;
	_ =	strace $0x80000048  }
0xb3: {  	_ =	swait.ge [sflag:s29], $0x1  }
0xb4: {  	[sflag:s29] =	ssyncadd.s32 $0xFFFFFFFF  }
0xb5: {  	_ =	strace $0x90000048  }
0xb6: {  	_ =	sfence  }
0xb7: {  	s30 =	sld [smem:$0x0];
	_ =	sdelay $0x2  }
0xb8: {  	s31 =	sshll.u32 s1, $0xD;
	s1 =	sshrl.u32 s1, $0x2  }
0xb9: {  	s3 =	sand.u32 $0x4000, s31;
	s1 =	sadd.s32 s1, s30  }
0xba: {  	s0 =	sor.u32 s3, s0;
	s1 =	sshll.u32 s1, $0x11  }
0xbb: {  	s0 =	sor.u32 s1, s0  }
0xbc: {  	s0 =	sadd.s32 $0x8F2B, s0  }
0xbd: {  	[sflag:s0] =	ssyncadd.remote.s32 $0x1  }
0xbe: {  	_ =	sfence.sel $0xFFFF  }
0xbf: {  	[dreg:$0x0] =	wrdreg $0xFFFFFFFF;
	(pc) =	sbr.abs _section_cstart, $3  }
0xc0: {  	[dreg:$0x1] =	wrdreg $0xFFFFFFFF  }
0xc1: {  	_ =	task.clear_ibuf [dreg:s7], $0x2FFFF;
	_ =	strace $0x9FFFFFFF  }
0xc2: {  	(tm) =	ssettm $0x7FFFFFFF  }
0xc3: {  	_ =	shalt  }
tec
execute0_lowered:
.L_overlay_start_1:
0x0: {  	(tag) =	ssettag $0x1  }
0x1: {  	s1 =	srdreg.scid;
	s2 =	rddreg [dreg:$0x0]  }
0x2: {  	s0 =	stileid.u32;
	s6 =	rddreg [dreg:$0x1];
	s3 =	simm.s32 $0x0  }
0x3: {  	s12 =	simm.s32 $0x1000;
	s7 =	sand.u32 $0x1, s1;
	s28 =	sshll.u32 s0, $0x1  }
0x4: {  	s13 =	simm.s32 $0x5;
	s14 =	simm.s32 $0x6;
	s5 =	sor.u32 s7, s28  }
0x5: {  	s15 =	simm.s32 $0x0;
	[smem:$0x7FF] =	sst s3;
	s4 =	smul.u32 $0x19, s5  }
0x6: {  	s1 =	rddreg [dreg:$0x2];
	_ =	strace $0x80000047;
	s7 =	ssub.s32 $0x2, s7  }
0x7: {  	s9 =	smul.u32 $0x3200, s5;
	s5 =	sadd.s32 $0x800, s6;
	s8 =	sshrl.u32 s4, $0x3  }
0x8: {  	s6 =	sadd.s32 $0x1600, s6;
	s29 =	sshrl.u32 s7, $0x1;
	s10 =	sshll.u32 s8, $0xC  }
0x9: {  	s11 =	sshll.u32 s4, $0x2;
	s8 =	sshll.u32 s8, $0xF;
	s9 =	ssub.s32 s9, s10  }
0xa: {  	s30 =	ssub.s32 s7, s29;
	s31 =	sand.u32 $0xFE0, s11;
	s8 =	sadd.s32 s8, s9  }
0xb: {  	s11 =	simm.s32 $0x200;
	s7 =	sadd.s32 s5, s31;
	s8 =	sshrl.u32 s8, $0x3  }
0xc: {  	v0 =	vimm.s32 $0x1;
	s10 =	simm.s32 $0x2000;
	s9 =	smax.u32 s30, $0x1;
	s8 =	sadd.s32 s2, s8  }
.LBB2_1:
0xd: {  	[tilespmem:s10], [sflag:$0x3] =	stream.linear.gather [hbm4b:s7+s3], $0x100, $0x38;
	[tilespmem:$0x6200] =	vst v63  }
0xe: {  	p0 =	por $0x0, $0x0;
	s18 =	simm.s32 $0x0  }
0xf: {  	[tilespmem:s3], [sflag:$0x1] =	stream.strided.gather [hbm4b:s8+s11], $0x1000, s12, s11, $0x38;
	[tilespmem:$0x6200] =	vst v63  }
.LBB2_2:
0x10: {  	s21 =	sadd.s32 s4, s18;
	p1 =	seq.s32 s18, $0x18  }
0x11: {  	s16 =	sand.u32 $0x1, s18;
	s19 =	sadd.s32 @!p1 $0x1, s21  }
0x12: {  	s17 =	sxor.u32 @!p1 $0x1, s16;
	s25 =	simm.s32 @!p1 $0x0;
	s22 =	sshll.u32 @!p1 s19, $0x2  }
0x13: {  	s20 =	sshll.u32 @!p1 s17, $0x8;
	s23 =	sadd.s32 @!p1 $0x3, s17;
	s22 =	sand.u32 @!p1 $0x1FFFFFE0, s22  }
0x14: {  	s24 =	sshrl.u32 @!p1 s19, $0x3;
	s20 =	sor.u32 @!p1 $0x2000, s20;
	s22 =	sadd.s32 @!p1 s5, s22  }
0x15: {  	[tilespmem:s20], [sflag:s23] =	stream.linear.gather @!p1 [hbm4b:s22+s25], $0x100, $0x38;
	[tilespmem:$0x6200] =	vst v63  }
0x16: {  	s19 =	sshll.u32 @!p1 s19, $0x9;
	s20 =	sshll.u32 @!p1 s24, $0xC  }
0x17: {  	s22 =	sshll.u32 @!p1 s24, $0xF;
	s19 =	ssub.s32 @!p1 s19, s20  }
0x18: {  	s19 =	sadd.s32 @!p1 s22, s19  }
0x19: {  	s23 =	simm.s32 @!p1 $0x200;
	s24 =	simm.s32 @!p1 $0x1000;
	s19 =	sshrl.u32 @!p1 s19, $0x3  }
0x1a: {  	s22 =	sshll.u32 @!p1 s17, $0xC;
	s17 =	sadd.s32 @!p1 $0x1, s17;
	s19 =	sadd.s32 @!p1 s2, s19  }
0x1b: {  	[tilespmem:s22], [sflag:s17] =	stream.strided.gather @!p1 [hbm4b:s19+s23], $0x1000, s24, s23, $0x38;
	[tilespmem:$0x6200] =	vst v63  }
0x1c: {  	s28 =	sadd.s32 $0x1, s16;
	s24 =	sadd.s32 $0x3, s16  }
0x1d: {  	s30 =	sshll.u32 s16, $0x8;
	s20 =	simm.s32 $0x1;
	_ =	swait.ge [sflag:s24], $0x100  }
0x1e: {  	s31 =	sshll.u32 s16, $0xD;
	s20 =	simm.s32 @!p0 $0x0;
	[sflag:s24] =	ssyncset.done $0x0  }
0x1f: {  	s25 =	sshll.u32 s20, $0xD;
	s26 =	sshll.u32 s20, $0xC;
	[sflag:s24] =	ssyncadd.s32 $0xFFFFFF00  }
0x20: {  	s20 =	sshrl.u32 s21, $0x3;
	s21 =	sshll.u32 s21, $0x9;
	_ =	swait.ge [sflag:s28], $0x1000  }
0x21: {  	s29 =	sshll.u32 s20, $0xC;
	p1 =	slt.u32 s18, $0x2;
	[sflag:s28] =	ssyncset.done $0x0  }
0x22: {  	s17 =	sadd.s32 $0x3200, s25;
	s22 =	sadd.s32 @!p1 $0x5, s16;
	[sflag:s28] =	ssyncadd.s32 $0xFFFFF000  }
0x23: {  	s19 =	sor.u32 $0x800, s26;
	s21 =	ssub.s32 s21, s29;
	_ =	swait.ge @!p1 [sflag:s22], $0x2000  }
0x24: {  	s18 =	sadd.s32 $0x1, s18;
	s23 =	sor.u32 $0x2000, s30;
	[sflag:s22] =	ssyncset.done @!p1 $0x0  }
0x25: {  	s24 =	simm.s32 $0xFFFFFFFE;
	[sflag:s22] =	ssyncadd.s32 @!p1 $0xFFFFE000;
	s22 =	sadd.s32 $0x2200, s31  }
.LBB2_3:
0x26: {  	v1 =	vld [tilespmem:s19+$0xFFFFF800]  }
0x27: {  	v2 =	vld [tilespmem:s19+$0xFFFFFA00]  }
0x28: {  	v3 =	vld [tilespmem:s19+$0xFFFFFC00]  }
0x29: {  	v4 =	vld [tilespmem:s19+$0xFFFFFE00]  }
0x2a: {  	v5 =	vld [tilespmem:s19+$0x0]  }
0x2b: {  	v6 =	vld [tilespmem:s19+$0x200]  }
0x2c: {  	v7 =	vld [tilespmem:s19+$0x400]  }
0x2d: {  	v8 =	vld [tilespmem:s19+$0x600];
	_ =	sdelay $0x2  }
0x2e: {  	v1 =	vand.u32 $0xFFFFFFF8, v1;
	v2 =	vand.u32 $0xFFFFFFF8, v2  }
0x2f: {  	v3 =	vand.u32 $0xFFFFFFF8, v3;
	v4 =	vand.u32 $0xFFFFFFF8, v4;
	v5 =	vand.u32 $0xFFFFFFF8, v5  }
0x30: {  	v6 =	vand.u32 $0xFFFFFFF8, v6;
	v7 =	vand.u32 $0xFFFFFFF8, v7;
	v8 =	vor.u32 $0x7, v8  }
0x31: {  	v2 =	vor.u32 $0x1, v2;
	v3 =	vor.u32 $0x2, v3;
	v4 =	vor.u32 $0x3, v4  }
0x32: {  	v5 =	vor.u32 $0x4, v5;
	v6 =	vor.u32 $0x5, v6;
	v7 =	vor.u32 $0x6, v7  }
0x33: {  	v9 =	vmin.f32 v1, v2;
	v1 =	vmax.f32 v1, v2;
	v2 =	vmin.f32 v3, v4  }
0x34: {  	v3 =	vmax.f32 v3, v4;
	v30 =	vmin.f32 v5, v6;
	v5 =	vmax.f32 v5, v6  }
0x35: {  	v31 =	vmin.f32 v7, v8;
	v7 =	vmax.f32 v7, v8;
	v32 =	vmin.f32 v9, v2  }
0x36: {  	v2 =	vmax.f32 v9, v2;
	v33 =	vmin.f32 v1, v3;
	v1 =	vmax.f32 v1, v3  }
0x37: {  	v3 =	vmin.f32 v30, v31;
	v4 =	vmax.f32 v30, v31;
	v34 =	vmin.f32 v5, v7  }
0x38: {  	v5 =	vmax.f32 v5, v7;
	v35 =	vmin.f32 v33, v2;
	v2 =	vmax.f32 v33, v2  }
0x39: {  	v36 =	vmin.f32 v34, v4;
	v4 =	vmax.f32 v34, v4;
	v37 =	vmax.f32 v32, v3  }
0x3a: {  	v39 =	vmin.f32 v1, v5;
	v1 =	vmax.f32 v1, v5;
	v10 =	vmin.f32 v35, v36  }
0x3b: {  	v7 =	vmax.f32 v35, v36;
	v38 =	vmin.f32 v2, v4;
	v2 =	vmax.f32 v2, v4  }
0x3c: {  	v43 =	vand.u32 $0x7, v1;
	v40 =	vmin.f32 v38, v37;
	v6 =	vmax.f32 v38, v37  }
0x3d: {  	v41 =	vmin.f32 v39, v7;
	v4 =	vmax.f32 v39, v7;
	v42 =	vmin.f32 v10, v40  }
0x3e: {  	v5 =	vmax.f32 v10, v40;
	v11 =	vmin.f32 v41, v6;
	v13 =	vmax.f32 v4, v2  }
0x3f: {  	v12 =	vmax.f32 v41, v6;
	v14 =	vmin.f32 v4, v2;
	v2 =	vand.u32 $0x7, v13  }
0x40: {  	v44 =	vand.u32 $0x7, v14;
	v45 =	vshll.u32 v0, v2;
	v2 =	vshll.u32 v0, v43  }
0x41: {  	v46 =	vand.u32 $0x7, v12;
	v6 =	vshll.u32 v0, v44;
	v4 =	vadd.s32 v2, v45  }
0x42: {  	v47 =	vand.u32 $0x7, v11;
	v10 =	vshll.u32 v0, v46;
	v6 =	vadd.s32 v6, v4  }
0x43: {  	v15 =	vand.u32 $0x7, v5;
	v16 =	vshll.u32 v0, v47;
	v9 =	vadd.s32 v10, v6  }
0x44: {  	v15 =	vshll.u32 v0, v15;
	v16 =	vadd.s32 v16, v9  }
0x45: {  	v48 =	vand.u32 $0x7, v42;
	v15 =	vadd.s32 v15, v16  }
0x46: {  	v10 =	vshll.u32 v0, v48  }
0x47: {  	v10 =	vadd.s32 v10, v15;
	_ =	sdelay $0x2  }
0x48: {  	v15 =	vld.idx.msk [tilespmem:v15+s23+$0x0], $0xffff  }
0x49: {  	v18 =	vmin.f32 v32, v3  }
0x4a: {  	v19 =	vsub.f32 v42, v18;
	v17 =	vld.idx.msk [tilespmem:v10+s23+$0x0], $0xffff  }
0x4b: {  	v8 =	vsub.f32 v11, v5;
	v7 =	vsub.f32 v12, v11  }
0x4c: {  	v3 =	vsub.f32 v13, v14;
	v1 =	vsub.f32 v1, v13  }
0x4d: {  	v10 =	vsub.f32 v5, v42;
	v5 =	vsub.f32 v14, v12;
	v40 =	vand.u32 $0x1, v15  }
0x4e: {  	v41 =	vand.u32 $0x2, v15;
	v42 =	vand.u32 $0x4, v15;
	v44 =	vand.u32 $0x8, v15  }
0x4f: {  	v45 =	vand.u32 $0x10, v15;
	v46 =	vand.u32 $0x20, v15;
	v49 =	vand.u32 $0x1, v17  }
0x50: {  	v50 =	vand.u32 $0x2, v17;
	v51 =	vand.u32 $0x4, v17;
	v53 =	vand.u32 $0x8, v17  }
0x51: {  	v20 =	vand.u32 $0x10, v17;
	v57 =	vand.u32 $0x20, v17;
	v58 =	vand.u32 $0x40, v17  }
0x52: {  	v23 =	vand.u32 $0x80, v17;
	v61 =	vand.u32 $0x100, v17;
	v62 =	vand.u32 $0x200, v17  }
0x53: {  	v26 =	vand.u32 $0x400, v17;
	v32 =	vand.u32 $0x800, v17;
	v33 =	vand.u32 $0x1000, v17  }
0x54: {  	v29 =	vand.u32 $0x2000, v17;
	v36 =	vand.u32 $0x4000, v17;
	v17 =	vand.u32 $0x8000, v17  }
0x55: {  	vm0 =	veq.s32 v49, $0x0;
	vm9 =	veq.s32 v50, $0x0;
	vm10 =	veq.s32 v51, $0x0  }
0x56: {  	vm11 =	veq.s32 v53, $0x0;
	vm12 =	veq.s32 v20, $0x0;
	vm13 =	veq.s32 v57, $0x0  }
0x57: {  	vm14 =	veq.s32 v58, $0x0;
	vm15 =	veq.s32 v23, $0x0;
	vm4 =	veq.s32 v61, $0x0  }
0x58: {  	vm5 =	veq.s32 v62, $0x0;
	vm6 =	veq.s32 v26, $0x0;
	vm7 =	veq.s32 v32, $0x0  }
0x59: {  	vm8 =	veq.s32 v33, $0x0;
	v50 =	vand.u32 $0x40, v15;
	v51 =	vand.u32 $0x80, v15  }
0x5a: {  	v57 =	vand.u32 $0x400, v15;
	v58 =	vand.u32 $0x800, v15;
	v62 =	vand.u32 $0x1000, v15  }
0x5b: {  	v33 =	vand.u32 $0x4000, v15;
	v11 =	vsel vm0, $0x0, v19;
	v52 =	vsel vm9, $0x0, v19  }
0x5c: {  	v54 =	vsel vm10, $0x0, v19;
	v56 =	vsel vm11, $0x0, v19;
	v21 =	vsel vm12, $0x0, v19  }
0x5d: {  	v22 =	vsel vm13, $0x0, v19;
	v60 =	vsel vm14, $0x0, v19;
	v24 =	vsel vm15, $0x0, v19  }
0x5e: {  	v16 =	vld.idx.msk [tilespmem:v16+s23+$0x0], $0xffff;
	v25 =	vsel vm4, $0x0, v19;
	v31 =	vsel vm5, $0x0, v19;
	v27 =	vsel vm6, $0x0, v19  }
0x5f: {  	v28 =	vsel vm7, $0x0, v19;
	v35 =	vsel vm8, $0x0, v19;
	vm9 =	veq.s32 v29, $0x0  }
0x60: {  	vm10 =	veq.s32 v36, $0x0;
	vm11 =	veq.s32 v17, $0x0;
	vm12 =	veq.s32 v40, $0x0  }
0x61: {  	vm13 =	veq.s32 v41, $0x0;
	vm14 =	veq.s32 v42, $0x0;
	vm15 =	veq.s32 v44, $0x0  }
0x62: {  	vm4 =	veq.s32 v45, $0x0;
	vm5 =	veq.s32 v46, $0x0;
	vm6 =	veq.s32 v50, $0x0  }
0x63: {  	vm7 =	veq.s32 v51, $0x0;
	v40 =	vand.u32 $0x4, v16;
	v11 =	vadd.f32 v11, v18  }
0x64: {  	v6 =	vld.idx.msk [tilespmem:v6+s23+$0x0], $0xffff;
	v41 =	vand.u32 $0x8, v16;
	v13 =	vadd.f32 v52, v18;
	v55 =	vadd.f32 v54, v18  }
0x65: {  	v42 =	vand.u32 $0x10, v16;
	v14 =	vadd.f32 v56, v18;
	v21 =	vadd.f32 v21, v18  }
0x66: {  	v44 =	vand.u32 $0x20, v16;
	v59 =	vadd.f32 v22, v18;
	v22 =	vadd.f32 v60, v18  }
0x67: {  	v45 =	vand.u32 $0x40, v16;
	v24 =	vadd.f32 v24, v18;
	v63 =	vadd.f32 v25, v18  }
0x68: {  	v51 =	vand.u32 $0x100, v16;
	v25 =	vadd.f32 v31, v18;
	v27 =	vadd.f32 v27, v18  }
0x69: {  	v9 =	vld.idx.msk [tilespmem:v9+s23+$0x0], $0xffff;
	v29 =	vand.u32 $0x8, v6;
	v34 =	vadd.f32 v28, v18;
	v28 =	vadd.f32 v35, v18  }
0x6a: {  	v30 =	vsel vm9, $0x0, v19;
	v38 =	vsel vm10, $0x0, v19;
	v19 =	vsel vm11, $0x0, v19  }
0x6b: {  	v43 =	vsel vm13, $0x0, v10;
	v47 =	vsel vm4, $0x0, v10;
	v49 =	vsel vm5, $0x0, v10  }
0x6c: {  	v52 =	vand.u32 $0x100, v15;
	v53 =	vsel vm7, $0x0, v10;
	v56 =	vand.u32 $0x200, v15  }
0x6d: {  	vm10 =	veq.s32 v57, $0x0;
	vm11 =	veq.s32 v58, $0x0;
	vm7 =	veq.s32 v41, $0x0  }
0x6e: {  	v57 =	vand.u32 $0x800, v16;
	v58 =	vand.u32 $0x1000, v16;
	v31 =	vand.u32 $0x1, v9  }
0x6f: {  	v41 =	vand.u32 $0x40, v9;
	v37 =	vadd.f32 v30, v18;
	v39 =	vadd.f32 v38, v18  }
0x70: {  	v18 =	vadd.f32 v19, v18;
	v30 =	vsel vm12, $0x0, v10;
	v19 =	vsel vm14, $0x0, v10  }
0x71: {  	vm8 =	veq.s32 v52, $0x0;
	vm9 =	veq.s32 v56, $0x0;
	v61 =	vsel vm11, $0x0, v10  }
0x72: {  	vm12 =	veq.s32 v62, $0x0;
	vm14 =	veq.s32 v33, $0x0;
	v38 =	vand.u32 $0x2, v16  }
0x73: {  	v52 =	vand.u32 $0x200, v16;
	v11 =	vadd.f32 v11, v30;
	v13 =	vadd.f32 v13, v43  }
0x74: {  	v4 =	vld.idx.msk [tilespmem:v4+s23+$0x0], $0xffff;
	v33 =	vand.u32 $0x2, v9;
	v12 =	vadd.f32 v55, v19;
	v48 =	vadd.f32 v21, v47  }
0x75: {  	v2 =	vld.idx.msk [tilespmem:v2+s23+$0x0], $0xffff;
	v30 =	vsel vm15, $0x0, v10;
	v20 =	vadd.f32 v59, v49;
	v54 =	vadd.f32 v24, v53  }
0x76: {  	v55 =	vsel vm8, $0x0, v10;
	v59 =	vsel vm10, $0x0, v10;
	v26 =	vadd.f32 v34, v61  }
0x77: {  	v36 =	vsel vm14, $0x0, v10;
	vm5 =	veq.s32 v38, $0x0;
	v43 =	vsel vm7, $0x0, v8  }
0x78: {  	vm8 =	veq.s32 v42, $0x0;
	vm10 =	veq.s32 v45, $0x0;
	v47 =	vand.u32 $0x80, v16  }
0x79: {  	v53 =	vand.u32 $0x400, v16;
	v45 =	vand.u32 $0x80, v9;
	v24 =	vand.u32 $0x40, v4  }
0x7a: {  	v21 =	vand.u32 $0x1000, v2;
	v14 =	vadd.f32 v14, v30;
	v30 =	vsel vm6, $0x0, v10  }
0x7b: {  	v23 =	vadd.f32 v63, v55;
	v60 =	vadd.f32 v27, v59;
	v63 =	vand.u32 $0x2000, v15  }
0x7c: {  	v15 =	vand.u32 $0x8000, v15;
	v17 =	vadd.f32 v39, v36;
	vm6 =	veq.s32 v40, $0x0  }
0x7d: {  	vm11 =	veq.s32 v47, $0x0;
	vm14 =	veq.s32 v53, $0x0;
	v59 =	vand.u32 $0x2000, v16  }
0x7e: {  	v40 =	vand.u32 $0x20, v9;
	v47 =	vand.u32 $0x200, v9;
	v53 =	vand.u32 $0x1000, v9  }
0x7f: {  	v22 =	vadd.f32 v22, v30;
	v30 =	vsel vm9, $0x0, v10;
	vm13 =	veq.s32 v63, $0x0  }
0x80: {  	vm15 =	veq.s32 v15, $0x0;
	v15 =	vsel vm5, $0x0, v8;
	vm9 =	veq.s32 v44, $0x0  }
0x81: {  	v50 =	vsel vm11, $0x0, v8;
	v56 =	vsel vm14, $0x0, v8;
	vm5 =	veq.s32 v59, $0x0  }
0x82: {  	v63 =	vand.u32 $0x4000, v16;
	vm14 =	veq.s32 v41, $0x0;
	v41 =	vand.u32 $0x200, v6  }
0x83: {  	v25 =	vadd.f32 v25, v30;
	v30 =	vsel vm12, $0x0, v10;
	v34 =	vsel vm13, $0x0, v10  }
0x84: {  	v10 =	vsel vm15, $0x0, v10;
	v13 =	vadd.f32 v13, v15;
	v14 =	vadd.f32 v14, v43  }
0x85: {  	v15 =	vsel vm8, $0x0, v8;
	v46 =	vsel vm9, $0x0, v8;
	vm12 =	veq.s32 v51, $0x0  }
0x86: {  	vm13 =	veq.s32 v52, $0x0;
	vm15 =	veq.s32 v57, $0x0;
	v62 =	vsel vm5, $0x0, v8  }
0x87: {  	vm8 =	veq.s32 v31, $0x0;
	vm9 =	veq.s32 v33, $0x0;
	v44 =	vsel vm14, $0x0, v7  }
0x88: {  	vm5 =	veq.s32 v47, $0x0;
	v51 =	vand.u32 $0x400, v9;
	v52 =	vand.u32 $0x800, v9  }
0x89: {  	v57 =	vand.u32 $0x2000, v9;
	v31 =	vand.u32 $0x20, v6;
	v47 =	vand.u32 $0x1000, v6  }
0x8a: {  	v28 =	vadd.f32 v28, v30;
	v35 =	vadd.f32 v37, v34;
	v37 =	vand.u32 $0x1, v16  }
0x8b: {  	v10 =	vadd.f32 v18, v10;
	v18 =	vsel vm6, $0x0, v8;
	v15 =	vadd.f32 v48, v15  }
0x8c: {  	v19 =	vadd.f32 v20, v46;
	v48 =	vsel vm10, $0x0, v8;
	v20 =	vadd.f32 v54, v50  }
0x8d: {  	v54 =	vsel vm13, $0x0, v8;
	vm6 =	veq.s32 v63, $0x0;
	v16 =	vand.u32 $0x8000, v16  }
0x8e: {  	v32 =	vsel vm8, $0x0, v7;
	v34 =	vand.u32 $0x4, v9;
	vm13 =	veq.s32 v40, $0x0  }
0x8f: {  	v46 =	vand.u32 $0x100, v9;
	v50 =	vsel vm5, $0x0, v7;
	vm8 =	veq.s32 v53, $0x0  }
0x90: {  	v63 =	vand.u32 $0x2, v6;
	vm5 =	veq.s32 v31, $0x0;
	v53 =	vand.u32 $0x1, v4  }
0x91: {  	v31 =	vand.u32 $0x200, v4;
	vm4 =	veq.s32 v37, $0x0;
	v12 =	vadd.f32 v12, v18  }
0x92: {  	v49 =	vadd.f32 v22, v48;
	v22 =	vsel vm12, $0x0, v8;
	v55 =	vadd.f32 v25, v54  }
0x93: {  	v25 =	vsel vm15, $0x0, v8;
	v30 =	vsel vm6, $0x0, v8;
	vm7 =	veq.s32 v16, $0x0  }
0x94: {  	v16 =	vsel vm9, $0x0, v7;
	vm10 =	veq.s32 v34, $0x0;
	v42 =	vsel vm13, $0x0, v7  }
0x95: {  	vm15 =	veq.s32 v45, $0x0;
	vm6 =	veq.s32 v51, $0x0;
	vm9 =	veq.s32 v57, $0x0  }
0x96: {  	vm13 =	veq.s32 v63, $0x0;
	v34 =	vsel vm5, $0x0, v5;
	v22 =	vadd.f32 v23, v22  }
0x97: {  	v39 =	vsel vm4, $0x0, v8;
	v23 =	vadd.f32 v60, v56;
	v25 =	vadd.f32 v26, v25  }
0x98: {  	vm4 =	veq.s32 v58, $0x0;
	v26 =	vadd.f32 v35, v62;
	v17 =	vadd.f32 v17, v30  }
0x99: {  	v35 =	vand.u32 $0x8, v9;
	v13 =	vadd.f32 v13, v16;
	v36 =	vsel vm10, $0x0, v7  }
0x9a: {  	v43 =	vadd.f32 v19, v42;
	v19 =	vsel vm15, $0x0, v7;
	v56 =	vsel vm8, $0x0, v7  }
0x9b: {  	v58 =	vand.u32 $0x4000, v9;
	v62 =	vand.u32 $0x1, v6;
	vm15 =	veq.s32 v29, $0x0  }
0x9c: {  	v30 =	vand.u32 $0x10, v6;
	v42 =	vand.u32 $0x400, v6;
	v11 =	vadd.f32 v11, v39  }
0x9d: {  	v60 =	vsel vm4, $0x0, v8;
	v8 =	vsel vm7, $0x0, v8;
	vm11 =	veq.s32 v35, $0x0  }
0x9e: {  	v37 =	vadd.f32 v12, v36;
	v39 =	vand.u32 $0x10, v9;
	vm4 =	veq.s32 v46, $0x0  }
0x9f: {  	v19 =	vadd.f32 v20, v19;
	v20 =	vadd.f32 v55, v50;
	vm7 =	veq.s32 v52, $0x0  }
0xa0: {  	vm10 =	veq.s32 v58, $0x0;
	v9 =	vand.u32 $0x8000, v9;
	v35 =	vand.u32 $0x40, v6  }
0xa1: {  	v36 =	vand.u32 $0x80, v6;
	v58 =	vand.u32 $0x4, v4;
	v61 =	vadd.f32 v28, v60  }
0xa2: {  	v8 =	vadd.f32 v10, v8;
	v38 =	vsel vm11, $0x0, v7;
	vm12 =	veq.s32 v39, $0x0  }
0xa3: {  	v48 =	vsel vm4, $0x0, v7;
	v54 =	vsel vm7, $0x0, v7;
	v60 =	vsel vm10, $0x0, v7  }
0xa4: {  	vm11 =	veq.s32 v9, $0x0;
	vm4 =	veq.s32 v30, $0x0;
	vm7 =	veq.s32 v36, $0x0  }
0xa5: {  	vm10 =	veq.s32 v42, $0x0;
	v30 =	vand.u32 $0x100, v4;
	v36 =	vand.u32 $0x800, v4  }
0xa6: {  	v42 =	vand.u32 $0x4000, v4;
	v10 =	vadd.f32 v11, v32;
	v12 =	vadd.f32 v14, v38  }
0xa7: {  	v16 =	vsel vm12, $0x0, v7;
	v55 =	vadd.f32 v25, v54;
	v25 =	vsel vm9, $0x0, v7  }
0xa8: {  	vm12 =	veq.s32 v62, $0x0;
	v32 =	vsel vm4, $0x0, v5;
	v14 =	vadd.f32 v43, v34  }
0xa9: {  	v38 =	vsel vm7, $0x0, v5;
	vm9 =	veq.s32 v41, $0x0;
	v43 =	vand.u32 $0x800, v6  }
0xaa: {  	vm4 =	veq.s32 v53, $0x0;
	v54 =	vand.u32 $0x2, v4;
	v15 =	vadd.f32 v15, v16  }
0xab: {  	v53 =	vand.u32 $0x20, v2;
	v16 =	vadd.f32 v49, v44;
	v49 =	vadd.f32 v22, v48  }
0xac: {  	v22 =	vsel vm6, $0x0, v7;
	v59 =	vadd.f32 v26, v25;
	v7 =	vsel vm11, $0x0, v7  }
0xad: {  	v25 =	vand.u32 $0x4, v6;
	v26 =	vsel vm13, $0x0, v5;
	vm6 =	veq.s32 v35, $0x0  }
0xae: {  	v39 =	vadd.f32 v19, v38;
	v19 =	vsel vm9, $0x0, v5;
	v44 =	vsel vm10, $0x0, v5  }
0xaf: {  	vm11 =	veq.s32 v43, $0x0;
	v48 =	vand.u32 $0x2000, v6;
	vm5 =	veq.s32 v54, $0x0  }
0xb0: {  	vm10 =	veq.s32 v24, $0x0;
	v38 =	vand.u32 $0x2000, v4;
	v22 =	vadd.f32 v23, v22  }
0xb1: {  	v54 =	vand.u32 $0x40, v2;
	v23 =	vadd.f32 v61, v56;
	v61 =	vadd.f32 v17, v60  }
0xb2: {  	v7 =	vadd.f32 v8, v7;
	v17 =	vsel vm12, $0x0, v5;
	vm14 =	veq.s32 v25, $0x0  }
0xb3: {  	v27 =	vadd.f32 v13, v26;
	v19 =	vadd.f32 v20, v19;
	v46 =	vsel vm11, $0x0, v5  }
0xb4: {  	vm12 =	veq.s32 v47, $0x0;
	vm13 =	veq.s32 v48, $0x0;
	v57 =	vsel vm5, $0x0, v3  }
0xb5: {  	v60 =	vand.u32 $0x10, v4;
	v26 =	vand.u32 $0x80, v4;
	vm5 =	veq.s32 v38, $0x0  }
0xb6: {  	v48 =	vand.u32 $0x8, v2;
	v10 =	vadd.f32 v10, v17;
	v28 =	vsel vm14, $0x0, v5  }
0xb7: {  	v17 =	vsel vm15, $0x0, v5;
	v33 =	vadd.f32 v15, v32;
	v20 =	vadd.f32 v55, v46  }
0xb8: {  	v50 =	vsel vm13, $0x0, v5;
	v55 =	vsel vm4, $0x0, v3;
	vm11 =	veq.s32 v26, $0x0  }
0xb9: {  	vm13 =	veq.s32 v31, $0x0;
	v32 =	vand.u32 $0x400, v4;
	v41 =	vsel vm5, $0x0, v3  }
0xba: {  	v46 =	vand.u32 $0x4, v2;
	v15 =	vand.u32 $0x800, v2;
	v26 =	vand.u32 $0x2000, v2  }
0xbb: {  	v11 =	vadd.f32 v37, v28;
	v12 =	vadd.f32 v12, v17;
	v17 =	vsel vm6, $0x0, v5  }
0xbc: {  	v37 =	vand.u32 $0x100, v6;
	v45 =	vadd.f32 v22, v44;
	v22 =	vsel vm12, $0x0, v5  }
0xbd: {  	v51 =	vadd.f32 v59, v50;
	vm6 =	veq.s32 v58, $0x0;
	v59 =	vand.u32 $0x8, v4  }
0xbe: {  	v29 =	vsel vm11, $0x0, v3;
	vm12 =	veq.s32 v30, $0x0;
	v44 =	vand.u32 $0x1, v2  }
0xbf: {  	vm11 =	veq.s32 v48, $0x0;
	v58 =	vand.u32 $0x80, v2;
	v16 =	vadd.f32 v16, v17  }
0xc0: {  	vm8 =	veq.s32 v37, $0x0;
	v22 =	vadd.f32 v23, v22;
	v56 =	vadd.f32 v10, v55  }
0xc1: {  	v10 =	vsel vm6, $0x0, v3;
	vm7 =	veq.s32 v59, $0x0;
	v23 =	vand.u32 $0x20, v4  }
0xc2: {  	v37 =	vand.u32 $0x1000, v4;
	vm6 =	veq.s32 v42, $0x0;
	v4 =	vand.u32 $0x8000, v4  }
0xc3: {  	v40 =	vsel vm8, $0x0, v5;
	v10 =	vadd.f32 v11, v10;
	vm8 =	veq.s32 v60, $0x0  }
0xc4: {  	vm9 =	veq.s32 v23, $0x0;
	vm4 =	veq.s32 v37, $0x0;
	v43 =	vsel vm6, $0x0, v3  }
0xc5: {  	v60 =	vand.u32 $0x100, v2;
	v17 =	vadd.f32 v49, v40;
	v49 =	vand.u32 $0x4000, v6  }
0xc6: {  	v6 =	vand.u32 $0x8000, v6;
	v63 =	vsel vm8, $0x0, v3;
	v25 =	vsel vm9, $0x0, v3  }
0xc7: {  	vm8 =	veq.s32 v44, $0x0;
	vm14 =	veq.s32 v49, $0x0;
	v11 =	vadd.f32 v33, v63  }
0xc8: {  	vm15 =	veq.s32 v6, $0x0;
	v13 =	vadd.f32 v14, v25;
	v14 =	vadd.f32 v39, v29  }
0xc9: {  	v33 =	vsel vm13, $0x0, v3;
	v39 =	vsel vm4, $0x0, v3;
	vm13 =	veq.s32 v53, $0x0  }
0xca: {  	vm4 =	veq.s32 v60, $0x0;
	v52 =	vsel vm14, $0x0, v5;
	v5 =	vsel vm15, $0x0, v5  }
0xcb: {  	vm14 =	veq.s32 v32, $0x0;
	v34 =	vadd.f32 v19, v33;
	vm15 =	veq.s32 v36, $0x0  }
0xcc: {  	v40 =	vadd.f32 v22, v39;
	v55 =	vsel vm13, $0x0, v1;
	v9 =	vadd.f32 v61, v52  }
0xcd: {  	v5 =	vadd.f32 v7, v5;
	v7 =	vadd.f32 v27, v57;
	v61 =	vsel vm7, $0x0, v3  }
0xce: {  	v27 =	vsel vm10, $0x0, v3;
	v35 =	vsel vm14, $0x0, v3;
	v19 =	vsel vm15, $0x0, v3  }
0xcf: {  	vm7 =	veq.s32 v4, $0x0;
	v4 =	vsel vm8, $0x0, v1;
	vm10 =	veq.s32 v46, $0x0  }
0xd0: {  	v52 =	vand.u32 $0x10, v2;
	vm14 =	veq.s32 v54, $0x0;
	vm15 =	veq.s32 v58, $0x0  }
0xd1: {  	vm8 =	veq.s32 v21, $0x0;
	v62 =	vadd.f32 v12, v61;
	v28 =	vadd.f32 v16, v27  }
0xd2: {  	v16 =	vsel vm12, $0x0, v3;
	v19 =	vadd.f32 v20, v19;
	v20 =	vadd.f32 v51, v41  }
0xd3: {  	v3 =	vsel vm7, $0x0, v3;
	v4 =	vadd.f32 v56, v4;
	v49 =	vsel vm10, $0x0, v1  }
0xd4: {  	v51 =	vsel vm11, $0x0, v1;
	vm12 =	veq.s32 v52, $0x0;
	v56 =	vadd.f32 v13, v55  }
0xd5: {  	v57 =	vsel vm14, $0x0, v1;
	v61 =	vsel vm15, $0x0, v1;
	v12 =	vsel vm4, $0x0, v1  }
0xd6: {  	vm7 =	veq.s32 v15, $0x0;
	v16 =	vadd.f32 v17, v16;
	v50 =	vadd.f32 v10, v49;
	[tilespmem:s17+$0xFFFFF000] =	vst v4  }
0xd7: {  	v25 =	vsel vm8, $0x0, v1;
	v17 =	vadd.f32 v45, v35;
	v63 =	vadd.f32 v14, v61;
	[tilespmem:s17+$0xFFFFFA00] =	vst v56  }
0xd8: {  	v9 =	vadd.f32 v9, v43;
	v10 =	vsel vm12, $0x0, v1;
	v27 =	vadd.f32 v40, v25;
	[tilespmem:s17+$0xFFFFF400] =	vst v50  }
0xd9: {  	v45 =	vand.u32 $0x2, v2;
	v14 =	vand.u32 $0x400, v2;
	v10 =	vadd.f32 v11, v10;
	[tilespmem:s17+$0xFFFFFE00] =	vst v63  }
0xda: {  	v23 =	vsel vm7, $0x0, v1;
	vm9 =	veq.s32 v45, $0x0;
	v59 =	vadd.f32 v28, v57;
	[tilespmem:s17+$0x800] =	vst v27  }
0xdb: {  	v24 =	vadd.f32 v19, v23;
	v28 =	vand.u32 $0x4000, v2;
	v47 =	vsel vm9, $0x0, v1;
	[tilespmem:s17+$0xFFFFF800] =	vst v10  }
0xdc: {  	vm9 =	veq.s32 v26, $0x0;
	vm10 =	veq.s32 v28, $0x0;
	v6 =	vadd.f32 v7, v47;
	[tilespmem:s17+$0xFFFFFC00] =	vst v59  }
0xdd: {  	v7 =	vadd.f32 v62, v51;
	v62 =	vand.u32 $0x200, v2;
	v29 =	vsel vm9, $0x0, v1;
	[tilespmem:s17+$0x600] =	vst v24  }
0xde: {  	v2 =	vand.u32 $0x8000, v2;
	v31 =	vsel vm10, $0x0, v1;
	v30 =	vadd.f32 v20, v29;
	[tilespmem:s17+$0xFFFFF200] =	vst v6  }
0xdf: {  	vm5 =	veq.s32 v62, $0x0;
	vm11 =	veq.s32 v2, $0x0;
	v2 =	vadd.f32 v9, v31;
	[tilespmem:s17+$0xFFFFF600] =	vst v7  }
0xe0: {  	vm6 =	veq.s32 v14, $0x0;
	v6 =	vadd.f32 v16, v12;
	v13 =	vsel vm5, $0x0, v1;
	[tilespmem:s17+$0xA00] =	vst v30  }
0xe1: {  	v3 =	vadd.f32 v5, v3;
	v16 =	vsel vm6, $0x0, v1;
	v7 =	vadd.f32 v34, v13;
	[tilespmem:s17+$0xC00] =	vst v2  }
0xe2: {  	v1 =	vsel vm11, $0x0, v1;
	v22 =	vadd.f32 v17, v16;
	[tilespmem:s17+$0x0] =	vst v6  }
0xe3: {  	v1 =	vadd.f32 v3, v1;
	[tilespmem:s17+$0x200] =	vst v7  }
0xe4: {  	[tilespmem:s17+$0x400] =	vst v22  }
0xe5: {  	[tilespmem:s17+$0xE00] =	vst v1  }
0xe6: {  	v1 =	vld [tilespmem:s19+$0xFFFFF810]  }
0xe7: {  	v2 =	vld [tilespmem:s19+$0xFFFFFA10]  }
0xe8: {  	v3 =	vld [tilespmem:s19+$0xFFFFFC10]  }
0xe9: {  	v4 =	vld [tilespmem:s19+$0xFFFFFE10]  }
0xea: {  	v5 =	vld [tilespmem:s19+$0x10]  }
0xeb: {  	v6 =	vld [tilespmem:s19+$0x210]  }
0xec: {  	v32 =	vld [tilespmem:s19+$0x410]  }
0xed: {  	v33 =	vld [tilespmem:s19+$0x610];
	_ =	sdelay $0x2  }
0xee: {  	v1 =	vand.u32 $0xFFFFFFF8, v1;
	v2 =	vand.u32 $0xFFFFFFF8, v2  }
0xef: {  	v3 =	vand.u32 $0xFFFFFFF8, v3;
	v4 =	vand.u32 $0xFFFFFFF8, v4;
	v5 =	vand.u32 $0xFFFFFFF8, v5  }
0xf0: {  	v6 =	vand.u32 $0xFFFFFFF8, v6;
	v7 =	vand.u32 $0xFFFFFFF8, v32;
	v8 =	vor.u32 $0x7, v33  }
0xf1: {  	v2 =	vor.u32 $0x1, v2;
	v3 =	vor.u32 $0x2, v3;
	v4 =	vor.u32 $0x3, v4  }
0xf2: {  	v5 =	vor.u32 $0x4, v5;
	v6 =	vor.u32 $0x5, v6;
	v7 =	vor.u32 $0x6, v7  }
0xf3: {  	v34 =	vmin.f32 v1, v2;
	v1 =	vmax.f32 v1, v2;
	v2 =	vmin.f32 v3, v4  }
0xf4: {  	v3 =	vmax.f32 v3, v4;
	v35 =	vmin.f32 v5, v6;
	v5 =	vmax.f32 v5, v6  }
0xf5: {  	v36 =	vmin.f32 v7, v8;
	v7 =	vmax.f32 v7, v8;
	v37 =	vmin.f32 v34, v2  }
0xf6: {  	v2 =	vmax.f32 v34, v2;
	v38 =	vmin.f32 v1, v3;
	v1 =	vmax.f32 v1, v3  }
0xf7: {  	v3 =	vmin.f32 v35, v36;
	v4 =	vmax.f32 v35, v36;
	v39 =	vmin.f32 v5, v7  }
0xf8: {  	v5 =	vmax.f32 v5, v7;
	v40 =	vmin.f32 v38, v2;
	v2 =	vmax.f32 v38, v2  }
0xf9: {  	v41 =	vmin.f32 v39, v4;
	v4 =	vmax.f32 v39, v4;
	v42 =	vmax.f32 v37, v3  }
0xfa: {  	v45 =	vmin.f32 v1, v5;
	v1 =	vmax.f32 v1, v5;
	v43 =	vmin.f32 v40, v41  }
0xfb: {  	v7 =	vmax.f32 v40, v41;
	v44 =	vmin.f32 v2, v4;
	v2 =	vmax.f32 v2, v4  }
0xfc: {  	v53 =	vand.u32 $0x7, v1;
	v46 =	vmin.f32 v44, v42;
	v6 =	vmax.f32 v44, v42  }
0xfd: {  	v47 =	vmin.f32 v45, v7;
	v4 =	vmax.f32 v45, v7;
	v48 =	vmin.f32 v43, v46  }
0xfe: {  	v5 =	vmax.f32 v43, v46;
	v49 =	vmin.f32 v47, v6;
	v51 =	vmax.f32 v4, v2  }
0xff: {  	v50 =	vmax.f32 v47, v6;
	v52 =	vmin.f32 v4, v2;
	v2 =	vand.u32 $0x7, v51  }
0x100: {  	v54 =	vand.u32 $0x7, v52;
	v55 =	vshll.u32 v0, v2;
	v2 =	vshll.u32 v0, v53  }
0x101: {  	v56 =	vand.u32 $0x7, v50;
	v6 =	vshll.u32 v0, v54;
	v4 =	vadd.s32 v2, v55  }
0x102: {  	v57 =	vand.u32 $0x7, v49;
	v10 =	vshll.u32 v0, v56;
	v6 =	vadd.s32 v6, v4  }
0x103: {  	v58 =	vand.u32 $0x7, v5;
	v59 =	vshll.u32 v0, v57;
	v9 =	vadd.s32 v10, v6  }
0x104: {  	v60 =	vand.u32 $0x7, v48;
	v15 =	vshll.u32 v0, v58;
	v16 =	vadd.s32 v59, v9  }
0x105: {  	v10 =	vshll.u32 v0, v60;
	v15 =	vadd.s32 v15, v16  }
0x106: {  	v10 =	vadd.s32 v10, v15;
	_ =	sdelay $0x4  }
0x107: {  	v61 =	vld.idx.msk [tilespmem:v10+s23+$0x0], $0xffff  }
0x108: {  	v62 =	vmin.f32 v37, v3  }
0x109: {  	v63 =	vsub.f32 v48, v62  }
0x10a: {  	v8 =	vsub.f32 v49, v5;
	v7 =	vsub.f32 v50, v49  }
0x10b: {  	v3 =	vsub.f32 v51, v52;
	v1 =	vsub.f32 v1, v51  }
0x10c: {  	v10 =	vsub.f32 v5, v48;
	v5 =	vsub.f32 v52, v50;
	v29 =	vand.u32 $0x1, v61  }
0x10d: {  	v15 =	vld.idx.msk [tilespmem:v15+s23+$0x0], $0xffff;
	v30 =	vand.u32 $0x2, v61;
	v31 =	vand.u32 $0x4, v61;
	v33 =	vand.u32 $0x8, v61  }
0x10e: {  	v36 =	vand.u32 $0x10, v61;
	v37 =	vand.u32 $0x20, v61;
	v39 =	vand.u32 $0x40, v61  }
0x10f: {  	v42 =	vand.u32 $0x80, v61;
	v43 =	vand.u32 $0x100, v61;
	v45 =	vand.u32 $0x200, v61  }
0x110: {  	v48 =	vand.u32 $0x400, v61;
	v49 =	vand.u32 $0x800, v61;
	v51 =	vand.u32 $0x1000, v61  }
0x111: {  	v55 =	vand.u32 $0x2000, v61;
	v56 =	vand.u32 $0x4000, v61;
	v17 =	vand.u32 $0x8000, v61  }
0x112: {  	v16 =	vld.idx.msk [tilespmem:v16+s23+$0x0], $0xffff;
	v61 =	vand.u32 $0x1, v15;
	vm12 =	veq.s32 v29, $0x0;
	vm13 =	veq.s32 v30, $0x0  }
0x113: {  	vm14 =	veq.s32 v31, $0x0;
	vm15 =	veq.s32 v33, $0x0;
	vm4 =	veq.s32 v36, $0x0  }
0x114: {  	vm5 =	veq.s32 v37, $0x0;
	vm6 =	veq.s32 v39, $0x0;
	vm7 =	veq.s32 v42, $0x0  }
0x115: {  	vm8 =	veq.s32 v43, $0x0;
	vm9 =	veq.s32 v45, $0x0;
	vm10 =	veq.s32 v48, $0x0  }
0x116: {  	vm11 =	veq.s32 v49, $0x0;
	v36 =	vand.u32 $0x20, v15;
	v42 =	vand.u32 $0x100, v15  }
0x117: {  	v48 =	vand.u32 $0x800, v15;
	v31 =	vand.u32 $0x40, v16;
	v11 =	vsel vm12, $0x0, v63  }
0x118: {  	v32 =	vsel vm13, $0x0, v63;
	v34 =	vsel vm14, $0x0, v63;
	v35 =	vsel vm15, $0x0, v63  }
0x119: {  	v38 =	vsel vm4, $0x0, v63;
	v40 =	vsel vm5, $0x0, v63;
	v41 =	vsel vm6, $0x0, v63  }
0x11a: {  	v44 =	vsel vm7, $0x0, v63;
	v46 =	vsel vm8, $0x0, v63;
	v47 =	vsel vm9, $0x0, v63  }
0x11b: {  	v50 =	vsel vm10, $0x0, v63;
	v52 =	vsel vm11, $0x0, v63;
	vm12 =	veq.s32 v51, $0x0  }
0x11c: {  	vm13 =	veq.s32 v55, $0x0;
	v11 =	vadd.f32 v11, v62;
	v13 =	vadd.f32 v32, v62  }
0x11d: {  	vm14 =	veq.s32 v56, $0x0;
	v12 =	vadd.f32 v34, v62;
	v14 =	vadd.f32 v35, v62  }
0x11e: {  	vm15 =	veq.s32 v17, $0x0;
	v21 =	vadd.f32 v38, v62;
	v20 =	vadd.f32 v40, v62  }
0x11f: {  	vm4 =	veq.s32 v61, $0x0;
	v22 =	vadd.f32 v41, v62;
	v24 =	vadd.f32 v44, v62  }
0x120: {  	vm9 =	veq.s32 v36, $0x0;
	v23 =	vadd.f32 v46, v62;
	v25 =	vadd.f32 v47, v62  }
0x121: {  	v61 =	vand.u32 $0x4, v16;
	v27 =	vadd.f32 v50, v62;
	v53 =	vadd.f32 v52, v62  }
0x122: {  	v54 =	vsel vm12, $0x0, v63;
	v57 =	vsel vm13, $0x0, v63;
	v59 =	vsel vm14, $0x0, v63  }
0x123: {  	v19 =	vsel vm15, $0x0, v63;
	v30 =	vsel vm4, $0x0, v10;
	v63 =	vand.u32 $0x4, v15  }
0x124: {  	v34 =	vand.u32 $0x8, v15;
	v35 =	vand.u32 $0x10, v15;
	v39 =	vsel vm9, $0x0, v10  }
0x125: {  	v40 =	vand.u32 $0x40, v15;
	v41 =	vand.u32 $0x80, v15;
	vm12 =	veq.s32 v42, $0x0  }
0x126: {  	v46 =	vand.u32 $0x200, v15;
	v47 =	vand.u32 $0x400, v15;
	vm15 =	veq.s32 v48, $0x0  }
0x127: {  	v52 =	vand.u32 $0x1000, v15;
	v28 =	vadd.f32 v54, v62;
	v58 =	vadd.f32 v57, v62  }
0x128: {  	v60 =	vadd.f32 v59, v62;
	v18 =	vadd.f32 v19, v62;
	v62 =	vand.u32 $0x2, v15  }
0x129: {  	vm6 =	veq.s32 v63, $0x0;
	vm7 =	veq.s32 v34, $0x0;
	vm8 =	veq.s32 v35, $0x0  }
0x12a: {  	vm10 =	veq.s32 v40, $0x0;
	vm11 =	veq.s32 v41, $0x0;
	v45 =	vsel vm12, $0x0, v10  }
0x12b: {  	vm13 =	veq.s32 v46, $0x0;
	vm14 =	veq.s32 v47, $0x0;
	v51 =	vsel vm15, $0x0, v10  }
0x12c: {  	vm4 =	veq.s32 v52, $0x0;
	v54 =	vand.u32 $0x4000, v15;
	v59 =	vand.u32 $0x2, v16  }
0x12d: {  	v63 =	vand.u32 $0x10, v16;
	vm5 =	veq.s32 v62, $0x0;
	v11 =	vadd.f32 v11, v30  }
0x12e: {  	v9 =	vld.idx.msk [tilespmem:v9+s23+$0x0], $0xffff;
	v19 =	vsel vm6, $0x0, v10;
	v30 =	vsel vm7, $0x0, v10;
	v37 =	vsel vm8, $0x0, v10  }
0x12f: {  	v20 =	vadd.f32 v20, v39;
	v43 =	vsel vm11, $0x0, v10;
	v23 =	vadd.f32 v23, v45  }
0x130: {  	v49 =	vsel vm14, $0x0, v10;
	v26 =	vadd.f32 v53, v51;
	v53 =	vand.u32 $0x2000, v15  }
0x131: {  	vm6 =	veq.s32 v54, $0x0;
	v15 =	vand.u32 $0x8000, v15;
	vm9 =	veq.s32 v59, $0x0  }
0x132: {  	v62 =	vand.u32 $0x8, v16;
	vm12 =	veq.s32 v63, $0x0;
	vm14 =	veq.s32 v31, $0x0  }
0x133: {  	v39 =	vand.u32 $0x400, v16;
	v45 =	vand.u32 $0x2000, v16;
	v51 =	vand.u32 $0x1, v9  }
0x134: {  	v54 =	vand.u32 $0x4, v9;
	v59 =	vand.u32 $0x10, v9;
	v12 =	vadd.f32 v12, v19  }
0x135: {  	v33 =	vsel vm5, $0x0, v10;
	v14 =	vadd.f32 v14, v30;
	v38 =	vadd.f32 v21, v37  }
0x136: {  	v30 =	vsel vm10, $0x0, v10;
	v44 =	vadd.f32 v24, v43;
	v50 =	vadd.f32 v27, v49  }
0x137: {  	v6 =	vld.idx.msk [tilespmem:v6+s23+$0x0], $0xffff;
	vm5 =	veq.s32 v53, $0x0;
	v57 =	vsel vm6, $0x0, v10;
	vm7 =	veq.s32 v15, $0x0  }
0x138: {  	v15 =	vsel vm9, $0x0, v8;
	vm10 =	veq.s32 v61, $0x0;
	vm11 =	veq.s32 v62, $0x0  }
0x139: {  	v34 =	vsel vm14, $0x0, v8;
	v37 =	vand.u32 $0x100, v16;
	vm6 =	veq.s32 v39, $0x0  }
0x13a: {  	v43 =	vand.u32 $0x800, v16;
	vm9 =	veq.s32 v45, $0x0;
	v49 =	vand.u32 $0x4000, v16  }
0x13b: {  	v53 =	vand.u32 $0x2, v9;
	vm14 =	veq.s32 v54, $0x0;
	v61 =	vand.u32 $0x40, v9  }
0x13c: {  	v45 =	vand.u32 $0x1, v6;
	v13 =	vadd.f32 v13, v33;
	v22 =	vadd.f32 v22, v30  }
0x13d: {  	v30 =	vsel vm13, $0x0, v10;
	v55 =	vsel vm5, $0x0, v10;
	v17 =	vadd.f32 v60, v57  }
0x13e: {  	v29 =	vsel vm11, $0x0, v8;
	v33 =	vand.u32 $0x80, v16;
	v42 =	vsel vm6, $0x0, v8  }
0x13f: {  	v48 =	vsel vm9, $0x0, v8;
	vm6 =	veq.s32 v61, $0x0;
	v25 =	vadd.f32 v25, v30  }
0x140: {  	v30 =	vsel vm4, $0x0, v10;
	v56 =	vadd.f32 v58, v55;
	v58 =	vand.u32 $0x1, v16  }
0x141: {  	v10 =	vsel vm7, $0x0, v10;
	v14 =	vadd.f32 v14, v29;
	vm15 =	veq.s32 v33, $0x0  }
0x142: {  	vm4 =	veq.s32 v37, $0x0;
	vm7 =	veq.s32 v43, $0x0;
	v55 =	vand.u32 $0x8, v9  }
0x143: {  	v27 =	vsel vm6, $0x0, v7;
	v29 =	vand.u32 $0x100, v9;
	v28 =	vadd.f32 v28, v30  }
0x144: {  	vm8 =	veq.s32 v58, $0x0;
	v10 =	vadd.f32 v18, v10;
	v13 =	vadd.f32 v13, v15  }
0x145: {  	v18 =	vsel vm10, $0x0, v8;
	v15 =	vsel vm12, $0x0, v8;
	v30 =	vand.u32 $0x20, v16  }
0x146: {  	v35 =	vadd.f32 v22, v34;
	v36 =	vsel vm15, $0x0, v8;
	v22 =	vsel vm4, $0x0, v8  }
0x147: {  	vm10 =	veq.s32 v49, $0x0;
	vm12 =	veq.s32 v51, $0x0;
	vm15 =	veq.s32 v55, $0x0  }
0x148: {  	vm4 =	veq.s32 v59, $0x0;
	v34 =	vand.u32 $0x400, v9;
	v51 =	vand.u32 $0x8, v6  }
0x149: {  	v59 =	vand.u32 $0x100, v6;
	v60 =	vsel vm8, $0x0, v8;
	v12 =	vadd.f32 v12, v18  }
0x14a: {  	v15 =	vadd.f32 v38, v15;
	vm13 =	veq.s32 v30, $0x0;
	v38 =	vand.u32 $0x200, v16  }
0x14b: {  	v22 =	vadd.f32 v23, v22;
	v23 =	vadd.f32 v50, v42;
	v50 =	vsel vm10, $0x0, v8  }
0x14c: {  	v52 =	vsel vm12, $0x0, v7;
	v58 =	vsel vm15, $0x0, v7;
	v30 =	vand.u32 $0x200, v9  }
0x14d: {  	vm10 =	veq.s32 v34, $0x0;
	v11 =	vadd.f32 v11, v60;
	v32 =	vsel vm13, $0x0, v8  }
0x14e: {  	vm5 =	veq.s32 v38, $0x0;
	v17 =	vadd.f32 v17, v50;
	vm13 =	veq.s32 v53, $0x0  }
0x14f: {  	v60 =	vand.u32 $0x20, v9;
	vm9 =	veq.s32 v30, $0x0;
	v53 =	vand.u32 $0x20, v6  }
0x150: {  	v30 =	vand.u32 $0x1000, v6;
	v19 =	vadd.f32 v20, v32;
	v20 =	vadd.f32 v44, v36  }
0x151: {  	v4 =	vld.idx.msk [tilespmem:v4+s23+$0x0], $0xffff;
	v40 =	vsel vm5, $0x0, v8;
	v44 =	vand.u32 $0x1000, v16;
	v16 =	vand.u32 $0x8000, v16  }
0x152: {  	vm5 =	veq.s32 v60, $0x0;
	v33 =	vsel vm9, $0x0, v7;
	v36 =	vand.u32 $0x1000, v9  }
0x153: {  	vm9 =	veq.s32 v53, $0x0;
	v41 =	vadd.f32 v25, v40;
	v25 =	vsel vm7, $0x0, v8  }
0x154: {  	vm8 =	veq.s32 v44, $0x0;
	vm11 =	veq.s32 v16, $0x0;
	v16 =	vsel vm13, $0x0, v7  }
0x155: {  	v62 =	vsel vm5, $0x0, v7;
	vm12 =	veq.s32 v36, $0x0;
	v40 =	vand.u32 $0x2000, v9  }
0x156: {  	v36 =	vand.u32 $0x1, v4;
	v25 =	vadd.f32 v26, v25;
	v46 =	vsel vm8, $0x0, v8  }
0x157: {  	v26 =	vadd.f32 v56, v48;
	v8 =	vsel vm11, $0x0, v8;
	v13 =	vadd.f32 v13, v16  }
0x158: {  	v56 =	vsel vm14, $0x0, v7;
	v16 =	vsel vm4, $0x0, v7;
	v63 =	vadd.f32 v19, v62  }
0x159: {  	vm8 =	veq.s32 v29, $0x0;
	v39 =	vsel vm12, $0x0, v7;
	vm13 =	veq.s32 v40, $0x0  }
0x15a: {  	vm4 =	veq.s32 v45, $0x0;
	v47 =	vadd.f32 v28, v46;
	v8 =	vadd.f32 v10, v8  }
0x15b: {  	vm12 =	veq.s32 v59, $0x0;
	v10 =	vadd.f32 v11, v52;
	v57 =	vadd.f32 v12, v56  }
0x15c: {  	v12 =	vadd.f32 v14, v58;
	v15 =	vadd.f32 v15, v16;
	v28 =	vand.u32 $0x80, v9  }
0x15d: {  	v16 =	vadd.f32 v35, v27;
	v31 =	vsel vm8, $0x0, v7;
	v35 =	vand.u32 $0x800, v9  }
0x15e: {  	v46 =	vand.u32 $0x2, v6;
	v52 =	vand.u32 $0x10, v6;
	v56 =	vsel vm9, $0x0, v5  }
0x15f: {  	v58 =	vand.u32 $0x80, v6;
	v62 =	vsel vm12, $0x0, v5;
	vm7 =	veq.s32 v28, $0x0  }
0x160: {  	v32 =	vadd.f32 v22, v31;
	v22 =	vsel vm10, $0x0, v7;
	vm11 =	veq.s32 v35, $0x0  }
0x161: {  	vm5 =	veq.s32 v46, $0x0;
	vm8 =	veq.s32 v52, $0x0;
	v14 =	vadd.f32 v63, v56  }
0x162: {  	v2 =	vld.idx.msk [tilespmem:v2+s23+$0x0], $0xffff;
	v63 =	vand.u32 $0x200, v6;
	v31 =	vand.u32 $0x2000, v6;
	v56 =	vand.u32 $0x400, v4  }
0x163: {  	v19 =	vsel vm7, $0x0, v7;
	v22 =	vadd.f32 v23, v22;
	v37 =	vsel vm11, $0x0, v7  }
0x164: {  	v23 =	vadd.f32 v47, v39;
	v47 =	vand.u32 $0x4, v6;
	v48 =	vsel vm5, $0x0, v5  }
0x165: {  	vm7 =	veq.s32 v51, $0x0;
	v54 =	vsel vm8, $0x0, v5;
	vm11 =	veq.s32 v58, $0x0  }
0x166: {  	vm5 =	veq.s32 v31, $0x0;
	vm8 =	veq.s32 v36, $0x0;
	v19 =	vadd.f32 v20, v19  }
0x167: {  	v36 =	vand.u32 $0x10, v2;
	v20 =	vadd.f32 v41, v33;
	v38 =	vadd.f32 v25, v37  }
0x168: {  	v41 =	vand.u32 $0x4000, v9;
	v25 =	vsel vm13, $0x0, v7;
	v9 =	vand.u32 $0x8000, v9  }
0x169: {  	vm6 =	veq.s32 v47, $0x0;
	v49 =	vadd.f32 v13, v48;
	v55 =	vadd.f32 v15, v54  }
0x16a: {  	v60 =	vsel vm11, $0x0, v5;
	vm13 =	veq.s32 v63, $0x0;
	v33 =	vsel vm5, $0x0, v5  }
0x16b: {  	v37 =	vand.u32 $0x2, v4;
	v47 =	vand.u32 $0x20, v4;
	v48 =	vand.u32 $0x40, v4  }
0x16c: {  	v54 =	vand.u32 $0x100, v4;
	vm14 =	veq.s32 v41, $0x0;
	v42 =	vadd.f32 v26, v25  }
0x16d: {  	vm15 =	veq.s32 v9, $0x0;
	v50 =	vsel vm6, $0x0, v5;
	v25 =	vand.u32 $0x400, v6  }
0x16e: {  	v26 =	vand.u32 $0x800, v6;
	vm9 =	veq.s32 v37, $0x0;
	v41 =	vand.u32 $0x4, v4  }
0x16f: {  	v37 =	vand.u32 $0x20, v2;
	v43 =	vsel vm14, $0x0, v7;
	v7 =	vsel vm15, $0x0, v7  }
0x170: {  	v11 =	vadd.f32 v57, v50;
	v57 =	vand.u32 $0x40, v6;
	v61 =	vadd.f32 v19, v60  }
0x171: {  	v19 =	vsel vm13, $0x0, v5;
	vm14 =	veq.s32 v25, $0x0;
	vm15 =	veq.s32 v26, $0x0  }
0x172: {  	v40 =	vsel vm9, $0x0, v3;
	vm13 =	veq.s32 v47, $0x0;
	v50 =	vand.u32 $0x80, v4  }
0x173: {  	v60 =	vand.u32 $0x800, v4;
	v26 =	vand.u32 $0x4000, v4;
	v44 =	vadd.f32 v17, v43  }
0x174: {  	v7 =	vadd.f32 v8, v7;
	v17 =	vsel vm4, $0x0, v5;
	vm10 =	veq.s32 v57, $0x0  }
0x175: {  	v19 =	vadd.f32 v20, v19;
	v27 =	vsel vm14, $0x0, v5;
	v29 =	vsel vm15, $0x0, v5  }
0x176: {  	vm4 =	veq.s32 v30, $0x0;
	v34 =	vadd.f32 v42, v33;
	v42 =	vand.u32 $0x8, v4  }
0x177: {  	v43 =	vand.u32 $0x10, v4;
	vm14 =	veq.s32 v48, $0x0;
	vm15 =	veq.s32 v50, $0x0  }
0x178: {  	v30 =	vand.u32 $0x4, v2;
	v50 =	vand.u32 $0x400, v2;
	v10 =	vadd.f32 v10, v17  }
0x179: {  	v17 =	vsel vm7, $0x0, v5;
	v28 =	vadd.f32 v22, v27;
	v20 =	vadd.f32 v38, v29  }
0x17a: {  	v22 =	vsel vm4, $0x0, v5;
	v38 =	vsel vm8, $0x0, v3;
	vm11 =	veq.s32 v42, $0x0  }
0x17b: {  	vm12 =	veq.s32 v43, $0x0;
	v51 =	vsel vm14, $0x0, v3;
	v53 =	vsel vm15, $0x0, v3  }
0x17c: {  	vm4 =	veq.s32 v54, $0x0;
	v29 =	vand.u32 $0x2, v2;
	vm14 =	veq.s32 v30, $0x0  }
0x17d: {  	v42 =	vand.u32 $0x80, v2;
	v12 =	vadd.f32 v12, v17;
	v17 =	vsel vm10, $0x0, v5  }
0x17e: {  	v22 =	vadd.f32 v23, v22;
	vm10 =	veq.s32 v41, $0x0;
	v46 =	vsel vm12, $0x0, v3  }
0x17f: {  	v33 =	vsel vm14, $0x0, v1;
	v16 =	vadd.f32 v16, v17;
	v17 =	vadd.f32 v32, v62  }
0x180: {  	v32 =	vand.u32 $0x4000, v6;
	v6 =	vand.u32 $0x8000, v6;
	v39 =	vadd.f32 v10, v38  }
0x181: {  	v10 =	vsel vm10, $0x0, v3;
	v62 =	vand.u32 $0x2000, v4;
	vm10 =	veq.s32 v26, $0x0  }
0x182: {  	v38 =	vand.u32 $0x40, v2;
	vm6 =	veq.s32 v32, $0x0;
	vm7 =	veq.s32 v6, $0x0  }
0x183: {  	v10 =	vadd.f32 v11, v10;
	v11 =	vadd.f32 v55, v46;
	v55 =	vand.u32 $0x200, v4  }
0x184: {  	vm9 =	veq.s32 v62, $0x0;
	v27 =	vsel vm10, $0x0, v3;
	v32 =	vand.u32 $0x8, v2  }
0x185: {  	v46 =	vand.u32 $0x200, v2;
	vm10 =	veq.s32 v50, $0x0;
	v35 =	vsel vm6, $0x0, v5  }
0x186: {  	v5 =	vsel vm7, $0x0, v5;
	v52 =	vadd.f32 v16, v51;
	v16 =	vsel vm4, $0x0, v3  }
0x187: {  	vm5 =	veq.s32 v55, $0x0;
	vm6 =	veq.s32 v56, $0x0;
	vm7 =	veq.s32 v60, $0x0  }
0x188: {  	v25 =	vsel vm9, $0x0, v3;
	vm15 =	veq.s32 v32, $0x0;
	vm4 =	veq.s32 v36, $0x0  }
0x189: {  	vm9 =	veq.s32 v46, $0x0;
	v51 =	vand.u32 $0x800, v2;
	v9 =	vadd.f32 v44, v35  }
0x18a: {  	v60 =	vand.u32 $0x4000, v2;
	v5 =	vadd.f32 v7, v5;
	v7 =	vadd.f32 v49, v40  }
0x18b: {  	v44 =	vsel vm11, $0x0, v3;
	v49 =	vsel vm13, $0x0, v3;
	v16 =	vadd.f32 v17, v16  }
0x18c: {  	v57 =	vsel vm5, $0x0, v3;
	v59 =	vsel vm6, $0x0, v3;
	vm13 =	veq.s32 v29, $0x0  }
0x18d: {  	v35 =	vsel vm15, $0x0, v1;
	vm5 =	veq.s32 v37, $0x0;
	v45 =	vadd.f32 v12, v44  }
0x18e: {  	vm6 =	veq.s32 v38, $0x0;
	v13 =	vadd.f32 v14, v49;
	v14 =	vadd.f32 v61, v53  }
0x18f: {  	vm14 =	veq.s32 v60, $0x0;
	v58 =	vadd.f32 v19, v57;
	v17 =	vadd.f32 v28, v59  }
0x190: {  	v61 =	vand.u32 $0x1000, v4;
	v19 =	vsel vm7, $0x0, v3;
	v4 =	vand.u32 $0x8000, v4  }
0x191: {  	v28 =	vand.u32 $0x1, v2;
	v31 =	vsel vm13, $0x0, v1;
	v41 =	vsel vm6, $0x0, v1  }
0x192: {  	vm7 =	veq.s32 v42, $0x0;
	v44 =	vand.u32 $0x100, v2;
	v49 =	vsel vm9, $0x0, v1  }
0x193: {  	v53 =	vand.u32 $0x1000, v2;
	v19 =	vadd.f32 v20, v19;
	v6 =	vadd.f32 v7, v31  }
0x194: {  	vm8 =	veq.s32 v61, $0x0;
	v20 =	vadd.f32 v34, v25;
	v34 =	vadd.f32 v10, v33  }
0x195: {  	vm11 =	veq.s32 v4, $0x0;
	v9 =	vadd.f32 v9, v27;
	v43 =	vadd.f32 v52, v41;
	[tilespmem:s17+$0xFFFFF210] =	vst v6  }
0x196: {  	vm12 =	veq.s32 v28, $0x0;
	v10 =	vsel vm4, $0x0, v1;
	v7 =	vadd.f32 v45, v35;
	[tilespmem:s17+$0xFFFFF410] =	vst v34  }
0x197: {  	v52 =	vsel vm10, $0x0, v1;
	v63 =	vsel vm8, $0x0, v3;
	v10 =	vadd.f32 v11, v10;
	[tilespmem:s17+$0xFFFFFC10] =	vst v43  }
0x198: {  	v3 =	vsel vm11, $0x0, v3;
	v4 =	vsel vm12, $0x0, v1;
	v54 =	vadd.f32 v17, v52;
	[tilespmem:s17+$0xFFFFF610] =	vst v7  }
0x199: {  	v45 =	vsel vm7, $0x0, v1;
	vm8 =	veq.s32 v44, $0x0;
	v4 =	vadd.f32 v39, v4;
	[tilespmem:s17+$0xFFFFF810] =	vst v10  }
0x19a: {  	vm11 =	veq.s32 v51, $0x0;
	v39 =	vsel vm5, $0x0, v1;
	v47 =	vadd.f32 v14, v45;
	[tilespmem:s17+$0x410] =	vst v54  }
0x19b: {  	v24 =	vadd.f32 v22, v63;
	v48 =	vsel vm8, $0x0, v1;
	v40 =	vadd.f32 v13, v39;
	[tilespmem:s17+$0xFFFFF010] =	vst v4  }
0x19c: {  	vm12 =	veq.s32 v53, $0x0;
	v3 =	vadd.f32 v5, v3;
	v6 =	vadd.f32 v16, v48;
	[tilespmem:s17+$0xFFFFFE10] =	vst v47  }
0x19d: {  	v55 =	vsel vm11, $0x0, v1;
	v57 =	vsel vm12, $0x0, v1;
	v7 =	vadd.f32 v58, v49;
	[tilespmem:s17+$0xFFFFFA10] =	vst v40  }
0x19e: {  	s24 =	sadd.s32 $0x2, s24;
	v63 =	vsel vm14, $0x0, v1;
	v56 =	vadd.f32 v19, v55;
	v58 =	vand.u32 $0x2000, v2;
	[tilespmem:s17+$0x10] =	vst v6  }
0x19f: {  	p1 =	slt.u32 s24, $0x1E;
	v2 =	vand.u32 $0x8000, v2;
	v59 =	vadd.f32 v24, v57;
	vm13 =	veq.s32 v58, $0x0;
	[tilespmem:s17+$0x210] =	vst v7  }
.Ltmp0:
0x1a0: {  	vm15 =	veq.s32 v2, $0x0;
	v2 =	vadd.f32 v9, v63;
	v61 =	vsel vm13, $0x0, v1;
	[tilespmem:s17+$0x610] =	vst v56;
	(pc) =	sbr.rel @p1 .LBB2_3-.Ltmp0, $4  }
0x1a1: {  	v1 =	vsel vm15, $0x0, v1;
	v62 =	vadd.f32 v20, v61;
	[tilespmem:s17+$0x810] =	vst v59  }
0x1a2: {  	v1 =	vadd.f32 v3, v1;
	[tilespmem:s17+$0xC10] =	vst v2  }
0x1a3: {  	[tilespmem:s17+$0xA10] =	vst v62  }
0x1a4: {  	s19 =	sadd.s32 $0x20, s19;
	[tilespmem:s17+$0xE10] =	vst v1;
	s17 =	sadd.s32 $0x20, s17  }
0x1a5: {  	p1 =	sne.s32 s18, $0x19  }
.Ltmp1:
0x1a6: {  	s17 =	sshll.u32 s20, $0x10;
	(pc) =	sbr.rel @p1 .LBB2_2-.Ltmp1, $4  }
0x1a7: {  	s17 =	sadd.s32 s17, s21  }
0x1a8: {  	s17 =	sshrl.u32 s17, $0x3  }
0x1a9: {  	s16 =	sadd.s32 $0x5, s16;
	p0 =	por !p0, !p0;
	s17 =	sadd.s32 s6, s17  }
0x1aa: {  	[hbm4b:s17+s11] =	stream.strided.scatter [tilespmem:s22], [sflag:s16], $0x2000, s12, s11, $0x38;
	[tilespmem:$0x6200] =	vst v63  }
0x1ab: {  	s15 =	sadd.s32 $0x1, s15  }
0x1ac: {  	_ =	swait.ge [sflag:s13], $0x2000;
	p0 =	sne.s32 s15, s9  }
.Ltmp2:
0x1ad: {  	[sflag:s13] =	ssyncset.done $0x0;
	(pc) =	sbr.rel @p0 .LBB2_1-.Ltmp2, $4  }
0x1ae: {  	[sflag:s13] =	ssyncadd.s32 $0xFFFFE000  }
0x1af: {  	_ =	swait.ge [sflag:s14], $0x2000  }
0x1b0: {  	[sflag:s14] =	ssyncset.done $0x0  }
0x1b1: {  	[sflag:s14] =	ssyncadd.s32 $0xFFFFE000  }
0x1b2: {  	_ =	sfence.sel $0x180000  }
0x1b3: {  	[bflag:$0x0] =	sbarrier.arrive $0xFFFF  }
0x1b4: {  	p0 =	sne.s32 s0, $0x0;
	_ =	strace $0x90000047  }
0x1b5: {  	s0 =	sadd.s32 @!p0 $0x100000, s1;
	[bflag:$0x2] =	sbarrier.arrive $0xFFFF  }
0x1b6: {  	[sflag:s0] =	ssyncadd.tile.s32 @!p0 $0x1;
	_ =	shalt  }
.Lfunc_end2:
_tile_overlayer_lowered:
.L_overlay_start_2:
0x1b7: {  	(tag) =	ssettag $0x2  }
0x1b8: {  	s0 =	rddreg [dreg:$0x0];
	s2 =	stileid.u32  }
0x1b9: {  	s1 =	rddreg [dreg:$0x1];
	p0 =	sne.s32 s2, $0x0  }
0x1ba: {  	s3 =	rddreg [dreg:$0x2];
	[bflag:$0x3] =	sbarrier.arrive $0xFFFF;
	s2 =	simm.s32 @!p0 $0x1C07  }
0x1bb: {  	[timem:s3], [sflag:s2] =	dma.local @!p0 [hbm:s0], s1  }
0x1bc: {  	s0 =	simm.s32 @!p0 $0x7  }
0x1bd: {  	_ =	swait.ge @!p0 [sflag:s0], s1  }
0x1be: {  	s1 =	ssub.s32 @!p0 $0x0, s1;
	[sflag:s0] =	ssyncset.done @!p0 $0x0  }
0x1bf: {  	[sflag:s0] =	ssyncadd.s32 @!p0 s1  }
0x1c0: {  	[bflag:$0x3] =	sbarrier.arrive $0xFFFF  }
0x1c1: {  	_ =	shalt  }

</sc_bundles>
